<compile_context>
chip_gen: v7x
topology: tpu7x:2x2x1
jax: 0.10.2.dev20260603
libtpu: 0.0.44.dev20260713+nightly
codegen_flags: <defaults>
</compile_context>

<pallas_src>
import functools

import jax
import jax.numpy as jnp
from jax import lax
from jax.experimental import pallas as pl
from jax.experimental.pallas import tpu as pltpu
from jax.experimental.pallas import tpu_sc as plsc

VOCAB = 1000000
DIM = 64
PDIM = 128
NB = 4096
NL = 200

NC = 2
NS = 16
NW = NC * NS
CHUNK = 128
LH = NL // 8
NBUF = 8
DIST = 4


def _make_gather():
  mesh = plsc.VectorSubcoreMesh(core_axis_name="c", subcore_axis_name="s")

  @functools.partial(
      pl.kernel,
      mesh=mesh,
      out_type=jax.ShapeDtypeStruct((NB, NL, PDIM), jnp.float32),
      scratch_types=[
          pltpu.VMEM((LH, 8, CHUNK), jnp.int32),
          pltpu.VMEM((NBUF, CHUNK, DIM), jnp.float32),
      ] + [pltpu.SemaphoreType.DMA] * (2 * NBUF),
      compiler_params=pltpu.CompilerParams(
          use_tc_tiling_on_sc=False, needs_layout_passes=False),
  )
  def k(idx_hbm, table_hbm, out_hbm, idx_v, emb_v, *sems):
    gsem = sems[:NBUF]
    wsem = sems[NBUF:]
    bh = lax.axis_index("s") * NC + lax.axis_index("c")
    base = bh * CHUNK
    pltpu.sync_copy(idx_hbm.at[:, bh], idx_v)

    def dbl_body(lh2, carry):
      for ll in range(8):
        for kk in range(8):
          s = idx_v[lh2, ll, pl.ds(kk * 16, 16)]
          idx_v[lh2, ll, pl.ds(kk * 16, 16)] = s + s
      return carry

    lax.fori_loop(0, LH, dbl_body, 0)

    def gather(lh, ll, b):
      pltpu.async_copy(table_hbm.at[idx_v.at[lh, ll]], emb_v.at[b], gsem[b])

    def wait_gather(b):
      pltpu.make_async_copy(
          table_hbm.at[idx_v.at[0, 0]], emb_v.at[b], gsem[b]).wait()

    def put(l, b):
      pltpu.async_copy(
          emb_v.at[b],
          out_hbm.at[pl.ds(base, CHUNK), l, pl.ds(0, DIM)], wsem[b])

    def wait_put(b):
      pltpu.make_async_copy(
          emb_v.at[b],
          out_hbm.at[pl.ds(base, CHUNK), 0, pl.ds(0, DIM)], wsem[b]).wait()

    for ll in range(DIST):
      gather(0, ll, ll)

    def lh_body(lh, carry):
      for ll in range(8):
        lb = ll % NBUF
        l = lh * 8 + ll
        wait_gather(lb)
        put(l, lb)
        nlb = (lb + DIST) % NBUF
        if ll < 8 - DIST:

          @pl.when(lh > 0)
          def _():
            wait_put(nlb)

          gather(lh, ll + DIST, nlb)
        else:

          @pl.when(lh < LH - 1)
          def _():
            wait_put(nlb)
            gather(lh + 1, ll + DIST - 8, nlb)

      return carry

    lax.fori_loop(0, LH, lh_body, 0)

    for b in range(NBUF):
      wait_put(b)

  return k


_gather = _make_gather()


def kernel(input_ids, table):
  idx = (input_ids.astype(jnp.int32)
         .reshape(NW, CHUNK, LH, 8).transpose(2, 0, 3, 1))
  tableP = jnp.pad(table, ((0, 0), (0, PDIM - DIM))).reshape(2 * VOCAB, DIM)
  outP = _gather(idx, tableP)
  return outP[:, :, :DIM]

# --- scband reference (transcript-rebuilt; emitter-appended) ---
"""Pipeline reference for scband-self-check-eagle-model-85993835200645 (READ-ONLY COPY).

The authoritative reference and input builder live on the scoring server;
editing this copy changes nothing except your own understanding.
"""

import jax, jax.numpy as jnp
import numpy as np

VOCAB = 1000000
DIM = 64
B = 4096
L = 200


def setup_inputs(seed: int = 0) -> dict:
    key = jax.random.key(seed)
    k1, k2 = jax.random.split(key)
    input_ids = jax.random.randint(k1, (B, L), 0, VOCAB)
    table = jax.random.normal(k2, (VOCAB, DIM), dtype=jnp.float32) * 0.02
    return {"input_ids": input_ids, "table": table}


def reference(input_ids, table):
    # _SelfCheckEagleModel wraps _SelfCheckLanguageModel whose core op is an
    # embedding lookup: language_model.get_input_embeddings()(input_ids).
    # mlp1 is Identity and use_pixel_shuffle is False, so forward reduces to
    # a pure table gather.
    return jnp.take(table, input_ids, axis=0)

if __name__ == "__main__":
    import jax
    _d = setup_inputs()
    print(jax.jit(kernel)(*tuple(_d.values())))

</pallas_src>

<mosaic_0001>
#map = affine_map<(d0, d1) -> (0, 0, 0, 0)>
#map1 = affine_map<(d0, d1) -> (0, 0)>
#map2 = affine_map<(d0, d1) -> (0, 0, 0)>
module attributes {stable_mosaic.version = 14 : i64} {
  func.func @k(%arg0: i32, %arg1: i32, %arg2: memref<25x32x8x128xi32, #tpu.memory_space<hbm>>, %arg3: memref<2000000x64xf32, #tpu.memory_space<hbm>>, %arg4: memref<4096x200x128xf32, #tpu.memory_space<hbm>>, %arg5: memref<25x8x128xi32, #tpu.memory_space<vmem>>, %arg6: memref<8x128x64xf32, #tpu.memory_space<vmem>>, %arg7: memref<!tpu.dma_semaphore, #tpu.memory_space<semaphore_mem>>, %arg8: memref<!tpu.dma_semaphore, #tpu.memory_space<semaphore_mem>>, %arg9: memref<!tpu.dma_semaphore, #tpu.memory_space<semaphore_mem>>, %arg10: memref<!tpu.dma_semaphore, #tpu.memory_space<semaphore_mem>>, %arg11: memref<!tpu.dma_semaphore, #tpu.memory_space<semaphore_mem>>, %arg12: memref<!tpu.dma_semaphore, #tpu.memory_space<semaphore_mem>>, %arg13: memref<!tpu.dma_semaphore, #tpu.memory_space<semaphore_mem>>, %arg14: memref<!tpu.dma_semaphore, #tpu.memory_space<semaphore_mem>>, %arg15: memref<!tpu.dma_semaphore, #tpu.memory_space<semaphore_mem>>, %arg16: memref<!tpu.dma_semaphore, #tpu.memory_space<semaphore_mem>>, %arg17: memref<!tpu.dma_semaphore, #tpu.memory_space<semaphore_mem>>, %arg18: memref<!tpu.dma_semaphore, #tpu.memory_space<semaphore_mem>>, %arg19: memref<!tpu.dma_semaphore, #tpu.memory_space<semaphore_mem>>, %arg20: memref<!tpu.dma_semaphore, #tpu.memory_space<semaphore_mem>>, %arg21: memref<!tpu.dma_semaphore, #tpu.memory_space<semaphore_mem>>, %arg22: memref<!tpu.dma_semaphore, #tpu.memory_space<semaphore_mem>>) attributes {dimension_semantics = [#tpu.dimension_semantics<core_parallel>, #tpu.dimension_semantics<subcore_parallel>], iteration_bounds = array<i64: 2, 16>, scalar_prefetch = 0 : i64, scratch_operands = 18 : i64, tpu.core_type = #tpu.core_type<sc_vector_subcore>, window_params = [{transform_indices = #map}, {transform_indices = #map1}, {transform_indices = #map2}]} {
    %mul3A = arith.constant 2 : i32
    %mul3A_0 = arith.muli %arg1, %mul3A : i32
    %add3A = arith.addi %mul3A_0, %arg0 : i32
    %mul3A_1 = arith.constant 128 : i32
    %mul3A_2 = arith.muli %add3A, %mul3A_1 : i32
    "tpu.region"() ({
      %run_scoped3A = tpu.sem_alloc : memref<!tpu.dma_semaphore, #tpu.memory_space<semaphore_mem>>
      %dma_start3A_192 = arith.constant 0 : i32
      %dma_start3A_193 = arith.constant 0 : i32
      %dma_start3A_194 = arith.constant 0 : i32
      %dma_start3A_195 = tpu.memref_slice %arg2[%dma_start3A_192, %add3A, %dma_start3A_193, %dma_start3A_194] : memref<25x32x8x128xi32, #tpu.memory_space<hbm>> -> memref<25x1x8x128xi32, #tpu.memory_space<hbm>>
      %dma_start3A_196 = tpu.memref_squeeze %dma_start3A_195 : memref<25x1x8x128xi32, #tpu.memory_space<hbm>> -> memref<25x8x128xi32, #tpu.memory_space<hbm>>
      %dma_start3A_197 = arith.constant 0 : i32
      %dma_start3A_198 = arith.constant 0 : i32
      %dma_start3A_199 = arith.constant 0 : i32
      %dma_start3A_200 = tpu.memref_slice %arg2[%dma_start3A_197, %add3A, %dma_start3A_198, %dma_start3A_199] : memref<25x32x8x128xi32, #tpu.memory_space<hbm>> -> memref<25x1x8x128xi32, #tpu.memory_space<hbm>>
      %dma_start3A_201 = tpu.memref_squeeze %dma_start3A_200 : memref<25x1x8x128xi32, #tpu.memory_space<hbm>> -> memref<25x8x128xi32, #tpu.memory_space<hbm>>
      tpu.enqueue_dma source(%dma_start3A_201 : memref<25x8x128xi32, #tpu.memory_space<hbm>>) target(%arg5 : memref<25x8x128xi32, #tpu.memory_space<vmem>>) target_semaphore(%run_scoped3A : memref<!tpu.dma_semaphore, #tpu.memory_space<semaphore_mem>>)
      %dma_wait3A_202 = arith.constant 0 : i32
      %dma_wait3A_203 = arith.constant 0 : i32
      %dma_wait3A_204 = arith.constant 0 : i32
      %dma_wait3A_205 = tpu.memref_slice %arg2[%dma_wait3A_202, %add3A, %dma_wait3A_203, %dma_wait3A_204] : memref<25x32x8x128xi32, #tpu.memory_space<hbm>> -> memref<25x1x8x128xi32, #tpu.memory_space<hbm>>
      %dma_wait3A_206 = tpu.memref_squeeze %dma_wait3A_205 : memref<25x1x8x128xi32, #tpu.memory_space<hbm>> -> memref<25x8x128xi32, #tpu.memory_space<hbm>>
      %dma_wait3A_207 = arith.constant 0 : i32
      %dma_wait3A_208 = arith.constant 0 : i32
      %dma_wait3A_209 = arith.constant 0 : i32
      %dma_wait3A_210 = tpu.memref_slice %arg2[%dma_wait3A_207, %add3A, %dma_wait3A_208, %dma_wait3A_209] : memref<25x32x8x128xi32, #tpu.memory_space<hbm>> -> memref<25x1x8x128xi32, #tpu.memory_space<hbm>>
      %dma_wait3A_211 = tpu.memref_squeeze %dma_wait3A_210 : memref<25x1x8x128xi32, #tpu.memory_space<hbm>> -> memref<25x8x128xi32, #tpu.memory_space<hbm>>
      tpu.wait_dma2 semaphore(%run_scoped3A : memref<!tpu.dma_semaphore, #tpu.memory_space<semaphore_mem>>) src(%dma_wait3A_211 : memref<25x8x128xi32, #tpu.memory_space<hbm>>) dst(%arg5 : memref<25x8x128xi32, #tpu.memory_space<vmem>>)
      tpu.yield
    }) : () -> ()
    %scan3A = arith.constant 0 : i32
    %scan3A_3 = arith.constant 0 : i32
    %scan3A_4 = arith.constant 25 : i32
    %scan3A_5 = arith.addi %scan3A_3, %scan3A_4 : i32
    %scan3A_6 = arith.constant 1 : i32
    scf.for %scan3A_192 = %scan3A_3 to %scan3A_5 step %scan3A_6  : i32 {
      %get3A = arith.constant 0 : i32
      %get3A_193 = arith.index_cast %scan3A_192 : i32 to index
      %get3A_194 = arith.index_cast %get3A : i32 to index
      %get3A_195 = arith.constant 0 : index
      %get3A_196 = tpu.vector_load %arg5[%get3A_193, %get3A_194, %get3A_195] {strides = array<i32>} : memref<25x8x128xi32, #tpu.memory_space<vmem>>, vector<16xi32>,
      %add3A_197 = arith.addi %get3A_196, %get3A_196 : vector<16xi32>
      %swap3A = arith.constant 0 : i32
      %swap3A_198 = arith.index_cast %scan3A_192 : i32 to index
      %swap3A_199 = arith.index_cast %swap3A : i32 to index
      %swap3A_200 = arith.constant 0 : index
      %swap3A_201 = tpu.vector_load %arg5[%swap3A_198, %swap3A_199, %swap3A_200] {strides = array<i32>} : memref<25x8x128xi32, #tpu.memory_space<vmem>>, vector<16xi32>,
      tpu.vector_store %arg5[%swap3A_198, %swap3A_199, %swap3A_200], %add3A_197 {strides = array<i32>} : memref<25x8x128xi32, #tpu.memory_space<vmem>>, vector<16xi32>,
      %get3A_202 = arith.constant 0 : i32
      %get3A_203 = arith.index_cast %scan3A_192 : i32 to index
      %get3A_204 = arith.index_cast %get3A_202 : i32 to index
      %get3A_205 = arith.constant 16 : index
      %get3A_206 = tpu.vector_load %arg5[%get3A_203, %get3A_204, %get3A_205] {strides = array<i32>} : memref<25x8x128xi32, #tpu.memory_space<vmem>>, vector<16xi32>,
      %add3A_207 = arith.addi %get3A_206, %get3A_206 : vector<16xi32>
      %swap3A_208 = arith.constant 0 : i32
      %swap3A_209 = arith.index_cast %scan3A_192 : i32 to index
      %swap3A_210 = arith.index_cast %swap3A_208 : i32 to index
      %swap3A_211 = arith.constant 16 : index
      %swap3A_212 = tpu.vector_load %arg5[%swap3A_209, %swap3A_210, %swap3A_211] {strides = array<i32>} : memref<25x8x128xi32, #tpu.memory_space<vmem>>, vector<16xi32>,
      tpu.vector_store %arg5[%swap3A_209, %swap3A_210, %swap3A_211], %add3A_207 {strides = array<i32>} : memref<25x8x128xi32, #tpu.memory_space<vmem>>, vector<16xi32>,
      %get3A_213 = arith.constant 0 : i32
      %get3A_214 = arith.index_cast %scan3A_192 : i32 to index
      %get3A_215 = arith.index_cast %get3A_213 : i32 to index
      %get3A_216 = arith.constant 32 : index
      %get3A_217 = tpu.vector_load %arg5[%get3A_214, %get3A_215, %get3A_216] {strides = array<i32>} : memref<25x8x128xi32, #tpu.memory_space<vmem>>, vector<16xi32>,
      %add3A_218 = arith.addi %get3A_217, %get3A_217 : vector<16xi32>
      %swap3A_219 = arith.constant 0 : i32
      %swap3A_220 = arith.index_cast %scan3A_192 : i32 to index
      %swap3A_221 = arith.index_cast %swap3A_219 : i32 to index
      %swap3A_222 = arith.constant 32 : index
      %swap3A_223 = tpu.vector_load %arg5[%swap3A_220, %swap3A_221, %swap3A_222] {strides = array<i32>} : memref<25x8x128xi32, #tpu.memory_space<vmem>>, vector<16xi32>,
      tpu.vector_store %arg5[%swap3A_220, %swap3A_221, %swap3A_222], %add3A_218 {strides = array<i32>} : memref<25x8x128xi32, #tpu.memory_space<vmem>>, vector<16xi32>,
      %get3A_224 = arith.constant 0 : i32
      %get3A_225 = arith.index_cast %scan3A_192 : i32 to index
      %get3A_226 = arith.index_cast %get3A_224 : i32 to index
      %get3A_227 = arith.constant 48 : index
      %get3A_228 = tpu.vector_load %arg5[%get3A_225, %get3A_226, %get3A_227] {strides = array<i32>} : memref<25x8x128xi32, #tpu.memory_space<vmem>>, vector<16xi32>,
      %add3A_229 = arith.addi %get3A_228, %get3A_228 : vector<16xi32>
      %swap3A_230 = arith.constant 0 : i32
      %swap3A_231 = arith.index_cast %scan3A_192 : i32 to index
      %swap3A_232 = arith.index_cast %swap3A_230 : i32 to index
      %swap3A_233 = arith.constant 48 : index
      %swap3A_234 = tpu.vector_load %arg5[%swap3A_231, %swap3A_232, %swap3A_233] {strides = array<i32>} : memref<25x8x128xi32, #tpu.memory_space<vmem>>, vector<16xi32>,
      tpu.vector_store %arg5[%swap3A_231, %swap3A_232, %swap3A_233], %add3A_229 {strides = array<i32>} : memref<25x8x128xi32, #tpu.memory_space<vmem>>, vector<16xi32>,
      %get3A_235 = arith.constant 0 : i32
      %get3A_236 = arith.index_cast %scan3A_192 : i32 to index
      %get3A_237 = arith.index_cast %get3A_235 : i32 to index
      %get3A_238 = arith.constant 64 : index
      %get3A_239 = tpu.vector_load %arg5[%get3A_236, %get3A_237, %get3A_238] {strides = array<i32>} : memref<25x8x128xi32, #tpu.memory_space<vmem>>, vector<16xi32>,
      %add3A_240 = arith.addi %get3A_239, %get3A_239 : vector<16xi32>
      %swap3A_241 = arith.constant 0 : i32
      %swap3A_242 = arith.index_cast %scan3A_192 : i32 to index
      %swap3A_243 = arith.index_cast %swap3A_241 : i32 to index
      %swap3A_244 = arith.constant 64 : index
      %swap3A_245 = tpu.vector_load %arg5[%swap3A_242, %swap3A_243, %swap3A_244] {strides = array<i32>} : memref<25x8x128xi32, #tpu.memory_space<vmem>>, vector<16xi32>,
      tpu.vector_store %arg5[%swap3A_242, %swap3A_243, %swap3A_244], %add3A_240 {strides = array<i32>} : memref<25x8x128xi32, #tpu.memory_space<vmem>>, vector<16xi32>,
      %get3A_246 = arith.constant 0 : i32
      %get3A_247 = arith.index_cast %scan3A_192 : i32 to index
      %get3A_248 = arith.index_cast %get3A_246 : i32 to index
      %get3A_249 = arith.constant 80 : index
      %get3A_250 = tpu.vector_load %arg5[%get3A_247, %get3A_248, %get3A_249] {strides = array<i32>} : memref<25x8x128xi32, #tpu.memory_space<vmem>>, vector<16xi32>,
      %add3A_251 = arith.addi %get3A_250, %get3A_250 : vector<16xi32>
      %swap3A_252 = arith.constant 0 : i32
      %swap3A_253 = arith.index_cast %scan3A_192 : i32 to index
      %swap3A_254 = arith.index_cast %swap3A_252 : i32 to index
      %swap3A_255 = arith.constant 80 : index
      %swap3A_256 = tpu.vector_load %arg5[%swap3A_253, %swap3A_254, %swap3A_255] {strides = array<i32>} : memref<25x8x128xi32, #tpu.memory_space<vmem>>, vector<16xi32>,
      tpu.vector_store %arg5[%swap3A_253, %swap3A_254, %swap3A_255], %add3A_251 {strides = array<i32>} : memref<25x8x128xi32, #tpu.memory_space<vmem>>, vector<16xi32>,
      %get3A_257 = arith.constant 0 : i32
      %get3A_258 = arith.index_cast %scan3A_192 : i32 to index
      %get3A_259 = arith.index_cast %get3A_257 : i32 to index
      %get3A_260 = arith.constant 96 : index
      %get3A_261 = tpu.vector_load %arg5[%get3A_258, %get3A_259, %get3A_260] {strides = array<i32>} : memref<25x8x128xi32, #tpu.memory_space<vmem>>, vector<16xi32>,
      %add3A_262 = arith.addi %get3A_261, %get3A_261 : vector<16xi32>
      %swap3A_263 = arith.constant 0 : i32
      %swap3A_264 = arith.index_cast %scan3A_192 : i32 to index
      %swap3A_265 = arith.index_cast %swap3A_263 : i32 to index
      %swap3A_266 = arith.constant 96 : index
      %swap3A_267 = tpu.vector_load %arg5[%swap3A_264, %swap3A_265, %swap3A_266] {strides = array<i32>} : memref<25x8x128xi32, #tpu.memory_space<vmem>>, vector<16xi32>,
      tpu.vector_store %arg5[%swap3A_264, %swap3A_265, %swap3A_266], %add3A_262 {strides = array<i32>} : memref<25x8x128xi32, #tpu.memory_space<vmem>>, vector<16xi32>,
      %get3A_268 = arith.constant 0 : i32
      %get3A_269 = arith.index_cast %scan3A_192 : i32 to index
      %get3A_270 = arith.index_cast %get3A_268 : i32 to index
      %get3A_271 = arith.constant 112 : index
      %get3A_272 = tpu.vector_load %arg5[%get3A_269, %get3A_270, %get3A_271] {strides = array<i32>} : memref<25x8x128xi32, #tpu.memory_space<vmem>>, vector<16xi32>,
      %add3A_273 = arith.addi %get3A_272, %get3A_272 : vector<16xi32>
      %swap3A_274 = arith.constant 0 : i32
      %swap3A_275 = arith.index_cast %scan3A_192 : i32 to index
      %swap3A_276 = arith.index_cast %swap3A_274 : i32 to index
      %swap3A_277 = arith.constant 112 : index
      %swap3A_278 = tpu.vector_load %arg5[%swap3A_275, %swap3A_276, %swap3A_277] {strides = array<i32>} : memref<25x8x128xi32, #tpu.memory_space<vmem>>, vector<16xi32>,
      tpu.vector_store %arg5[%swap3A_275, %swap3A_276, %swap3A_277], %add3A_273 {strides = array<i32>} : memref<25x8x128xi32, #tpu.memory_space<vmem>>, vector<16xi32>,
      %get3A_279 = arith.constant 1 : i32
      %get3A_280 = arith.index_cast %scan3A_192 : i32 to index
      %get3A_281 = arith.index_cast %get3A_279 : i32 to index
      %get3A_282 = arith.constant 0 : index
      %get3A_283 = tpu.vector_load %arg5[%get3A_280, %get3A_281, %get3A_282] {strides = array<i32>} : memref<25x8x128xi32, #tpu.memory_space<vmem>>, vector<16xi32>,
      %add3A_284 = arith.addi %get3A_283, %get3A_283 : vector<16xi32>
      %swap3A_285 = arith.constant 1 : i32
      %swap3A_286 = arith.index_cast %scan3A_192 : i32 to index
      %swap3A_287 = arith.index_cast %swap3A_285 : i32 to index
      %swap3A_288 = arith.constant 0 : index
      %swap3A_289 = tpu.vector_load %arg5[%swap3A_286, %swap3A_287, %swap3A_288] {strides = array<i32>} : memref<25x8x128xi32, #tpu.memory_space<vmem>>, vector<16xi32>,
      tpu.vector_store %arg5[%swap3A_286, %swap3A_287, %swap3A_288], %add3A_284 {strides = array<i32>} : memref<25x8x128xi32, #tpu.memory_space<vmem>>, vector<16xi32>,
      %get3A_290 = arith.constant 1 : i32
      %get3A_291 = arith.index_cast %scan3A_192 : i32 to index
      %get3A_292 = arith.index_cast %get3A_290 : i32 to index
      %get3A_293 = arith.constant 16 : index
      %get3A_294 = tpu.vector_load %arg5[%get3A_291, %get3A_292, %get3A_293] {strides = array<i32>} : memref<25x8x128xi32, #tpu.memory_space<vmem>>, vector<16xi32>,
      %add3A_295 = arith.addi %get3A_294, %get3A_294 : vector<16xi32>
      %swap3A_296 = arith.constant 1 : i32
      %swap3A_297 = arith.index_cast %scan3A_192 : i32 to index
      %swap3A_298 = arith.index_cast %swap3A_296 : i32 to index
      %swap3A_299 = arith.constant 16 : index
      %swap3A_300 = tpu.vector_load %arg5[%swap3A_297, %swap3A_298, %swap3A_299] {strides = array<i32>} : memref<25x8x128xi32, #tpu.memory_space<vmem>>, vector<16xi32>,
      tpu.vector_store %arg5[%swap3A_297, %swap3A_298, %swap3A_299], %add3A_295 {strides = array<i32>} : memref<25x8x128xi32, #tpu.memory_space<vmem>>, vector<16xi32>,
      %get3A_301 = arith.constant 1 : i32
      %get3A_302 = arith.index_cast %scan3A_192 : i32 to index
      %get3A_303 = arith.index_cast %get3A_301 : i32 to index
      %get3A_304 = arith.constant 32 : index
      %get3A_305 = tpu.vector_load %arg5[%get3A_302, %get3A_303, %get3A_304] {strides = array<i32>} : memref<25x8x128xi32, #tpu.memory_space<vmem>>, vector<16xi32>,
      %add3A_306 = arith.addi %get3A_305, %get3A_305 : vector<16xi32>
      %swap3A_307 = arith.constant 1 : i32
      %swap3A_308 = arith.index_cast %scan3A_192 : i32 to index
      %swap3A_309 = arith.index_cast %swap3A_307 : i32 to index
      %swap3A_310 = arith.constant 32 : index
      %swap3A_311 = tpu.vector_load %arg5[%swap3A_308, %swap3A_309, %swap3A_310] {strides = array<i32>} : memref<25x8x128xi32, #tpu.memory_space<vmem>>, vector<16xi32>,
      tpu.vector_store %arg5[%swap3A_308, %swap3A_309, %swap3A_310], %add3A_306 {strides = array<i32>} : memref<25x8x128xi32, #tpu.memory_space<vmem>>, vector<16xi32>,
      %get3A_312 = arith.constant 1 : i32
      %get3A_313 = arith.index_cast %scan3A_192 : i32 to index
      %get3A_314 = arith.index_cast %get3A_312 : i32 to index
      %get3A_315 = arith.constant 48 : index
      %get3A_316 = tpu.vector_load %arg5[%get3A_313, %get3A_314, %get3A_315] {strides = array<i32>} : memref<25x8x128xi32, #tpu.memory_space<vmem>>, vector<16xi32>,
      %add3A_317 = arith.addi %get3A_316, %get3A_316 : vector<16xi32>
      %swap3A_318 = arith.constant 1 : i32
      %swap3A_319 = arith.index_cast %scan3A_192 : i32 to index
      %swap3A_320 = arith.index_cast %swap3A_318 : i32 to index
      %swap3A_321 = arith.constant 48 : index
      %swap3A_322 = tpu.vector_load %arg5[%swap3A_319, %swap3A_320, %swap3A_321] {strides = array<i32>} : memref<25x8x128xi32, #tpu.memory_space<vmem>>, vector<16xi32>,
      tpu.vector_store %arg5[%swap3A_319, %swap3A_320, %swap3A_321], %add3A_317 {strides = array<i32>} : memref<25x8x128xi32, #tpu.memory_space<vmem>>, vector<16xi32>,
      %get3A_323 = arith.constant 1 : i32
      %get3A_324 = arith.index_cast %scan3A_192 : i32 to index
      %get3A_325 = arith.index_cast %get3A_323 : i32 to index
      %get3A_326 = arith.constant 64 : index
      %get3A_327 = tpu.vector_load %arg5[%get3A_324, %get3A_325, %get3A_326] {strides = array<i32>} : memref<25x8x128xi32, #tpu.memory_space<vmem>>, vector<16xi32>,
      %add3A_328 = arith.addi %get3A_327, %get3A_327 : vector<16xi32>
      %swap3A_329 = arith.constant 1 : i32
      %swap3A_330 = arith.index_cast %scan3A_192 : i32 to index
      %swap3A_331 = arith.index_cast %swap3A_329 : i32 to index
      %swap3A_332 = arith.constant 64 : index
      %swap3A_333 = tpu.vector_load %arg5[%swap3A_330, %swap3A_331, %swap3A_332] {strides = array<i32>} : memref<25x8x128xi32, #tpu.memory_space<vmem>>, vector<16xi32>,
      tpu.vector_store %arg5[%swap3A_330, %swap3A_331, %swap3A_332], %add3A_328 {strides = array<i32>} : memref<25x8x128xi32, #tpu.memory_space<vmem>>, vector<16xi32>,
      %get3A_334 = arith.constant 1 : i32
      %get3A_335 = arith.index_cast %scan3A_192 : i32 to index
      %get3A_336 = arith.index_cast %get3A_334 : i32 to index
      %get3A_337 = arith.constant 80 : index
      %get3A_338 = tpu.vector_load %arg5[%get3A_335, %get3A_336, %get3A_337] {strides = array<i32>} : memref<25x8x128xi32, #tpu.memory_space<vmem>>, vector<16xi32>,
      %add3A_339 = arith.addi %get3A_338, %get3A_338 : vector<16xi32>
      %swap3A_340 = arith.constant 1 : i32
      %swap3A_341 = arith.index_cast %scan3A_192 : i32 to index
      %swap3A_342 = arith.index_cast %swap3A_340 : i32 to index
      %swap3A_343 = arith.constant 80 : index
      %swap3A_344 = tpu.vector_load %arg5[%swap3A_341, %swap3A_342, %swap3A_343] {strides = array<i32>} : memref<25x8x128xi32, #tpu.memory_space<vmem>>, vector<16xi32>,
      tpu.vector_store %arg5[%swap3A_341, %swap3A_342, %swap3A_343], %add3A_339 {strides = array<i32>} : memref<25x8x128xi32, #tpu.memory_space<vmem>>, vector<16xi32>,
      %get3A_345 = arith.constant 1 : i32
      %get3A_346 = arith.index_cast %scan3A_192 : i32 to index
      %get3A_347 = arith.index_cast %get3A_345 : i32 to index
      %get3A_348 = arith.constant 96 : index
      %get3A_349 = tpu.vector_load %arg5[%get3A_346, %get3A_347, %get3A_348] {strides = array<i32>} : memref<25x8x128xi32, #tpu.memory_space<vmem>>, vector<16xi32>,
      %add3A_350 = arith.addi %get3A_349, %get3A_349 : vector<16xi32>
      %swap3A_351 = arith.constant 1 : i32
      %swap3A_352 = arith.index_cast %scan3A_192 : i32 to index
      %swap3A_353 = arith.index_cast %swap3A_351 : i32 to index
      %swap3A_354 = arith.constant 96 : index
      %swap3A_355 = tpu.vector_load %arg5[%swap3A_352, %swap3A_353, %swap3A_354] {strides = array<i32>} : memref<25x8x128xi32, #tpu.memory_space<vmem>>, vector<16xi32>,
      tpu.vector_store %arg5[%swap3A_352, %swap3A_353, %swap3A_354], %add3A_350 {strides = array<i32>} : memref<25x8x128xi32, #tpu.memory_space<vmem>>, vector<16xi32>,
      %get3A_356 = arith.constant 1 : i32
      %get3A_357 = arith.index_cast %scan3A_192 : i32 to index
      %get3A_358 = arith.index_cast %get3A_356 : i32 to index
      %get3A_359 = arith.constant 112 : index
      %get3A_360 = tpu.vector_load %arg5[%get3A_357, %get3A_358, %get3A_359] {strides = array<i32>} : memref<25x8x128xi32, #tpu.memory_space<vmem>>, vector<16xi32>,
      %add3A_361 = arith.addi %get3A_360, %get3A_360 : vector<16xi32>
      %swap3A_362 = arith.constant 1 : i32
      %swap3A_363 = arith.index_cast %scan3A_192 : i32 to index
      %swap3A_364 = arith.index_cast %swap3A_362 : i32 to index
      %swap3A_365 = arith.constant 112 : index
      %swap3A_366 = tpu.vector_load %arg5[%swap3A_363, %swap3A_364, %swap3A_365] {strides = array<i32>} : memref<25x8x128xi32, #tpu.memory_space<vmem>>, vector<16xi32>,
      tpu.vector_store %arg5[%swap3A_363, %swap3A_364, %swap3A_365], %add3A_361 {strides = array<i32>} : memref<25x8x128xi32, #tpu.memory_space<vmem>>, vector<16xi32>,
      %get3A_367 = arith.constant 2 : i32
      %get3A_368 = arith.index_cast %scan3A_192 : i32 to index
      %get3A_369 = arith.index_cast %get3A_367 : i32 to index
      %get3A_370 = arith.constant 0 : index
      %get3A_371 = tpu.vector_load %arg5[%get3A_368, %get3A_369, %get3A_370] {strides = array<i32>} : memref<25x8x128xi32, #tpu.memory_space<vmem>>, vector<16xi32>,
      %add3A_372 = arith.addi %get3A_371, %get3A_371 : vector<16xi32>
      %swap3A_373 = arith.constant 2 : i32
      %swap3A_374 = arith.index_cast %scan3A_192 : i32 to index
      %swap3A_375 = arith.index_cast %swap3A_373 : i32 to index
      %swap3A_376 = arith.constant 0 : index
      %swap3A_377 = tpu.vector_load %arg5[%swap3A_374, %swap3A_375, %swap3A_376] {strides = array<i32>} : memref<25x8x128xi32, #tpu.memory_space<vmem>>, vector<16xi32>,
      tpu.vector_store %arg5[%swap3A_374, %swap3A_375, %swap3A_376], %add3A_372 {strides = array<i32>} : memref<25x8x128xi32, #tpu.memory_space<vmem>>, vector<16xi32>,
      %get3A_378 = arith.constant 2 : i32
      %get3A_379 = arith.index_cast %scan3A_192 : i32 to index
      %get3A_380 = arith.index_cast %get3A_378 : i32 to index
      %get3A_381 = arith.constant 16 : index
      %get3A_382 = tpu.vector_load %arg5[%get3A_379, %get3A_380, %get3A_381] {strides = array<i32>} : memref<25x8x128xi32, #tpu.memory_space<vmem>>, vector<16xi32>,
      %add3A_383 = arith.addi %get3A_382, %get3A_382 : vector<16xi32>
      %swap3A_384 = arith.constant 2 : i32
      %swap3A_385 = arith.index_cast %scan3A_192 : i32 to index
      %swap3A_386 = arith.index_cast %swap3A_384 : i32 to index
      %swap3A_387 = arith.constant 16 : index
      %swap3A_388 = tpu.vector_load %arg5[%swap3A_385, %swap3A_386, %swap3A_387] {strides = array<i32>} : memref<25x8x128xi32, #tpu.memory_space<vmem>>, vector<16xi32>,
      tpu.vector_store %arg5[%swap3A_385, %swap3A_386, %swap3A_387], %add3A_383 {strides = array<i32>} : memref<25x8x128xi32, #tpu.memory_space<vmem>>, vector<16xi32>,
      %get3A_389 = arith.constant 2 : i32
      %get3A_390 = arith.index_cast %scan3A_192 : i32 to index
      %get3A_391 = arith.index_cast %get3A_389 : i32 to index
      %get3A_392 = arith.constant 32 : index
      %get3A_393 = tpu.vector_load %arg5[%get3A_390, %get3A_391, %get3A_392] {strides = array<i32>} : memref<25x8x128xi32, #tpu.memory_space<vmem>>, vector<16xi32>,
      %add3A_394 = arith.addi %get3A_393, %get3A_393 : vector<16xi32>
      %swap3A_395 = arith.constant 2 : i32
      %swap3A_396 = arith.index_cast %scan3A_192 : i32 to index
      %swap3A_397 = arith.index_cast %swap3A_395 : i32 to index
      %swap3A_398 = arith.constant 32 : index
      %swap3A_399 = tpu.vector_load %arg5[%swap3A_396, %swap3A_397, %swap3A_398] {strides = array<i32>} : memref<25x8x128xi32, #tpu.memory_space<vmem>>, vector<16xi32>,
      tpu.vector_store %arg5[%swap3A_396, %swap3A_397, %swap3A_398], %add3A_394 {strides = array<i32>} : memref<25x8x128xi32, #tpu.memory_space<vmem>>, vector<16xi32>,
      %get3A_400 = arith.constant 2 : i32
      %get3A_401 = arith.index_cast %scan3A_192 : i32 to index
      %get3A_402 = arith.index_cast %get3A_400 : i32 to index
      %get3A_403 = arith.constant 48 : index
      %get3A_404 = tpu.vector_load %arg5[%get3A_401, %get3A_402, %get3A_403] {strides = array<i32>} : memref<25x8x128xi32, #tpu.memory_space<vmem>>, vector<16xi32>,
      %add3A_405 = arith.addi %get3A_404, %get3A_404 : vector<16xi32>
      %swap3A_406 = arith.constant 2 : i32
      %swap3A_407 = arith.index_cast %scan3A_192 : i32 to index
      %swap3A_408 = arith.index_cast %swap3A_406 : i32 to index
      %swap3A_409 = arith.constant 48 : index
      %swap3A_410 = tpu.vector_load %arg5[%swap3A_407, %swap3A_408, %swap3A_409] {strides = array<i32>} : memref<25x8x128xi32, #tpu.memory_space<vmem>>, vector<16xi32>,
      tpu.vector_store %arg5[%swap3A_407, %swap3A_408, %swap3A_409], %add3A_405 {strides = array<i32>} : memref<25x8x128xi32, #tpu.memory_space<vmem>>, vector<16xi32>,
      %get3A_411 = arith.constant 2 : i32
      %get3A_412 = arith.index_cast %scan3A_192 : i32 to index
      %get3A_413 = arith.index_cast %get3A_411 : i32 to index
      %get3A_414 = arith.constant 64 : index
      %get3A_415 = tpu.vector_load %arg5[%get3A_412, %get3A_413, %get3A_414] {strides = array<i32>} : memref<25x8x128xi32, #tpu.memory_space<vmem>>, vector<16xi32>,
      %add3A_416 = arith.addi %get3A_415, %get3A_415 : vector<16xi32>
      %swap3A_417 = arith.constant 2 : i32
      %swap3A_418 = arith.index_cast %scan3A_192 : i32 to index
      %swap3A_419 = arith.index_cast %swap3A_417 : i32 to index
      %swap3A_420 = arith.constant 64 : index
      %swap3A_421 = tpu.vector_load %arg5[%swap3A_418, %swap3A_419, %swap3A_420] {strides = array<i32>} : memref<25x8x128xi32, #tpu.memory_space<vmem>>, vector<16xi32>,
      tpu.vector_store %arg5[%swap3A_418, %swap3A_419, %swap3A_420], %add3A_416 {strides = array<i32>} : memref<25x8x128xi32, #tpu.memory_space<vmem>>, vector<16xi32>,
      %get3A_422 = arith.constant 2 : i32
      %get3A_423 = arith.index_cast %scan3A_192 : i32 to index
      %get3A_424 = arith.index_cast %get3A_422 : i32 to index
      %get3A_425 = arith.constant 80 : index
      %get3A_426 = tpu.vector_load %arg5[%get3A_423, %get3A_424, %get3A_425] {strides = array<i32>} : memref<25x8x128xi32, #tpu.memory_space<vmem>>, vector<16xi32>,
      %add3A_427 = arith.addi %get3A_426, %get3A_426 : vector<16xi32>
      %swap3A_428 = arith.constant 2 : i32
      %swap3A_429 = arith.index_cast %scan3A_192 : i32 to index
      %swap3A_430 = arith.index_cast %swap3A_428 : i32 to index
      %swap3A_431 = arith.constant 80 : index
      %swap3A_432 = tpu.vector_load %arg5[%swap3A_429, %swap3A_430, %swap3A_431] {strides = array<i32>} : memref<25x8x128xi32, #tpu.memory_space<vmem>>, vector<16xi32>,
      tpu.vector_store %arg5[%swap3A_429, %swap3A_430, %swap3A_431], %add3A_427 {strides = array<i32>} : memref<25x8x128xi32, #tpu.memory_space<vmem>>, vector<16xi32>,
      %get3A_433 = arith.constant 2 : i32
      %get3A_434 = arith.index_cast %scan3A_192 : i32 to index
      %get3A_435 = arith.index_cast %get3A_433 : i32 to index
      %get3A_436 = arith.constant 96 : index
      %get3A_437 = tpu.vector_load %arg5[%get3A_434, %get3A_435, %get3A_436] {strides = array<i32>} : memref<25x8x128xi32, #tpu.memory_space<vmem>>, vector<16xi32>,
      %add3A_438 = arith.addi %get3A_437, %get3A_437 : vector<16xi32>
      %swap3A_439 = arith.constant 2 : i32
      %swap3A_440 = arith.index_cast %scan3A_192 : i32 to index
      %swap3A_441 = arith.index_cast %swap3A_439 : i32 to index
      %swap3A_442 = arith.constant 96 : index
      %swap3A_443 = tpu.vector_load %arg5[%swap3A_440, %swap3A_441, %swap3A_442] {strides = array<i32>} : memref<25x8x128xi32, #tpu.memory_space<vmem>>, vector<16xi32>,
      tpu.vector_store %arg5[%swap3A_440, %swap3A_441, %swap3A_442], %add3A_438 {strides = array<i32>} : memref<25x8x128xi32, #tpu.memory_space<vmem>>, vector<16xi32>,
      %get3A_444 = arith.constant 2 : i32
      %get3A_445 = arith.index_cast %scan3A_192 : i32 to index
      %get3A_446 = arith.index_cast %get3A_444 : i32 to index
      %get3A_447 = arith.constant 112 : index
      %get3A_448 = tpu.vector_load %arg5[%get3A_445, %get3A_446, %get3A_447] {strides = array<i32>} : memref<25x8x128xi32, #tpu.memory_space<vmem>>, vector<16xi32>,
      %add3A_449 = arith.addi %get3A_448, %get3A_448 : vector<16xi32>
      %swap3A_450 = arith.constant 2 : i32
      %swap3A_451 = arith.index_cast %scan3A_192 : i32 to index
      %swap3A_452 = arith.index_cast %swap3A_450 : i32 to index
      %swap3A_453 = arith.constant 112 : index
      %swap3A_454 = tpu.vector_load %arg5[%swap3A_451, %swap3A_452, %swap3A_453] {strides = array<i32>} : memref<25x8x128xi32, #tpu.memory_space<vmem>>, vector<16xi32>,
      tpu.vector_store %arg5[%swap3A_451, %swap3A_452, %swap3A_453], %add3A_449 {strides = array<i32>} : memref<25x8x128xi32, #tpu.memory_space<vmem>>, vector<16xi32>,
      %get3A_455 = arith.constant 3 : i32
      %get3A_456 = arith.index_cast %scan3A_192 : i32 to index
      %get3A_457 = arith.index_cast %get3A_455 : i32 to index
      %get3A_458 = arith.constant 0 : index
      %get3A_459 = tpu.vector_load %arg5[%get3A_456, %get3A_457, %get3A_458] {strides = array<i32>} : memref<25x8x128xi32, #tpu.memory_space<vmem>>, vector<16xi32>,
      %add3A_460 = arith.addi %get3A_459, %get3A_459 : vector<16xi32>
      %swap3A_461 = arith.constant 3 : i32
      %swap3A_462 = arith.index_cast %scan3A_192 : i32 to index
      %swap3A_463 = arith.index_cast %swap3A_461 : i32 to index
      %swap3A_464 = arith.constant 0 : index
      %swap3A_465 = tpu.vector_load %arg5[%swap3A_462, %swap3A_463, %swap3A_464] {strides = array<i32>} : memref<25x8x128xi32, #tpu.memory_space<vmem>>, vector<16xi32>,
      tpu.vector_store %arg5[%swap3A_462, %swap3A_463, %swap3A_464], %add3A_460 {strides = array<i32>} : memref<25x8x128xi32, #tpu.memory_space<vmem>>, vector<16xi32>,
      %get3A_466 = arith.constant 3 : i32
      %get3A_467 = arith.index_cast %scan3A_192 : i32 to index
      %get3A_468 = arith.index_cast %get3A_466 : i32 to index
      %get3A_469 = arith.constant 16 : index
      %get3A_470 = tpu.vector_load %arg5[%get3A_467, %get3A_468, %get3A_469] {strides = array<i32>} : memref<25x8x128xi32, #tpu.memory_space<vmem>>, vector<16xi32>,
      %add3A_471 = arith.addi %get3A_470, %get3A_470 : vector<16xi32>
      %swap3A_472 = arith.constant 3 : i32
      %swap3A_473 = arith.index_cast %scan3A_192 : i32 to index
      %swap3A_474 = arith.index_cast %swap3A_472 : i32 to index
      %swap3A_475 = arith.constant 16 : index
      %swap3A_476 = tpu.vector_load %arg5[%swap3A_473, %swap3A_474, %swap3A_475] {strides = array<i32>} : memref<25x8x128xi32, #tpu.memory_space<vmem>>, vector<16xi32>,
      tpu.vector_store %arg5[%swap3A_473, %swap3A_474, %swap3A_475], %add3A_471 {strides = array<i32>} : memref<25x8x128xi32, #tpu.memory_space<vmem>>, vector<16xi32>,
      %get3A_477 = arith.constant 3 : i32
      %get3A_478 = arith.index_cast %scan3A_192 : i32 to index
      %get3A_479 = arith.index_cast %get3A_477 : i32 to index
      %get3A_480 = arith.constant 32 : index
      %get3A_481 = tpu.vector_load %arg5[%get3A_478, %get3A_479, %get3A_480] {strides = array<i32>} : memref<25x8x128xi32, #tpu.memory_space<vmem>>, vector<16xi32>,
      %add3A_482 = arith.addi %get3A_481, %get3A_481 : vector<16xi32>
      %swap3A_483 = arith.constant 3 : i32
      %swap3A_484 = arith.index_cast %scan3A_192 : i32 to index
      %swap3A_485 = arith.index_cast %swap3A_483 : i32 to index
      %swap3A_486 = arith.constant 32 : index
      %swap3A_487 = tpu.vector_load %arg5[%swap3A_484, %swap3A_485, %swap3A_486] {strides = array<i32>} : memref<25x8x128xi32, #tpu.memory_space<vmem>>, vector<16xi32>,
      tpu.vector_store %arg5[%swap3A_484, %swap3A_485, %swap3A_486], %add3A_482 {strides = array<i32>} : memref<25x8x128xi32, #tpu.memory_space<vmem>>, vector<16xi32>,
      %get3A_488 = arith.constant 3 : i32
      %get3A_489 = arith.index_cast %scan3A_192 : i32 to index
      %get3A_490 = arith.index_cast %get3A_488 : i32 to index
      %get3A_491 = arith.constant 48 : index
      %get3A_492 = tpu.vector_load %arg5[%get3A_489, %get3A_490, %get3A_491] {strides = array<i32>} : memref<25x8x128xi32, #tpu.memory_space<vmem>>, vector<16xi32>,
      %add3A_493 = arith.addi %get3A_492, %get3A_492 : vector<16xi32>
      %swap3A_494 = arith.constant 3 : i32
      %swap3A_495 = arith.index_cast %scan3A_192 : i32 to index
      %swap3A_496 = arith.index_cast %swap3A_494 : i32 to index
      %swap3A_497 = arith.constant 48 : index
      %swap3A_498 = tpu.vector_load %arg5[%swap3A_495, %swap3A_496, %swap3A_497] {strides = array<i32>} : memref<25x8x128xi32, #tpu.memory_space<vmem>>, vector<16xi32>,
      tpu.vector_store %arg5[%swap3A_495, %swap3A_496, %swap3A_497], %add3A_493 {strides = array<i32>} : memref<25x8x128xi32, #tpu.memory_space<vmem>>, vector<16xi32>,
      %get3A_499 = arith.constant 3 : i32
      %get3A_500 = arith.index_cast %scan3A_192 : i32 to index
      %get3A_501 = arith.index_cast %get3A_499 : i32 to index
      %get3A_502 = arith.constant 64 : index
      %get3A_503 = tpu.vector_load %arg5[%get3A_500, %get3A_501, %get3A_502] {strides = array<i32>} : memref<25x8x128xi32, #tpu.memory_space<vmem>>, vector<16xi32>,
      %add3A_504 = arith.addi %get3A_503, %get3A_503 : vector<16xi32>
      %swap3A_505 = arith.constant 3 : i32
      %swap3A_506 = arith.index_cast %scan3A_192 : i32 to index
      %swap3A_507 = arith.index_cast %swap3A_505 : i32 to index
      %swap3A_508 = arith.constant 64 : index
      %swap3A_509 = tpu.vector_load %arg5[%swap3A_506, %swap3A_507, %swap3A_508] {strides = array<i32>} : memref<25x8x128xi32, #tpu.memory_space<vmem>>, vector<16xi32>,
      tpu.vector_store %arg5[%swap3A_506, %swap3A_507, %swap3A_508], %add3A_504 {strides = array<i32>} : memref<25x8x128xi32, #tpu.memory_space<vmem>>, vector<16xi32>,
      %get3A_510 = arith.constant 3 : i32
      %get3A_511 = arith.index_cast %scan3A_192 : i32 to index
      %get3A_512 = arith.index_cast %get3A_510 : i32 to index
      %get3A_513 = arith.constant 80 : index
      %get3A_514 = tpu.vector_load %arg5[%get3A_511, %get3A_512, %get3A_513] {strides = array<i32>} : memref<25x8x128xi32, #tpu.memory_space<vmem>>, vector<16xi32>,
      %add3A_515 = arith.addi %get3A_514, %get3A_514 : vector<16xi32>
      %swap3A_516 = arith.constant 3 : i32
      %swap3A_517 = arith.index_cast %scan3A_192 : i32 to index
      %swap3A_518 = arith.index_cast %swap3A_516 : i32 to index
      %swap3A_519 = arith.constant 80 : index
      %swap3A_520 = tpu.vector_load %arg5[%swap3A_517, %swap3A_518, %swap3A_519] {strides = array<i32>} : memref<25x8x128xi32, #tpu.memory_space<vmem>>, vector<16xi32>,
      tpu.vector_store %arg5[%swap3A_517, %swap3A_518, %swap3A_519], %add3A_515 {strides = array<i32>} : memref<25x8x128xi32, #tpu.memory_space<vmem>>, vector<16xi32>,
      %get3A_521 = arith.constant 3 : i32
      %get3A_522 = arith.index_cast %scan3A_192 : i32 to index
      %get3A_523 = arith.index_cast %get3A_521 : i32 to index
      %get3A_524 = arith.constant 96 : index
      %get3A_525 = tpu.vector_load %arg5[%get3A_522, %get3A_523, %get3A_524] {strides = array<i32>} : memref<25x8x128xi32, #tpu.memory_space<vmem>>, vector<16xi32>,
      %add3A_526 = arith.addi %get3A_525, %get3A_525 : vector<16xi32>
      %swap3A_527 = arith.constant 3 : i32
      %swap3A_528 = arith.index_cast %scan3A_192 : i32 to index
      %swap3A_529 = arith.index_cast %swap3A_527 : i32 to index
      %swap3A_530 = arith.constant 96 : index
      %swap3A_531 = tpu.vector_load %arg5[%swap3A_528, %swap3A_529, %swap3A_530] {strides = array<i32>} : memref<25x8x128xi32, #tpu.memory_space<vmem>>, vector<16xi32>,
      tpu.vector_store %arg5[%swap3A_528, %swap3A_529, %swap3A_530], %add3A_526 {strides = array<i32>} : memref<25x8x128xi32, #tpu.memory_space<vmem>>, vector<16xi32>,
      %get3A_532 = arith.constant 3 : i32
      %get3A_533 = arith.index_cast %scan3A_192 : i32 to index
      %get3A_534 = arith.index_cast %get3A_532 : i32 to index
      %get3A_535 = arith.constant 112 : index
      %get3A_536 = tpu.vector_load %arg5[%get3A_533, %get3A_534, %get3A_535] {strides = array<i32>} : memref<25x8x128xi32, #tpu.memory_space<vmem>>, vector<16xi32>,
      %add3A_537 = arith.addi %get3A_536, %get3A_536 : vector<16xi32>
      %swap3A_538 = arith.constant 3 : i32
      %swap3A_539 = arith.index_cast %scan3A_192 : i32 to index
      %swap3A_540 = arith.index_cast %swap3A_538 : i32 to index
      %swap3A_541 = arith.constant 112 : index
      %swap3A_542 = tpu.vector_load %arg5[%swap3A_539, %swap3A_540, %swap3A_541] {strides = array<i32>} : memref<25x8x128xi32, #tpu.memory_space<vmem>>, vector<16xi32>,
      tpu.vector_store %arg5[%swap3A_539, %swap3A_540, %swap3A_541], %add3A_537 {strides = array<i32>} : memref<25x8x128xi32, #tpu.memory_space<vmem>>, vector<16xi32>,
      %get3A_543 = arith.constant 4 : i32
      %get3A_544 = arith.index_cast %scan3A_192 : i32 to index
      %get3A_545 = arith.index_cast %get3A_543 : i32 to index
      %get3A_546 = arith.constant 0 : index
      %get3A_547 = tpu.vector_load %arg5[%get3A_544, %get3A_545, %get3A_546] {strides = array<i32>} : memref<25x8x128xi32, #tpu.memory_space<vmem>>, vector<16xi32>,
      %add3A_548 = arith.addi %get3A_547, %get3A_547 : vector<16xi32>
      %swap3A_549 = arith.constant 4 : i32
      %swap3A_550 = arith.index_cast %scan3A_192 : i32 to index
      %swap3A_551 = arith.index_cast %swap3A_549 : i32 to index
      %swap3A_552 = arith.constant 0 : index
      %swap3A_553 = tpu.vector_load %arg5[%swap3A_550, %swap3A_551, %swap3A_552] {strides = array<i32>} : memref<25x8x128xi32, #tpu.memory_space<vmem>>, vector<16xi32>,
      tpu.vector_store %arg5[%swap3A_550, %swap3A_551, %swap3A_552], %add3A_548 {strides = array<i32>} : memref<25x8x128xi32, #tpu.memory_space<vmem>>, vector<16xi32>,
      %get3A_554 = arith.constant 4 : i32
      %get3A_555 = arith.index_cast %scan3A_192 : i32 to index
      %get3A_556 = arith.index_cast %get3A_554 : i32 to index
      %get3A_557 = arith.constant 16 : index
      %get3A_558 = tpu.vector_load %arg5[%get3A_555, %get3A_556, %get3A_557] {strides = array<i32>} : memref<25x8x128xi32, #tpu.memory_space<vmem>>, vector<16xi32>,
      %add3A_559 = arith.addi %get3A_558, %get3A_558 : vector<16xi32>
      %swap3A_560 = arith.constant 4 : i32
      %swap3A_561 = arith.index_cast %scan3A_192 : i32 to index
      %swap3A_562 = arith.index_cast %swap3A_560 : i32 to index
      %swap3A_563 = arith.constant 16 : index
      %swap3A_564 = tpu.vector_load %arg5[%swap3A_561, %swap3A_562, %swap3A_563] {strides = array<i32>} : memref<25x8x128xi32, #tpu.memory_space<vmem>>, vector<16xi32>,
      tpu.vector_store %arg5[%swap3A_561, %swap3A_562, %swap3A_563], %add3A_559 {strides = array<i32>} : memref<25x8x128xi32, #tpu.memory_space<vmem>>, vector<16xi32>,
      %get3A_565 = arith.constant 4 : i32
      %get3A_566 = arith.index_cast %scan3A_192 : i32 to index
      %get3A_567 = arith.index_cast %get3A_565 : i32 to index
      %get3A_568 = arith.constant 32 : index
      %get3A_569 = tpu.vector_load %arg5[%get3A_566, %get3A_567, %get3A_568] {strides = array<i32>} : memref<25x8x128xi32, #tpu.memory_space<vmem>>, vector<16xi32>,
      %add3A_570 = arith.addi %get3A_569, %get3A_569 : vector<16xi32>
      %swap3A_571 = arith.constant 4 : i32
      %swap3A_572 = arith.index_cast %scan3A_192 : i32 to index
      %swap3A_573 = arith.index_cast %swap3A_571 : i32 to index
      %swap3A_574 = arith.constant 32 : index
      %swap3A_575 = tpu.vector_load %arg5[%swap3A_572, %swap3A_573, %swap3A_574] {strides = array<i32>} : memref<25x8x128xi32, #tpu.memory_space<vmem>>, vector<16xi32>,
      tpu.vector_store %arg5[%swap3A_572, %swap3A_573, %swap3A_574], %add3A_570 {strides = array<i32>} : memref<25x8x128xi32, #tpu.memory_space<vmem>>, vector<16xi32>,
      %get3A_576 = arith.constant 4 : i32
      %get3A_577 = arith.index_cast %scan3A_192 : i32 to index
      %get3A_578 = arith.index_cast %get3A_576 : i32 to index
      %get3A_579 = arith.constant 48 : index
      %get3A_580 = tpu.vector_load %arg5[%get3A_577, %get3A_578, %get3A_579] {strides = array<i32>} : memref<25x8x128xi32, #tpu.memory_space<vmem>>, vector<16xi32>,
      %add3A_581 = arith.addi %get3A_580, %get3A_580 : vector<16xi32>
      %swap3A_582 = arith.constant 4 : i32
      %swap3A_583 = arith.index_cast %scan3A_192 : i32 to index
      %swap3A_584 = arith.index_cast %swap3A_582 : i32 to index
      %swap3A_585 = arith.constant 48 : index
      %swap3A_586 = tpu.vector_load %arg5[%swap3A_583, %swap3A_584, %swap3A_585] {strides = array<i32>} : memref<25x8x128xi32, #tpu.memory_space<vmem>>, vector<16xi32>,
      tpu.vector_store %arg5[%swap3A_583, %swap3A_584, %swap3A_585], %add3A_581 {strides = array<i32>} : memref<25x8x128xi32, #tpu.memory_space<vmem>>, vector<16xi32>,
      %get3A_587 = arith.constant 4 : i32
      %get3A_588 = arith.index_cast %scan3A_192 : i32 to index
      %get3A_589 = arith.index_cast %get3A_587 : i32 to index
      %get3A_590 = arith.constant 64 : index
      %get3A_591 = tpu.vector_load %arg5[%get3A_588, %get3A_589, %get3A_590] {strides = array<i32>} : memref<25x8x128xi32, #tpu.memory_space<vmem>>, vector<16xi32>,
      %add3A_592 = arith.addi %get3A_591, %get3A_591 : vector<16xi32>
      %swap3A_593 = arith.constant 4 : i32
      %swap3A_594 = arith.index_cast %scan3A_192 : i32 to index
      %swap3A_595 = arith.index_cast %swap3A_593 : i32 to index
      %swap3A_596 = arith.constant 64 : index
      %swap3A_597 = tpu.vector_load %arg5[%swap3A_594, %swap3A_595, %swap3A_596] {strides = array<i32>} : memref<25x8x128xi32, #tpu.memory_space<vmem>>, vector<16xi32>,
      tpu.vector_store %arg5[%swap3A_594, %swap3A_595, %swap3A_596], %add3A_592 {strides = array<i32>} : memref<25x8x128xi32, #tpu.memory_space<vmem>>, vector<16xi32>,
      %get3A_598 = arith.constant 4 : i32
      %get3A_599 = arith.index_cast %scan3A_192 : i32 to index
      %get3A_600 = arith.index_cast %get3A_598 : i32 to index
      %get3A_601 = arith.constant 80 : index
      %get3A_602 = tpu.vector_load %arg5[%get3A_599, %get3A_600, %get3A_601] {strides = array<i32>} : memref<25x8x128xi32, #tpu.memory_space<vmem>>, vector<16xi32>,
      %add3A_603 = arith.addi %get3A_602, %get3A_602 : vector<16xi32>
      %swap3A_604 = arith.constant 4 : i32
      %swap3A_605 = arith.index_cast %scan3A_192 : i32 to index
      %swap3A_606 = arith.index_cast %swap3A_604 : i32 to index
      %swap3A_607 = arith.constant 80 : index
      %swap3A_608 = tpu.vector_load %arg5[%swap3A_605, %swap3A_606, %swap3A_607] {strides = array<i32>} : memref<25x8x128xi32, #tpu.memory_space<vmem>>, vector<16xi32>,
      tpu.vector_store %arg5[%swap3A_605, %swap3A_606, %swap3A_607], %add3A_603 {strides = array<i32>} : memref<25x8x128xi32, #tpu.memory_space<vmem>>, vector<16xi32>,
      %get3A_609 = arith.constant 4 : i32
      %get3A_610 = arith.index_cast %scan3A_192 : i32 to index
      %get3A_611 = arith.index_cast %get3A_609 : i32 to index
      %get3A_612 = arith.constant 96 : index
      %get3A_613 = tpu.vector_load %arg5[%get3A_610, %get3A_611, %get3A_612] {strides = array<i32>} : memref<25x8x128xi32, #tpu.memory_space<vmem>>, vector<16xi32>,
      %add3A_614 = arith.addi %get3A_613, %get3A_613 : vector<16xi32>
      %swap3A_615 = arith.constant 4 : i32
      %swap3A_616 = arith.index_cast %scan3A_192 : i32 to index
      %swap3A_617 = arith.index_cast %swap3A_615 : i32 to index
      %swap3A_618 = arith.constant 96 : index
      %swap3A_619 = tpu.vector_load %arg5[%swap3A_616, %swap3A_617, %swap3A_618] {strides = array<i32>} : memref<25x8x128xi32, #tpu.memory_space<vmem>>, vector<16xi32>,
      tpu.vector_store %arg5[%swap3A_616, %swap3A_617, %swap3A_618], %add3A_614 {strides = array<i32>} : memref<25x8x128xi32, #tpu.memory_space<vmem>>, vector<16xi32>,
      %get3A_620 = arith.constant 4 : i32
      %get3A_621 = arith.index_cast %scan3A_192 : i32 to index
      %get3A_622 = arith.index_cast %get3A_620 : i32 to index
      %get3A_623 = arith.constant 112 : index
      %get3A_624 = tpu.vector_load %arg5[%get3A_621, %get3A_622, %get3A_623] {strides = array<i32>} : memref<25x8x128xi32, #tpu.memory_space<vmem>>, vector<16xi32>,
      %add3A_625 = arith.addi %get3A_624, %get3A_624 : vector<16xi32>
      %swap3A_626 = arith.constant 4 : i32
      %swap3A_627 = arith.index_cast %scan3A_192 : i32 to index
      %swap3A_628 = arith.index_cast %swap3A_626 : i32 to index
      %swap3A_629 = arith.constant 112 : index
      %swap3A_630 = tpu.vector_load %arg5[%swap3A_627, %swap3A_628, %swap3A_629] {strides = array<i32>} : memref<25x8x128xi32, #tpu.memory_space<vmem>>, vector<16xi32>,
      tpu.vector_store %arg5[%swap3A_627, %swap3A_628, %swap3A_629], %add3A_625 {strides = array<i32>} : memref<25x8x128xi32, #tpu.memory_space<vmem>>, vector<16xi32>,
      %get3A_631 = arith.constant 5 : i32
      %get3A_632 = arith.index_cast %scan3A_192 : i32 to index
      %get3A_633 = arith.index_cast %get3A_631 : i32 to index
      %get3A_634 = arith.constant 0 : index
      %get3A_635 = tpu.vector_load %arg5[%get3A_632, %get3A_633, %get3A_634] {strides = array<i32>} : memref<25x8x128xi32, #tpu.memory_space<vmem>>, vector<16xi32>,
      %add3A_636 = arith.addi %get3A_635, %get3A_635 : vector<16xi32>
      %swap3A_637 = arith.constant 5 : i32
      %swap3A_638 = arith.index_cast %scan3A_192 : i32 to index
      %swap3A_639 = arith.index_cast %swap3A_637 : i32 to index
      %swap3A_640 = arith.constant 0 : index
      %swap3A_641 = tpu.vector_load %arg5[%swap3A_638, %swap3A_639, %swap3A_640] {strides = array<i32>} : memref<25x8x128xi32, #tpu.memory_space<vmem>>, vector<16xi32>,
      tpu.vector_store %arg5[%swap3A_638, %swap3A_639, %swap3A_640], %add3A_636 {strides = array<i32>} : memref<25x8x128xi32, #tpu.memory_space<vmem>>, vector<16xi32>,
      %get3A_642 = arith.constant 5 : i32
      %get3A_643 = arith.index_cast %scan3A_192 : i32 to index
      %get3A_644 = arith.index_cast %get3A_642 : i32 to index
      %get3A_645 = arith.constant 16 : index
      %get3A_646 = tpu.vector_load %arg5[%get3A_643, %get3A_644, %get3A_645] {strides = array<i32>} : memref<25x8x128xi32, #tpu.memory_space<vmem>>, vector<16xi32>,
      %add3A_647 = arith.addi %get3A_646, %get3A_646 : vector<16xi32>
      %swap3A_648 = arith.constant 5 : i32
      %swap3A_649 = arith.index_cast %scan3A_192 : i32 to index
      %swap3A_650 = arith.index_cast %swap3A_648 : i32 to index
      %swap3A_651 = arith.constant 16 : index
      %swap3A_652 = tpu.vector_load %arg5[%swap3A_649, %swap3A_650, %swap3A_651] {strides = array<i32>} : memref<25x8x128xi32, #tpu.memory_space<vmem>>, vector<16xi32>,
      tpu.vector_store %arg5[%swap3A_649, %swap3A_650, %swap3A_651], %add3A_647 {strides = array<i32>} : memref<25x8x128xi32, #tpu.memory_space<vmem>>, vector<16xi32>,
      %get3A_653 = arith.constant 5 : i32
      %get3A_654 = arith.index_cast %scan3A_192 : i32 to index
      %get3A_655 = arith.index_cast %get3A_653 : i32 to index
      %get3A_656 = arith.constant 32 : index
      %get3A_657 = tpu.vector_load %arg5[%get3A_654, %get3A_655, %get3A_656] {strides = array<i32>} : memref<25x8x128xi32, #tpu.memory_space<vmem>>, vector<16xi32>,
      %add3A_658 = arith.addi %get3A_657, %get3A_657 : vector<16xi32>
      %swap3A_659 = arith.constant 5 : i32
      %swap3A_660 = arith.index_cast %scan3A_192 : i32 to index
      %swap3A_661 = arith.index_cast %swap3A_659 : i32 to index
      %swap3A_662 = arith.constant 32 : index
      %swap3A_663 = tpu.vector_load %arg5[%swap3A_660, %swap3A_661, %swap3A_662] {strides = array<i32>} : memref<25x8x128xi32, #tpu.memory_space<vmem>>, vector<16xi32>,
      tpu.vector_store %arg5[%swap3A_660, %swap3A_661, %swap3A_662], %add3A_658 {strides = array<i32>} : memref<25x8x128xi32, #tpu.memory_space<vmem>>, vector<16xi32>,
      %get3A_664 = arith.constant 5 : i32
      %get3A_665 = arith.index_cast %scan3A_192 : i32 to index
      %get3A_666 = arith.index_cast %get3A_664 : i32 to index
      %get3A_667 = arith.constant 48 : index
      %get3A_668 = tpu.vector_load %arg5[%get3A_665, %get3A_666, %get3A_667] {strides = array<i32>} : memref<25x8x128xi32, #tpu.memory_space<vmem>>, vector<16xi32>,
      %add3A_669 = arith.addi %get3A_668, %get3A_668 : vector<16xi32>
      %swap3A_670 = arith.constant 5 : i32
      %swap3A_671 = arith.index_cast %scan3A_192 : i32 to index
      %swap3A_672 = arith.index_cast %swap3A_670 : i32 to index
      %swap3A_673 = arith.constant 48 : index
      %swap3A_674 = tpu.vector_load %arg5[%swap3A_671, %swap3A_672, %swap3A_673] {strides = array<i32>} : memref<25x8x128xi32, #tpu.memory_space<vmem>>, vector<16xi32>,
      tpu.vector_store %arg5[%swap3A_671, %swap3A_672, %swap3A_673], %add3A_669 {strides = array<i32>} : memref<25x8x128xi32, #tpu.memory_space<vmem>>, vector<16xi32>,
      %get3A_675 = arith.constant 5 : i32
      %get3A_676 = arith.index_cast %scan3A_192 : i32 to index
      %get3A_677 = arith.index_cast %get3A_675 : i32 to index
      %get3A_678 = arith.constant 64 : index
      %get3A_679 = tpu.vector_load %arg5[%get3A_676, %get3A_677, %get3A_678] {strides = array<i32>} : memref<25x8x128xi32, #tpu.memory_space<vmem>>, vector<16xi32>,
      %add3A_680 = arith.addi %get3A_679, %get3A_679 : vector<16xi32>
      %swap3A_681 = arith.constant 5 : i32
      %swap3A_682 = arith.index_cast %scan3A_192 : i32 to index
      %swap3A_683 = arith.index_cast %swap3A_681 : i32 to index
      %swap3A_684 = arith.constant 64 : index
      %swap3A_685 = tpu.vector_load %arg5[%swap3A_682, %swap3A_683, %swap3A_684] {strides = array<i32>} : memref<25x8x128xi32, #tpu.memory_space<vmem>>, vector<16xi32>,
      tpu.vector_store %arg5[%swap3A_682, %swap3A_683, %swap3A_684], %add3A_680 {strides = array<i32>} : memref<25x8x128xi32, #tpu.memory_space<vmem>>, vector<16xi32>,
      %get3A_686 = arith.constant 5 : i32
      %get3A_687 = arith.index_cast %scan3A_192 : i32 to index
      %get3A_688 = arith.index_cast %get3A_686 : i32 to index
      %get3A_689 = arith.constant 80 : index
      %get3A_690 = tpu.vector_load %arg5[%get3A_687, %get3A_688, %get3A_689] {strides = array<i32>} : memref<25x8x128xi32, #tpu.memory_space<vmem>>, vector<16xi32>,
      %add3A_691 = arith.addi %get3A_690, %get3A_690 : vector<16xi32>
      %swap3A_692 = arith.constant 5 : i32
      %swap3A_693 = arith.index_cast %scan3A_192 : i32 to index
      %swap3A_694 = arith.index_cast %swap3A_692 : i32 to index
      %swap3A_695 = arith.constant 80 : index
      %swap3A_696 = tpu.vector_load %arg5[%swap3A_693, %swap3A_694, %swap3A_695] {strides = array<i32>} : memref<25x8x128xi32, #tpu.memory_space<vmem>>, vector<16xi32>,
      tpu.vector_store %arg5[%swap3A_693, %swap3A_694, %swap3A_695], %add3A_691 {strides = array<i32>} : memref<25x8x128xi32, #tpu.memory_space<vmem>>, vector<16xi32>,
      %get3A_697 = arith.constant 5 : i32
      %get3A_698 = arith.index_cast %scan3A_192 : i32 to index
      %get3A_699 = arith.index_cast %get3A_697 : i32 to index
      %get3A_700 = arith.constant 96 : index
      %get3A_701 = tpu.vector_load %arg5[%get3A_698, %get3A_699, %get3A_700] {strides = array<i32>} : memref<25x8x128xi32, #tpu.memory_space<vmem>>, vector<16xi32>,
      %add3A_702 = arith.addi %get3A_701, %get3A_701 : vector<16xi32>
      %swap3A_703 = arith.constant 5 : i32
      %swap3A_704 = arith.index_cast %scan3A_192 : i32 to index
      %swap3A_705 = arith.index_cast %swap3A_703 : i32 to index
      %swap3A_706 = arith.constant 96 : index
      %swap3A_707 = tpu.vector_load %arg5[%swap3A_704, %swap3A_705, %swap3A_706] {strides = array<i32>} : memref<25x8x128xi32, #tpu.memory_space<vmem>>, vector<16xi32>,
      tpu.vector_store %arg5[%swap3A_704, %swap3A_705, %swap3A_706], %add3A_702 {strides = array<i32>} : memref<25x8x128xi32, #tpu.memory_space<vmem>>, vector<16xi32>,
      %get3A_708 = arith.constant 5 : i32
      %get3A_709 = arith.index_cast %scan3A_192 : i32 to index
      %get3A_710 = arith.index_cast %get3A_708 : i32 to index
      %get3A_711 = arith.constant 112 : index
      %get3A_712 = tpu.vector_load %arg5[%get3A_709, %get3A_710, %get3A_711] {strides = array<i32>} : memref<25x8x128xi32, #tpu.memory_space<vmem>>, vector<16xi32>,
      %add3A_713 = arith.addi %get3A_712, %get3A_712 : vector<16xi32>
      %swap3A_714 = arith.constant 5 : i32
      %swap3A_715 = arith.index_cast %scan3A_192 : i32 to index
      %swap3A_716 = arith.index_cast %swap3A_714 : i32 to index
      %swap3A_717 = arith.constant 112 : index
      %swap3A_718 = tpu.vector_load %arg5[%swap3A_715, %swap3A_716, %swap3A_717] {strides = array<i32>} : memref<25x8x128xi32, #tpu.memory_space<vmem>>, vector<16xi32>,
      tpu.vector_store %arg5[%swap3A_715, %swap3A_716, %swap3A_717], %add3A_713 {strides = array<i32>} : memref<25x8x128xi32, #tpu.memory_space<vmem>>, vector<16xi32>,
      %get3A_719 = arith.constant 6 : i32
      %get3A_720 = arith.index_cast %scan3A_192 : i32 to index
      %get3A_721 = arith.index_cast %get3A_719 : i32 to index
      %get3A_722 = arith.constant 0 : index
      %get3A_723 = tpu.vector_load %arg5[%get3A_720, %get3A_721, %get3A_722] {strides = array<i32>} : memref<25x8x128xi32, #tpu.memory_space<vmem>>, vector<16xi32>,
      %add3A_724 = arith.addi %get3A_723, %get3A_723 : vector<16xi32>
      %swap3A_725 = arith.constant 6 : i32
      %swap3A_726 = arith.index_cast %scan3A_192 : i32 to index
      %swap3A_727 = arith.index_cast %swap3A_725 : i32 to index
      %swap3A_728 = arith.constant 0 : index
      %swap3A_729 = tpu.vector_load %arg5[%swap3A_726, %swap3A_727, %swap3A_728] {strides = array<i32>} : memref<25x8x128xi32, #tpu.memory_space<vmem>>, vector<16xi32>,
      tpu.vector_store %arg5[%swap3A_726, %swap3A_727, %swap3A_728], %add3A_724 {strides = array<i32>} : memref<25x8x128xi32, #tpu.memory_space<vmem>>, vector<16xi32>,
      %get3A_730 = arith.constant 6 : i32
      %get3A_731 = arith.index_cast %scan3A_192 : i32 to index
      %get3A_732 = arith.index_cast %get3A_730 : i32 to index
      %get3A_733 = arith.constant 16 : index
      %get3A_734 = tpu.vector_load %arg5[%get3A_731, %get3A_732, %get3A_733] {strides = array<i32>} : memref<25x8x128xi32, #tpu.memory_space<vmem>>, vector<16xi32>,
      %add3A_735 = arith.addi %get3A_734, %get3A_734 : vector<16xi32>
      %swap3A_736 = arith.constant 6 : i32
      %swap3A_737 = arith.index_cast %scan3A_192 : i32 to index
      %swap3A_738 = arith.index_cast %swap3A_736 : i32 to index
      %swap3A_739 = arith.constant 16 : index
      %swap3A_740 = tpu.vector_load %arg5[%swap3A_737, %swap3A_738, %swap3A_739] {strides = array<i32>} : memref<25x8x128xi32, #tpu.memory_space<vmem>>, vector<16xi32>,
      tpu.vector_store %arg5[%swap3A_737, %swap3A_738, %swap3A_739], %add3A_735 {strides = array<i32>} : memref<25x8x128xi32, #tpu.memory_space<vmem>>, vector<16xi32>,
      %get3A_741 = arith.constant 6 : i32
      %get3A_742 = arith.index_cast %scan3A_192 : i32 to index
      %get3A_743 = arith.index_cast %get3A_741 : i32 to index
      %get3A_744 = arith.constant 32 : index
      %get3A_745 = tpu.vector_load %arg5[%get3A_742, %get3A_743, %get3A_744] {strides = array<i32>} : memref<25x8x128xi32, #tpu.memory_space<vmem>>, vector<16xi32>,
      %add3A_746 = arith.addi %get3A_745, %get3A_745 : vector<16xi32>
      %swap3A_747 = arith.constant 6 : i32
      %swap3A_748 = arith.index_cast %scan3A_192 : i32 to index
      %swap3A_749 = arith.index_cast %swap3A_747 : i32 to index
      %swap3A_750 = arith.constant 32 : index
      %swap3A_751 = tpu.vector_load %arg5[%swap3A_748, %swap3A_749, %swap3A_750] {strides = array<i32>} : memref<25x8x128xi32, #tpu.memory_space<vmem>>, vector<16xi32>,
      tpu.vector_store %arg5[%swap3A_748, %swap3A_749, %swap3A_750], %add3A_746 {strides = array<i32>} : memref<25x8x128xi32, #tpu.memory_space<vmem>>, vector<16xi32>,
      %get3A_752 = arith.constant 6 : i32
      %get3A_753 = arith.index_cast %scan3A_192 : i32 to index
      %get3A_754 = arith.index_cast %get3A_752 : i32 to index
      %get3A_755 = arith.constant 48 : index
      %get3A_756 = tpu.vector_load %arg5[%get3A_753, %get3A_754, %get3A_755] {strides = array<i32>} : memref<25x8x128xi32, #tpu.memory_space<vmem>>, vector<16xi32>,
      %add3A_757 = arith.addi %get3A_756, %get3A_756 : vector<16xi32>
      %swap3A_758 = arith.constant 6 : i32
      %swap3A_759 = arith.index_cast %scan3A_192 : i32 to index
      %swap3A_760 = arith.index_cast %swap3A_758 : i32 to index
      %swap3A_761 = arith.constant 48 : index
      %swap3A_762 = tpu.vector_load %arg5[%swap3A_759, %swap3A_760, %swap3A_761] {strides = array<i32>} : memref<25x8x128xi32, #tpu.memory_space<vmem>>, vector<16xi32>,
      tpu.vector_store %arg5[%swap3A_759, %swap3A_760, %swap3A_761], %add3A_757 {strides = array<i32>} : memref<25x8x128xi32, #tpu.memory_space<vmem>>, vector<16xi32>,
      %get3A_763 = arith.constant 6 : i32
      %get3A_764 = arith.index_cast %scan3A_192 : i32 to index
      %get3A_765 = arith.index_cast %get3A_763 : i32 to index
      %get3A_766 = arith.constant 64 : index
      %get3A_767 = tpu.vector_load %arg5[%get3A_764, %get3A_765, %get3A_766] {strides = array<i32>} : memref<25x8x128xi32, #tpu.memory_space<vmem>>, vector<16xi32>,
      %add3A_768 = arith.addi %get3A_767, %get3A_767 : vector<16xi32>
      %swap3A_769 = arith.constant 6 : i32
      %swap3A_770 = arith.index_cast %scan3A_192 : i32 to index
      %swap3A_771 = arith.index_cast %swap3A_769 : i32 to index
      %swap3A_772 = arith.constant 64 : index
      %swap3A_773 = tpu.vector_load %arg5[%swap3A_770, %swap3A_771, %swap3A_772] {strides = array<i32>} : memref<25x8x128xi32, #tpu.memory_space<vmem>>, vector<16xi32>,
      tpu.vector_store %arg5[%swap3A_770, %swap3A_771, %swap3A_772], %add3A_768 {strides = array<i32>} : memref<25x8x128xi32, #tpu.memory_space<vmem>>, vector<16xi32>,
      %get3A_774 = arith.constant 6 : i32
      %get3A_775 = arith.index_cast %scan3A_192 : i32 to index
      %get3A_776 = arith.index_cast %get3A_774 : i32 to index
      %get3A_777 = arith.constant 80 : index
      %get3A_778 = tpu.vector_load %arg5[%get3A_775, %get3A_776, %get3A_777] {strides = array<i32>} : memref<25x8x128xi32, #tpu.memory_space<vmem>>, vector<16xi32>,
      %add3A_779 = arith.addi %get3A_778, %get3A_778 : vector<16xi32>
      %swap3A_780 = arith.constant 6 : i32
      %swap3A_781 = arith.index_cast %scan3A_192 : i32 to index
      %swap3A_782 = arith.index_cast %swap3A_780 : i32 to index
      %swap3A_783 = arith.constant 80 : index
      %swap3A_784 = tpu.vector_load %arg5[%swap3A_781, %swap3A_782, %swap3A_783] {strides = array<i32>} : memref<25x8x128xi32, #tpu.memory_space<vmem>>, vector<16xi32>,
      tpu.vector_store %arg5[%swap3A_781, %swap3A_782, %swap3A_783], %add3A_779 {strides = array<i32>} : memref<25x8x128xi32, #tpu.memory_space<vmem>>, vector<16xi32>,
      %get3A_785 = arith.constant 6 : i32
      %get3A_786 = arith.index_cast %scan3A_192 : i32 to index
      %get3A_787 = arith.index_cast %get3A_785 : i32 to index
      %get3A_788 = arith.constant 96 : index
      %get3A_789 = tpu.vector_load %arg5[%get3A_786, %get3A_787, %get3A_788] {strides = array<i32>} : memref<25x8x128xi32, #tpu.memory_space<vmem>>, vector<16xi32>,
      %add3A_790 = arith.addi %get3A_789, %get3A_789 : vector<16xi32>
      %swap3A_791 = arith.constant 6 : i32
      %swap3A_792 = arith.index_cast %scan3A_192 : i32 to index
      %swap3A_793 = arith.index_cast %swap3A_791 : i32 to index
      %swap3A_794 = arith.constant 96 : index
      %swap3A_795 = tpu.vector_load %arg5[%swap3A_792, %swap3A_793, %swap3A_794] {strides = array<i32>} : memref<25x8x128xi32, #tpu.memory_space<vmem>>, vector<16xi32>,
      tpu.vector_store %arg5[%swap3A_792, %swap3A_793, %swap3A_794], %add3A_790 {strides = array<i32>} : memref<25x8x128xi32, #tpu.memory_space<vmem>>, vector<16xi32>,
      %get3A_796 = arith.constant 6 : i32
      %get3A_797 = arith.index_cast %scan3A_192 : i32 to index
      %get3A_798 = arith.index_cast %get3A_796 : i32 to index
      %get3A_799 = arith.constant 112 : index
      %get3A_800 = tpu.vector_load %arg5[%get3A_797, %get3A_798, %get3A_799] {strides = array<i32>} : memref<25x8x128xi32, #tpu.memory_space<vmem>>, vector<16xi32>,
      %add3A_801 = arith.addi %get3A_800, %get3A_800 : vector<16xi32>
      %swap3A_802 = arith.constant 6 : i32
      %swap3A_803 = arith.index_cast %scan3A_192 : i32 to index
      %swap3A_804 = arith.index_cast %swap3A_802 : i32 to index
      %swap3A_805 = arith.constant 112 : index
      %swap3A_806 = tpu.vector_load %arg5[%swap3A_803, %swap3A_804, %swap3A_805] {strides = array<i32>} : memref<25x8x128xi32, #tpu.memory_space<vmem>>, vector<16xi32>,
      tpu.vector_store %arg5[%swap3A_803, %swap3A_804, %swap3A_805], %add3A_801 {strides = array<i32>} : memref<25x8x128xi32, #tpu.memory_space<vmem>>, vector<16xi32>,
      %get3A_807 = arith.constant 7 : i32
      %get3A_808 = arith.index_cast %scan3A_192 : i32 to index
      %get3A_809 = arith.index_cast %get3A_807 : i32 to index
      %get3A_810 = arith.constant 0 : index
      %get3A_811 = tpu.vector_load %arg5[%get3A_808, %get3A_809, %get3A_810] {strides = array<i32>} : memref<25x8x128xi32, #tpu.memory_space<vmem>>, vector<16xi32>,
      %add3A_812 = arith.addi %get3A_811, %get3A_811 : vector<16xi32>
      %swap3A_813 = arith.constant 7 : i32
      %swap3A_814 = arith.index_cast %scan3A_192 : i32 to index
      %swap3A_815 = arith.index_cast %swap3A_813 : i32 to index
      %swap3A_816 = arith.constant 0 : index
      %swap3A_817 = tpu.vector_load %arg5[%swap3A_814, %swap3A_815, %swap3A_816] {strides = array<i32>} : memref<25x8x128xi32, #tpu.memory_space<vmem>>, vector<16xi32>,
      tpu.vector_store %arg5[%swap3A_814, %swap3A_815, %swap3A_816], %add3A_812 {strides = array<i32>} : memref<25x8x128xi32, #tpu.memory_space<vmem>>, vector<16xi32>,
      %get3A_818 = arith.constant 7 : i32
      %get3A_819 = arith.index_cast %scan3A_192 : i32 to index
      %get3A_820 = arith.index_cast %get3A_818 : i32 to index
      %get3A_821 = arith.constant 16 : index
      %get3A_822 = tpu.vector_load %arg5[%get3A_819, %get3A_820, %get3A_821] {strides = array<i32>} : memref<25x8x128xi32, #tpu.memory_space<vmem>>, vector<16xi32>,
      %add3A_823 = arith.addi %get3A_822, %get3A_822 : vector<16xi32>
      %swap3A_824 = arith.constant 7 : i32
      %swap3A_825 = arith.index_cast %scan3A_192 : i32 to index
      %swap3A_826 = arith.index_cast %swap3A_824 : i32 to index
      %swap3A_827 = arith.constant 16 : index
      %swap3A_828 = tpu.vector_load %arg5[%swap3A_825, %swap3A_826, %swap3A_827] {strides = array<i32>} : memref<25x8x128xi32, #tpu.memory_space<vmem>>, vector<16xi32>,
      tpu.vector_store %arg5[%swap3A_825, %swap3A_826, %swap3A_827], %add3A_823 {strides = array<i32>} : memref<25x8x128xi32, #tpu.memory_space<vmem>>, vector<16xi32>,
      %get3A_829 = arith.constant 7 : i32
      %get3A_830 = arith.index_cast %scan3A_192 : i32 to index
      %get3A_831 = arith.index_cast %get3A_829 : i32 to index
      %get3A_832 = arith.constant 32 : index
      %get3A_833 = tpu.vector_load %arg5[%get3A_830, %get3A_831, %get3A_832] {strides = array<i32>} : memref<25x8x128xi32, #tpu.memory_space<vmem>>, vector<16xi32>,
      %add3A_834 = arith.addi %get3A_833, %get3A_833 : vector<16xi32>
      %swap3A_835 = arith.constant 7 : i32
      %swap3A_836 = arith.index_cast %scan3A_192 : i32 to index
      %swap3A_837 = arith.index_cast %swap3A_835 : i32 to index
      %swap3A_838 = arith.constant 32 : index
      %swap3A_839 = tpu.vector_load %arg5[%swap3A_836, %swap3A_837, %swap3A_838] {strides = array<i32>} : memref<25x8x128xi32, #tpu.memory_space<vmem>>, vector<16xi32>,
      tpu.vector_store %arg5[%swap3A_836, %swap3A_837, %swap3A_838], %add3A_834 {strides = array<i32>} : memref<25x8x128xi32, #tpu.memory_space<vmem>>, vector<16xi32>,
      %get3A_840 = arith.constant 7 : i32
      %get3A_841 = arith.index_cast %scan3A_192 : i32 to index
      %get3A_842 = arith.index_cast %get3A_840 : i32 to index
      %get3A_843 = arith.constant 48 : index
      %get3A_844 = tpu.vector_load %arg5[%get3A_841, %get3A_842, %get3A_843] {strides = array<i32>} : memref<25x8x128xi32, #tpu.memory_space<vmem>>, vector<16xi32>,
      %add3A_845 = arith.addi %get3A_844, %get3A_844 : vector<16xi32>
      %swap3A_846 = arith.constant 7 : i32
      %swap3A_847 = arith.index_cast %scan3A_192 : i32 to index
      %swap3A_848 = arith.index_cast %swap3A_846 : i32 to index
      %swap3A_849 = arith.constant 48 : index
      %swap3A_850 = tpu.vector_load %arg5[%swap3A_847, %swap3A_848, %swap3A_849] {strides = array<i32>} : memref<25x8x128xi32, #tpu.memory_space<vmem>>, vector<16xi32>,
      tpu.vector_store %arg5[%swap3A_847, %swap3A_848, %swap3A_849], %add3A_845 {strides = array<i32>} : memref<25x8x128xi32, #tpu.memory_space<vmem>>, vector<16xi32>,
      %get3A_851 = arith.constant 7 : i32
      %get3A_852 = arith.index_cast %scan3A_192 : i32 to index
      %get3A_853 = arith.index_cast %get3A_851 : i32 to index
      %get3A_854 = arith.constant 64 : index
      %get3A_855 = tpu.vector_load %arg5[%get3A_852, %get3A_853, %get3A_854] {strides = array<i32>} : memref<25x8x128xi32, #tpu.memory_space<vmem>>, vector<16xi32>,
      %add3A_856 = arith.addi %get3A_855, %get3A_855 : vector<16xi32>
      %swap3A_857 = arith.constant 7 : i32
      %swap3A_858 = arith.index_cast %scan3A_192 : i32 to index
      %swap3A_859 = arith.index_cast %swap3A_857 : i32 to index
      %swap3A_860 = arith.constant 64 : index
      %swap3A_861 = tpu.vector_load %arg5[%swap3A_858, %swap3A_859, %swap3A_860] {strides = array<i32>} : memref<25x8x128xi32, #tpu.memory_space<vmem>>, vector<16xi32>,
      tpu.vector_store %arg5[%swap3A_858, %swap3A_859, %swap3A_860], %add3A_856 {strides = array<i32>} : memref<25x8x128xi32, #tpu.memory_space<vmem>>, vector<16xi32>,
      %get3A_862 = arith.constant 7 : i32
      %get3A_863 = arith.index_cast %scan3A_192 : i32 to index
      %get3A_864 = arith.index_cast %get3A_862 : i32 to index
      %get3A_865 = arith.constant 80 : index
      %get3A_866 = tpu.vector_load %arg5[%get3A_863, %get3A_864, %get3A_865] {strides = array<i32>} : memref<25x8x128xi32, #tpu.memory_space<vmem>>, vector<16xi32>,
      %add3A_867 = arith.addi %get3A_866, %get3A_866 : vector<16xi32>
      %swap3A_868 = arith.constant 7 : i32
      %swap3A_869 = arith.index_cast %scan3A_192 : i32 to index
      %swap3A_870 = arith.index_cast %swap3A_868 : i32 to index
      %swap3A_871 = arith.constant 80 : index
      %swap3A_872 = tpu.vector_load %arg5[%swap3A_869, %swap3A_870, %swap3A_871] {strides = array<i32>} : memref<25x8x128xi32, #tpu.memory_space<vmem>>, vector<16xi32>,
      tpu.vector_store %arg5[%swap3A_869, %swap3A_870, %swap3A_871], %add3A_867 {strides = array<i32>} : memref<25x8x128xi32, #tpu.memory_space<vmem>>, vector<16xi32>,
      %get3A_873 = arith.constant 7 : i32
      %get3A_874 = arith.index_cast %scan3A_192 : i32 to index
      %get3A_875 = arith.index_cast %get3A_873 : i32 to index
      %get3A_876 = arith.constant 96 : index
      %get3A_877 = tpu.vector_load %arg5[%get3A_874, %get3A_875, %get3A_876] {strides = array<i32>} : memref<25x8x128xi32, #tpu.memory_space<vmem>>, vector<16xi32>,
      %add3A_878 = arith.addi %get3A_877, %get3A_877 : vector<16xi32>
      %swap3A_879 = arith.constant 7 : i32
      %swap3A_880 = arith.index_cast %scan3A_192 : i32 to index
      %swap3A_881 = arith.index_cast %swap3A_879 : i32 to index
      %swap3A_882 = arith.constant 96 : index
      %swap3A_883 = tpu.vector_load %arg5[%swap3A_880, %swap3A_881, %swap3A_882] {strides = array<i32>} : memref<25x8x128xi32, #tpu.memory_space<vmem>>, vector<16xi32>,
      tpu.vector_store %arg5[%swap3A_880, %swap3A_881, %swap3A_882], %add3A_878 {strides = array<i32>} : memref<25x8x128xi32, #tpu.memory_space<vmem>>, vector<16xi32>,
      %get3A_884 = arith.constant 7 : i32
      %get3A_885 = arith.index_cast %scan3A_192 : i32 to index
      %get3A_886 = arith.index_cast %get3A_884 : i32 to index
      %get3A_887 = arith.constant 112 : index
      %get3A_888 = tpu.vector_load %arg5[%get3A_885, %get3A_886, %get3A_887] {strides = array<i32>} : memref<25x8x128xi32, #tpu.memory_space<vmem>>, vector<16xi32>,
      %add3A_889 = arith.addi %get3A_888, %get3A_888 : vector<16xi32>
      %swap3A_890 = arith.constant 7 : i32
      %swap3A_891 = arith.index_cast %scan3A_192 : i32 to index
      %swap3A_892 = arith.index_cast %swap3A_890 : i32 to index
      %swap3A_893 = arith.constant 112 : index
      %swap3A_894 = tpu.vector_load %arg5[%swap3A_891, %swap3A_892, %swap3A_893] {strides = array<i32>} : memref<25x8x128xi32, #tpu.memory_space<vmem>>, vector<16xi32>,
      tpu.vector_store %arg5[%swap3A_891, %swap3A_892, %swap3A_893], %add3A_889 {strides = array<i32>} : memref<25x8x128xi32, #tpu.memory_space<vmem>>, vector<16xi32>,
    }
    %scan3A_7 = arith.constant 25 : i32
    %dma_start3A = arith.constant 0 : i32
    %dma_start3A_8 = arith.constant 0 : i32
    %dma_start3A_9 = arith.constant 0 : i32
    %dma_start3A_10 = arith.constant 0 : i32
    %dma_start3A_11 = arith.constant 0 : i32
    %dma_start3A_12 = tpu.memref_slice %arg6[%dma_start3A_9, %dma_start3A_10, %dma_start3A_11] : memref<8x128x64xf32, #tpu.memory_space<vmem>> -> memref<1x128x64xf32, #tpu.memory_space<vmem>>
    %dma_start3A_13 = tpu.memref_squeeze %dma_start3A_12 : memref<1x128x64xf32, #tpu.memory_space<vmem>> -> memref<128x64xf32, #tpu.memory_space<vmem>>
    %dma_start3A_14 = arith.constant 0 : i32
    %dma_start3A_15 = tpu.memref_slice %arg5[%dma_start3A, %dma_start3A_8, %dma_start3A_14] : memref<25x8x128xi32, #tpu.memory_space<vmem>> -> memref<1x1x128xi32, #tpu.memory_space<vmem>>
    %dma_start3A_16 = tpu.memref_squeeze %dma_start3A_15 : memref<1x1x128xi32, #tpu.memory_space<vmem>> -> memref<128xi32, #tpu.memory_space<vmem>>
    %dma_start3A_17 = arith.constant 0 : i32
    %dma_start3A_18 = arith.constant 0 : i32
    %dma_start3A_19 = tpu.memref_slice %arg3[%dma_start3A_17, %dma_start3A_18] : memref<2000000x64xf32, #tpu.memory_space<hbm>> -> memref<2000000x64xf32, #tpu.memory_space<hbm>>
    tpu.enqueue_indirect_dma source(%dma_start3A_19 : memref<2000000x64xf32, #tpu.memory_space<hbm>>) target(%dma_start3A_13 : memref<128x64xf32, #tpu.memory_space<vmem>>) offsets(%dma_start3A_16 : memref<128xi32, #tpu.memory_space<vmem>>) semaphore(%arg7 : memref<!tpu.dma_semaphore, #tpu.memory_space<semaphore_mem>>)
    %dma_start3A_20 = arith.constant 0 : i32
    %dma_start3A_21 = arith.constant 1 : i32
    %dma_start3A_22 = arith.constant 1 : i32
    %dma_start3A_23 = arith.constant 0 : i32
    %dma_start3A_24 = arith.constant 0 : i32
    %dma_start3A_25 = tpu.memref_slice %arg6[%dma_start3A_22, %dma_start3A_23, %dma_start3A_24] : memref<8x128x64xf32, #tpu.memory_space<vmem>> -> memref<1x128x64xf32, #tpu.memory_space<vmem>>
    %dma_start3A_26 = tpu.memref_squeeze %dma_start3A_25 : memref<1x128x64xf32, #tpu.memory_space<vmem>> -> memref<128x64xf32, #tpu.memory_space<vmem>>
    %dma_start3A_27 = arith.constant 0 : i32
    %dma_start3A_28 = tpu.memref_slice %arg5[%dma_start3A_20, %dma_start3A_21, %dma_start3A_27] : memref<25x8x128xi32, #tpu.memory_space<vmem>> -> memref<1x1x128xi32, #tpu.memory_space<vmem>>
    %dma_start3A_29 = tpu.memref_squeeze %dma_start3A_28 : memref<1x1x128xi32, #tpu.memory_space<vmem>> -> memref<128xi32, #tpu.memory_space<vmem>>
    %dma_start3A_30 = arith.constant 0 : i32
    %dma_start3A_31 = arith.constant 0 : i32
    %dma_start3A_32 = tpu.memref_slice %arg3[%dma_start3A_30, %dma_start3A_31] : memref<2000000x64xf32, #tpu.memory_space<hbm>> -> memref<2000000x64xf32, #tpu.memory_space<hbm>>
    tpu.enqueue_indirect_dma source(%dma_start3A_32 : memref<2000000x64xf32, #tpu.memory_space<hbm>>) target(%dma_start3A_26 : memref<128x64xf32, #tpu.memory_space<vmem>>) offsets(%dma_start3A_29 : memref<128xi32, #tpu.memory_space<vmem>>) semaphore(%arg8 : memref<!tpu.dma_semaphore, #tpu.memory_space<semaphore_mem>>)
    %dma_start3A_33 = arith.constant 0 : i32
    %dma_start3A_34 = arith.constant 2 : i32
    %dma_start3A_35 = arith.constant 2 : i32
    %dma_start3A_36 = arith.constant 0 : i32
    %dma_start3A_37 = arith.constant 0 : i32
    %dma_start3A_38 = tpu.memref_slice %arg6[%dma_start3A_35, %dma_start3A_36, %dma_start3A_37] : memref<8x128x64xf32, #tpu.memory_space<vmem>> -> memref<1x128x64xf32, #tpu.memory_space<vmem>>
    %dma_start3A_39 = tpu.memref_squeeze %dma_start3A_38 : memref<1x128x64xf32, #tpu.memory_space<vmem>> -> memref<128x64xf32, #tpu.memory_space<vmem>>
    %dma_start3A_40 = arith.constant 0 : i32
    %dma_start3A_41 = tpu.memref_slice %arg5[%dma_start3A_33, %dma_start3A_34, %dma_start3A_40] : memref<25x8x128xi32, #tpu.memory_space<vmem>> -> memref<1x1x128xi32, #tpu.memory_space<vmem>>
    %dma_start3A_42 = tpu.memref_squeeze %dma_start3A_41 : memref<1x1x128xi32, #tpu.memory_space<vmem>> -> memref<128xi32, #tpu.memory_space<vmem>>
    %dma_start3A_43 = arith.constant 0 : i32
    %dma_start3A_44 = arith.constant 0 : i32
    %dma_start3A_45 = tpu.memref_slice %arg3[%dma_start3A_43, %dma_start3A_44] : memref<2000000x64xf32, #tpu.memory_space<hbm>> -> memref<2000000x64xf32, #tpu.memory_space<hbm>>
    tpu.enqueue_indirect_dma source(%dma_start3A_45 : memref<2000000x64xf32, #tpu.memory_space<hbm>>) target(%dma_start3A_39 : memref<128x64xf32, #tpu.memory_space<vmem>>) offsets(%dma_start3A_42 : memref<128xi32, #tpu.memory_space<vmem>>) semaphore(%arg9 : memref<!tpu.dma_semaphore, #tpu.memory_space<semaphore_mem>>)
    %dma_start3A_46 = arith.constant 0 : i32
    %dma_start3A_47 = arith.constant 3 : i32
    %dma_start3A_48 = arith.constant 3 : i32
    %dma_start3A_49 = arith.constant 0 : i32
    %dma_start3A_50 = arith.constant 0 : i32
    %dma_start3A_51 = tpu.memref_slice %arg6[%dma_start3A_48, %dma_start3A_49, %dma_start3A_50] : memref<8x128x64xf32, #tpu.memory_space<vmem>> -> memref<1x128x64xf32, #tpu.memory_space<vmem>>
    %dma_start3A_52 = tpu.memref_squeeze %dma_start3A_51 : memref<1x128x64xf32, #tpu.memory_space<vmem>> -> memref<128x64xf32, #tpu.memory_space<vmem>>
    %dma_start3A_53 = arith.constant 0 : i32
    %dma_start3A_54 = tpu.memref_slice %arg5[%dma_start3A_46, %dma_start3A_47, %dma_start3A_53] : memref<25x8x128xi32, #tpu.memory_space<vmem>> -> memref<1x1x128xi32, #tpu.memory_space<vmem>>
    %dma_start3A_55 = tpu.memref_squeeze %dma_start3A_54 : memref<1x1x128xi32, #tpu.memory_space<vmem>> -> memref<128xi32, #tpu.memory_space<vmem>>
    %dma_start3A_56 = arith.constant 0 : i32
    %dma_start3A_57 = arith.constant 0 : i32
    %dma_start3A_58 = tpu.memref_slice %arg3[%dma_start3A_56, %dma_start3A_57] : memref<2000000x64xf32, #tpu.memory_space<hbm>> -> memref<2000000x64xf32, #tpu.memory_space<hbm>>
    tpu.enqueue_indirect_dma source(%dma_start3A_58 : memref<2000000x64xf32, #tpu.memory_space<hbm>>) target(%dma_start3A_52 : memref<128x64xf32, #tpu.memory_space<vmem>>) offsets(%dma_start3A_55 : memref<128xi32, #tpu.memory_space<vmem>>) semaphore(%arg10 : memref<!tpu.dma_semaphore, #tpu.memory_space<semaphore_mem>>)
    %scan3A_59 = arith.constant 0 : i32
    %scan3A_60 = arith.constant 0 : i32
    %scan3A_61 = arith.constant 25 : i32
    %scan3A_62 = arith.addi %scan3A_60, %scan3A_61 : i32
    %scan3A_63 = arith.constant 1 : i32
    scf.for %scan3A_192 = %scan3A_60 to %scan3A_62 step %scan3A_63  : i32 {
      %mul3A_193 = arith.constant 8 : i32
      %mul3A_194 = arith.muli %scan3A_192, %mul3A_193 : i32
      %add3A_195 = arith.constant 0 : i32
      %add3A_196 = arith.addi %mul3A_194, %add3A_195 : i32
      %dma_wait3A_197 = arith.constant 0 : i32
      %dma_wait3A_198 = arith.constant 0 : i32
      %dma_wait3A_199 = arith.constant 0 : i32
      %dma_wait3A_200 = arith.constant 0 : i32
      %dma_wait3A_201 = arith.constant 0 : i32
      %dma_wait3A_202 = tpu.memref_slice %arg6[%dma_wait3A_199, %dma_wait3A_200, %dma_wait3A_201] : memref<8x128x64xf32, #tpu.memory_space<vmem>> -> memref<1x128x64xf32, #tpu.memory_space<vmem>>
      %dma_wait3A_203 = tpu.memref_squeeze %dma_wait3A_202 : memref<1x128x64xf32, #tpu.memory_space<vmem>> -> memref<128x64xf32, #tpu.memory_space<vmem>>
      %dma_wait3A_204 = arith.constant 0 : i32
      %dma_wait3A_205 = tpu.memref_slice %arg5[%dma_wait3A_197, %dma_wait3A_198, %dma_wait3A_204] : memref<25x8x128xi32, #tpu.memory_space<vmem>> -> memref<1x1x128xi32, #tpu.memory_space<vmem>>
      %dma_wait3A_206 = tpu.memref_squeeze %dma_wait3A_205 : memref<1x1x128xi32, #tpu.memory_space<vmem>> -> memref<128xi32, #tpu.memory_space<vmem>>
      %dma_wait3A_207 = arith.constant 0 : i32
      %dma_wait3A_208 = arith.constant 0 : i32
      %dma_wait3A_209 = tpu.memref_slice %arg3[%dma_wait3A_207, %dma_wait3A_208] : memref<2000000x64xf32, #tpu.memory_space<hbm>> -> memref<2000000x64xf32, #tpu.memory_space<hbm>>
      tpu.wait_indirect_dma semaphore(%arg7 : memref<!tpu.dma_semaphore, #tpu.memory_space<semaphore_mem>>) src(%dma_wait3A_209 : memref<2000000x64xf32, #tpu.memory_space<hbm>>) dst(%dma_wait3A_203 : memref<128x64xf32, #tpu.memory_space<vmem>>)
      %dma_start3A_210 = arith.constant 0 : i32
      %dma_start3A_211 = arith.constant 0 : i32
      %dma_start3A_212 = arith.constant 0 : i32
      %dma_start3A_213 = tpu.memref_slice %arg6[%dma_start3A_210, %dma_start3A_211, %dma_start3A_212] : memref<8x128x64xf32, #tpu.memory_space<vmem>> -> memref<1x128x64xf32, #tpu.memory_space<vmem>>
      %dma_start3A_214 = tpu.memref_squeeze %dma_start3A_213 : memref<1x128x64xf32, #tpu.memory_space<vmem>> -> memref<128x64xf32, #tpu.memory_space<vmem>>
      %dma_start3A_215 = arith.constant 0 : i32
      %dma_start3A_216 = tpu.memref_slice %arg4[%mul3A_2, %add3A_196, %dma_start3A_215] : memref<4096x200x128xf32, #tpu.memory_space<hbm>> -> memref<128x1x64xf32, #tpu.memory_space<hbm>>
      %dma_start3A_217 = tpu.memref_squeeze %dma_start3A_216 : memref<128x1x64xf32, #tpu.memory_space<hbm>> -> memref<128x64xf32, #tpu.memory_space<hbm>>
      %dma_start3A_218 = arith.constant 0 : i32
      %dma_start3A_219 = tpu.memref_slice %arg4[%mul3A_2, %add3A_196, %dma_start3A_218] : memref<4096x200x128xf32, #tpu.memory_space<hbm>> -> memref<128x1x64xf32, #tpu.memory_space<hbm>>
      %dma_start3A_220 = tpu.memref_squeeze %dma_start3A_219 : memref<128x1x64xf32, #tpu.memory_space<hbm>> -> memref<128x64xf32, #tpu.memory_space<hbm>>
      %dma_start3A_221 = arith.constant 0 : i32
      %dma_start3A_222 = arith.constant 0 : i32
      %dma_start3A_223 = tpu.memref_slice %arg6[%dma_start3A_210, %dma_start3A_221, %dma_start3A_222] : memref<8x128x64xf32, #tpu.memory_space<vmem>> -> memref<1x128x64xf32, #tpu.memory_space<vmem>>
      %dma_start3A_224 = tpu.memref_squeeze %dma_start3A_223 : memref<1x128x64xf32, #tpu.memory_space<vmem>> -> memref<128x64xf32, #tpu.memory_space<vmem>>
      tpu.enqueue_dma source(%dma_start3A_224 : memref<128x64xf32, #tpu.memory_space<vmem>>) target(%dma_start3A_220 : memref<128x64xf32, #tpu.memory_space<hbm>>) target_semaphore(%arg15 : memref<!tpu.dma_semaphore, #tpu.memory_space<semaphore_mem>>)
      %gt3A = arith.constant 0 : i32
      %gt3A_225 = arith.cmpi sgt, %scan3A_192, %gt3A : i32
      %convert_element_type3A = arith.extui %gt3A_225 : i1 to i32
      %cond3A = arith.constant 0 : i32
      %cond3A_226 = arith.cmpi ne, %convert_element_type3A, %cond3A : i32
      scf.if %cond3A_226 {
        %dma_wait3A_533 = arith.constant 4 : i32
        %dma_wait3A_534 = arith.constant 0 : i32
        %dma_wait3A_535 = arith.constant 0 : i32
        %dma_wait3A_536 = arith.constant 0 : i32
        %dma_wait3A_537 = tpu.memref_slice %arg6[%dma_wait3A_533, %dma_wait3A_535, %dma_wait3A_536] : memref<8x128x64xf32, #tpu.memory_space<vmem>> -> memref<1x128x64xf32, #tpu.memory_space<vmem>>
        %dma_wait3A_538 = tpu.memref_squeeze %dma_wait3A_537 : memref<1x128x64xf32, #tpu.memory_space<vmem>> -> memref<128x64xf32, #tpu.memory_space<vmem>>
        %dma_wait3A_539 = arith.constant 0 : i32
        %dma_wait3A_540 = tpu.memref_slice %arg4[%mul3A_2, %dma_wait3A_534, %dma_wait3A_539] : memref<4096x200x128xf32, #tpu.memory_space<hbm>> -> memref<128x1x64xf32, #tpu.memory_space<hbm>>
        %dma_wait3A_541 = tpu.memref_squeeze %dma_wait3A_540 : memref<128x1x64xf32, #tpu.memory_space<hbm>> -> memref<128x64xf32, #tpu.memory_space<hbm>>
        %dma_wait3A_542 = arith.constant 0 : i32
        %dma_wait3A_543 = tpu.memref_slice %arg4[%mul3A_2, %dma_wait3A_534, %dma_wait3A_542] : memref<4096x200x128xf32, #tpu.memory_space<hbm>> -> memref<128x1x64xf32, #tpu.memory_space<hbm>>
        %dma_wait3A_544 = tpu.memref_squeeze %dma_wait3A_543 : memref<128x1x64xf32, #tpu.memory_space<hbm>> -> memref<128x64xf32, #tpu.memory_space<hbm>>
        %dma_wait3A_545 = arith.constant 0 : i32
        %dma_wait3A_546 = arith.constant 0 : i32
        %dma_wait3A_547 = tpu.memref_slice %arg6[%dma_wait3A_533, %dma_wait3A_545, %dma_wait3A_546] : memref<8x128x64xf32, #tpu.memory_space<vmem>> -> memref<1x128x64xf32, #tpu.memory_space<vmem>>
        %dma_wait3A_548 = tpu.memref_squeeze %dma_wait3A_547 : memref<1x128x64xf32, #tpu.memory_space<vmem>> -> memref<128x64xf32, #tpu.memory_space<vmem>>
        tpu.wait_dma2 semaphore(%arg19 : memref<!tpu.dma_semaphore, #tpu.memory_space<semaphore_mem>>) src(%dma_wait3A_548 : memref<128x64xf32, #tpu.memory_space<vmem>>) dst(%dma_wait3A_544 : memref<128x64xf32, #tpu.memory_space<hbm>>)
      } else {
      }
      %dma_start3A_227 = arith.constant 4 : i32
      %dma_start3A_228 = arith.constant 4 : i32
      %dma_start3A_229 = arith.constant 0 : i32
      %dma_start3A_230 = arith.constant 0 : i32
      %dma_start3A_231 = tpu.memref_slice %arg6[%dma_start3A_228, %dma_start3A_229, %dma_start3A_230] : memref<8x128x64xf32, #tpu.memory_space<vmem>> -> memref<1x128x64xf32, #tpu.memory_space<vmem>>
      %dma_start3A_232 = tpu.memref_squeeze %dma_start3A_231 : memref<1x128x64xf32, #tpu.memory_space<vmem>> -> memref<128x64xf32, #tpu.memory_space<vmem>>
      %dma_start3A_233 = arith.constant 0 : i32
      %dma_start3A_234 = tpu.memref_slice %arg5[%scan3A_192, %dma_start3A_227, %dma_start3A_233] : memref<25x8x128xi32, #tpu.memory_space<vmem>> -> memref<1x1x128xi32, #tpu.memory_space<vmem>>
      %dma_start3A_235 = tpu.memref_squeeze %dma_start3A_234 : memref<1x1x128xi32, #tpu.memory_space<vmem>> -> memref<128xi32, #tpu.memory_space<vmem>>
      %dma_start3A_236 = arith.constant 0 : i32
      %dma_start3A_237 = arith.constant 0 : i32
      %dma_start3A_238 = tpu.memref_slice %arg3[%dma_start3A_236, %dma_start3A_237] : memref<2000000x64xf32, #tpu.memory_space<hbm>> -> memref<2000000x64xf32, #tpu.memory_space<hbm>>
      tpu.enqueue_indirect_dma source(%dma_start3A_238 : memref<2000000x64xf32, #tpu.memory_space<hbm>>) target(%dma_start3A_232 : memref<128x64xf32, #tpu.memory_space<vmem>>) offsets(%dma_start3A_235 : memref<128xi32, #tpu.memory_space<vmem>>) semaphore(%arg11 : memref<!tpu.dma_semaphore, #tpu.memory_space<semaphore_mem>>)
      %mul3A_239 = arith.constant 8 : i32
      %mul3A_240 = arith.muli %scan3A_192, %mul3A_239 : i32
      %add3A_241 = arith.constant 1 : i32
      %add3A_242 = arith.addi %mul3A_240, %add3A_241 : i32
      %dma_wait3A_243 = arith.constant 0 : i32
      %dma_wait3A_244 = arith.constant 0 : i32
      %dma_wait3A_245 = arith.constant 1 : i32
      %dma_wait3A_246 = arith.constant 0 : i32
      %dma_wait3A_247 = arith.constant 0 : i32
      %dma_wait3A_248 = tpu.memref_slice %arg6[%dma_wait3A_245, %dma_wait3A_246, %dma_wait3A_247] : memref<8x128x64xf32, #tpu.memory_space<vmem>> -> memref<1x128x64xf32, #tpu.memory_space<vmem>>
      %dma_wait3A_249 = tpu.memref_squeeze %dma_wait3A_248 : memref<1x128x64xf32, #tpu.memory_space<vmem>> -> memref<128x64xf32, #tpu.memory_space<vmem>>
      %dma_wait3A_250 = arith.constant 0 : i32
      %dma_wait3A_251 = tpu.memref_slice %arg5[%dma_wait3A_243, %dma_wait3A_244, %dma_wait3A_250] : memref<25x8x128xi32, #tpu.memory_space<vmem>> -> memref<1x1x128xi32, #tpu.memory_space<vmem>>
      %dma_wait3A_252 = tpu.memref_squeeze %dma_wait3A_251 : memref<1x1x128xi32, #tpu.memory_space<vmem>> -> memref<128xi32, #tpu.memory_space<vmem>>
      %dma_wait3A_253 = arith.constant 0 : i32
      %dma_wait3A_254 = arith.constant 0 : i32
      %dma_wait3A_255 = tpu.memref_slice %arg3[%dma_wait3A_253, %dma_wait3A_254] : memref<2000000x64xf32, #tpu.memory_space<hbm>> -> memref<2000000x64xf32, #tpu.memory_space<hbm>>
      tpu.wait_indirect_dma semaphore(%arg8 : memref<!tpu.dma_semaphore, #tpu.memory_space<semaphore_mem>>) src(%dma_wait3A_255 : memref<2000000x64xf32, #tpu.memory_space<hbm>>) dst(%dma_wait3A_249 : memref<128x64xf32, #tpu.memory_space<vmem>>)
      %dma_start3A_256 = arith.constant 1 : i32
      %dma_start3A_257 = arith.constant 0 : i32
      %dma_start3A_258 = arith.constant 0 : i32
      %dma_start3A_259 = tpu.memref_slice %arg6[%dma_start3A_256, %dma_start3A_257, %dma_start3A_258] : memref<8x128x64xf32, #tpu.memory_space<vmem>> -> memref<1x128x64xf32, #tpu.memory_space<vmem>>
      %dma_start3A_260 = tpu.memref_squeeze %dma_start3A_259 : memref<1x128x64xf32, #tpu.memory_space<vmem>> -> memref<128x64xf32, #tpu.memory_space<vmem>>
      %dma_start3A_261 = arith.constant 0 : i32
      %dma_start3A_262 = tpu.memref_slice %arg4[%mul3A_2, %add3A_242, %dma_start3A_261] : memref<4096x200x128xf32, #tpu.memory_space<hbm>> -> memref<128x1x64xf32, #tpu.memory_space<hbm>>
      %dma_start3A_263 = tpu.memref_squeeze %dma_start3A_262 : memref<128x1x64xf32, #tpu.memory_space<hbm>> -> memref<128x64xf32, #tpu.memory_space<hbm>>
      %dma_start3A_264 = arith.constant 0 : i32
      %dma_start3A_265 = tpu.memref_slice %arg4[%mul3A_2, %add3A_242, %dma_start3A_264] : memref<4096x200x128xf32, #tpu.memory_space<hbm>> -> memref<128x1x64xf32, #tpu.memory_space<hbm>>
      %dma_start3A_266 = tpu.memref_squeeze %dma_start3A_265 : memref<128x1x64xf32, #tpu.memory_space<hbm>> -> memref<128x64xf32, #tpu.memory_space<hbm>>
      %dma_start3A_267 = arith.constant 0 : i32
      %dma_start3A_268 = arith.constant 0 : i32
      %dma_start3A_269 = tpu.memref_slice %arg6[%dma_start3A_256, %dma_start3A_267, %dma_start3A_268] : memref<8x128x64xf32, #tpu.memory_space<vmem>> -> memref<1x128x64xf32, #tpu.memory_space<vmem>>
      %dma_start3A_270 = tpu.memref_squeeze %dma_start3A_269 : memref<1x128x64xf32, #tpu.memory_space<vmem>> -> memref<128x64xf32, #tpu.memory_space<vmem>>
      tpu.enqueue_dma source(%dma_start3A_270 : memref<128x64xf32, #tpu.memory_space<vmem>>) target(%dma_start3A_266 : memref<128x64xf32, #tpu.memory_space<hbm>>) target_semaphore(%arg16 : memref<!tpu.dma_semaphore, #tpu.memory_space<semaphore_mem>>)
      %gt3A_271 = arith.constant 0 : i32
      %gt3A_272 = arith.cmpi sgt, %scan3A_192, %gt3A_271 : i32
      %convert_element_type3A_273 = arith.extui %gt3A_272 : i1 to i32
      %cond3A_274 = arith.constant 0 : i32
      %cond3A_275 = arith.cmpi ne, %convert_element_type3A_273, %cond3A_274 : i32
      scf.if %cond3A_275 {
        %dma_wait3A_533 = arith.constant 5 : i32
        %dma_wait3A_534 = arith.constant 0 : i32
        %dma_wait3A_535 = arith.constant 0 : i32
        %dma_wait3A_536 = arith.constant 0 : i32
        %dma_wait3A_537 = tpu.memref_slice %arg6[%dma_wait3A_533, %dma_wait3A_535, %dma_wait3A_536] : memref<8x128x64xf32, #tpu.memory_space<vmem>> -> memref<1x128x64xf32, #tpu.memory_space<vmem>>
        %dma_wait3A_538 = tpu.memref_squeeze %dma_wait3A_537 : memref<1x128x64xf32, #tpu.memory_space<vmem>> -> memref<128x64xf32, #tpu.memory_space<vmem>>
        %dma_wait3A_539 = arith.constant 0 : i32
        %dma_wait3A_540 = tpu.memref_slice %arg4[%mul3A_2, %dma_wait3A_534, %dma_wait3A_539] : memref<4096x200x128xf32, #tpu.memory_space<hbm>> -> memref<128x1x64xf32, #tpu.memory_space<hbm>>
        %dma_wait3A_541 = tpu.memref_squeeze %dma_wait3A_540 : memref<128x1x64xf32, #tpu.memory_space<hbm>> -> memref<128x64xf32, #tpu.memory_space<hbm>>
        %dma_wait3A_542 = arith.constant 0 : i32
        %dma_wait3A_543 = tpu.memref_slice %arg4[%mul3A_2, %dma_wait3A_534, %dma_wait3A_542] : memref<4096x200x128xf32, #tpu.memory_space<hbm>> -> memref<128x1x64xf32, #tpu.memory_space<hbm>>
        %dma_wait3A_544 = tpu.memref_squeeze %dma_wait3A_543 : memref<128x1x64xf32, #tpu.memory_space<hbm>> -> memref<128x64xf32, #tpu.memory_space<hbm>>
        %dma_wait3A_545 = arith.constant 0 : i32
        %dma_wait3A_546 = arith.constant 0 : i32
        %dma_wait3A_547 = tpu.memref_slice %arg6[%dma_wait3A_533, %dma_wait3A_545, %dma_wait3A_546] : memref<8x128x64xf32, #tpu.memory_space<vmem>> -> memref<1x128x64xf32, #tpu.memory_space<vmem>>
        %dma_wait3A_548 = tpu.memref_squeeze %dma_wait3A_547 : memref<1x128x64xf32, #tpu.memory_space<vmem>> -> memref<128x64xf32, #tpu.memory_space<vmem>>
        tpu.wait_dma2 semaphore(%arg20 : memref<!tpu.dma_semaphore, #tpu.memory_space<semaphore_mem>>) src(%dma_wait3A_548 : memref<128x64xf32, #tpu.memory_space<vmem>>) dst(%dma_wait3A_544 : memref<128x64xf32, #tpu.memory_space<hbm>>)
      } else {
      }
      %dma_start3A_276 = arith.constant 5 : i32
      %dma_start3A_277 = arith.constant 5 : i32
      %dma_start3A_278 = arith.constant 0 : i32
      %dma_start3A_279 = arith.constant 0 : i32
      %dma_start3A_280 = tpu.memref_slice %arg6[%dma_start3A_277, %dma_start3A_278, %dma_start3A_279] : memref<8x128x64xf32, #tpu.memory_space<vmem>> -> memref<1x128x64xf32, #tpu.memory_space<vmem>>
      %dma_start3A_281 = tpu.memref_squeeze %dma_start3A_280 : memref<1x128x64xf32, #tpu.memory_space<vmem>> -> memref<128x64xf32, #tpu.memory_space<vmem>>
      %dma_start3A_282 = arith.constant 0 : i32
      %dma_start3A_283 = tpu.memref_slice %arg5[%scan3A_192, %dma_start3A_276, %dma_start3A_282] : memref<25x8x128xi32, #tpu.memory_space<vmem>> -> memref<1x1x128xi32, #tpu.memory_space<vmem>>
      %dma_start3A_284 = tpu.memref_squeeze %dma_start3A_283 : memref<1x1x128xi32, #tpu.memory_space<vmem>> -> memref<128xi32, #tpu.memory_space<vmem>>
      %dma_start3A_285 = arith.constant 0 : i32
      %dma_start3A_286 = arith.constant 0 : i32
      %dma_start3A_287 = tpu.memref_slice %arg3[%dma_start3A_285, %dma_start3A_286] : memref<2000000x64xf32, #tpu.memory_space<hbm>> -> memref<2000000x64xf32, #tpu.memory_space<hbm>>
      tpu.enqueue_indirect_dma source(%dma_start3A_287 : memref<2000000x64xf32, #tpu.memory_space<hbm>>) target(%dma_start3A_281 : memref<128x64xf32, #tpu.memory_space<vmem>>) offsets(%dma_start3A_284 : memref<128xi32, #tpu.memory_space<vmem>>) semaphore(%arg12 : memref<!tpu.dma_semaphore, #tpu.memory_space<semaphore_mem>>)
      %mul3A_288 = arith.constant 8 : i32
      %mul3A_289 = arith.muli %scan3A_192, %mul3A_288 : i32
      %add3A_290 = arith.constant 2 : i32
      %add3A_291 = arith.addi %mul3A_289, %add3A_290 : i32
      %dma_wait3A_292 = arith.constant 0 : i32
      %dma_wait3A_293 = arith.constant 0 : i32
      %dma_wait3A_294 = arith.constant 2 : i32
      %dma_wait3A_295 = arith.constant 0 : i32
      %dma_wait3A_296 = arith.constant 0 : i32
      %dma_wait3A_297 = tpu.memref_slice %arg6[%dma_wait3A_294, %dma_wait3A_295, %dma_wait3A_296] : memref<8x128x64xf32, #tpu.memory_space<vmem>> -> memref<1x128x64xf32, #tpu.memory_space<vmem>>
      %dma_wait3A_298 = tpu.memref_squeeze %dma_wait3A_297 : memref<1x128x64xf32, #tpu.memory_space<vmem>> -> memref<128x64xf32, #tpu.memory_space<vmem>>
      %dma_wait3A_299 = arith.constant 0 : i32
      %dma_wait3A_300 = tpu.memref_slice %arg5[%dma_wait3A_292, %dma_wait3A_293, %dma_wait3A_299] : memref<25x8x128xi32, #tpu.memory_space<vmem>> -> memref<1x1x128xi32, #tpu.memory_space<vmem>>
      %dma_wait3A_301 = tpu.memref_squeeze %dma_wait3A_300 : memref<1x1x128xi32, #tpu.memory_space<vmem>> -> memref<128xi32, #tpu.memory_space<vmem>>
      %dma_wait3A_302 = arith.constant 0 : i32
      %dma_wait3A_303 = arith.constant 0 : i32
      %dma_wait3A_304 = tpu.memref_slice %arg3[%dma_wait3A_302, %dma_wait3A_303] : memref<2000000x64xf32, #tpu.memory_space<hbm>> -> memref<2000000x64xf32, #tpu.memory_space<hbm>>
      tpu.wait_indirect_dma semaphore(%arg9 : memref<!tpu.dma_semaphore, #tpu.memory_space<semaphore_mem>>) src(%dma_wait3A_304 : memref<2000000x64xf32, #tpu.memory_space<hbm>>) dst(%dma_wait3A_298 : memref<128x64xf32, #tpu.memory_space<vmem>>)
      %dma_start3A_305 = arith.constant 2 : i32
      %dma_start3A_306 = arith.constant 0 : i32
      %dma_start3A_307 = arith.constant 0 : i32
      %dma_start3A_308 = tpu.memref_slice %arg6[%dma_start3A_305, %dma_start3A_306, %dma_start3A_307] : memref<8x128x64xf32, #tpu.memory_space<vmem>> -> memref<1x128x64xf32, #tpu.memory_space<vmem>>
      %dma_start3A_309 = tpu.memref_squeeze %dma_start3A_308 : memref<1x128x64xf32, #tpu.memory_space<vmem>> -> memref<128x64xf32, #tpu.memory_space<vmem>>
      %dma_start3A_310 = arith.constant 0 : i32
      %dma_start3A_311 = tpu.memref_slice %arg4[%mul3A_2, %add3A_291, %dma_start3A_310] : memref<4096x200x128xf32, #tpu.memory_space<hbm>> -> memref<128x1x64xf32, #tpu.memory_space<hbm>>
      %dma_start3A_312 = tpu.memref_squeeze %dma_start3A_311 : memref<128x1x64xf32, #tpu.memory_space<hbm>> -> memref<128x64xf32, #tpu.memory_space<hbm>>
      %dma_start3A_313 = arith.constant 0 : i32
      %dma_start3A_314 = tpu.memref_slice %arg4[%mul3A_2, %add3A_291, %dma_start3A_313] : memref<4096x200x128xf32, #tpu.memory_space<hbm>> -> memref<128x1x64xf32, #tpu.memory_space<hbm>>
      %dma_start3A_315 = tpu.memref_squeeze %dma_start3A_314 : memref<128x1x64xf32, #tpu.memory_space<hbm>> -> memref<128x64xf32, #tpu.memory_space<hbm>>
      %dma_start3A_316 = arith.constant 0 : i32
      %dma_start3A_317 = arith.constant 0 : i32
      %dma_start3A_318 = tpu.memref_slice %arg6[%dma_start3A_305, %dma_start3A_316, %dma_start3A_317] : memref<8x128x64xf32, #tpu.memory_space<vmem>> -> memref<1x128x64xf32, #tpu.memory_space<vmem>>
      %dma_start3A_319 = tpu.memref_squeeze %dma_start3A_318 : memref<1x128x64xf32, #tpu.memory_space<vmem>> -> memref<128x64xf32, #tpu.memory_space<vmem>>
      tpu.enqueue_dma source(%dma_start3A_319 : memref<128x64xf32, #tpu.memory_space<vmem>>) target(%dma_start3A_315 : memref<128x64xf32, #tpu.memory_space<hbm>>) target_semaphore(%arg17 : memref<!tpu.dma_semaphore, #tpu.memory_space<semaphore_mem>>)
      %gt3A_320 = arith.constant 0 : i32
      %gt3A_321 = arith.cmpi sgt, %scan3A_192, %gt3A_320 : i32
      %convert_element_type3A_322 = arith.extui %gt3A_321 : i1 to i32
      %cond3A_323 = arith.constant 0 : i32
      %cond3A_324 = arith.cmpi ne, %convert_element_type3A_322, %cond3A_323 : i32
      scf.if %cond3A_324 {
        %dma_wait3A_533 = arith.constant 6 : i32
        %dma_wait3A_534 = arith.constant 0 : i32
        %dma_wait3A_535 = arith.constant 0 : i32
        %dma_wait3A_536 = arith.constant 0 : i32
        %dma_wait3A_537 = tpu.memref_slice %arg6[%dma_wait3A_533, %dma_wait3A_535, %dma_wait3A_536] : memref<8x128x64xf32, #tpu.memory_space<vmem>> -> memref<1x128x64xf32, #tpu.memory_space<vmem>>
        %dma_wait3A_538 = tpu.memref_squeeze %dma_wait3A_537 : memref<1x128x64xf32, #tpu.memory_space<vmem>> -> memref<128x64xf32, #tpu.memory_space<vmem>>
        %dma_wait3A_539 = arith.constant 0 : i32
        %dma_wait3A_540 = tpu.memref_slice %arg4[%mul3A_2, %dma_wait3A_534, %dma_wait3A_539] : memref<4096x200x128xf32, #tpu.memory_space<hbm>> -> memref<128x1x64xf32, #tpu.memory_space<hbm>>
        %dma_wait3A_541 = tpu.memref_squeeze %dma_wait3A_540 : memref<128x1x64xf32, #tpu.memory_space<hbm>> -> memref<128x64xf32, #tpu.memory_space<hbm>>
        %dma_wait3A_542 = arith.constant 0 : i32
        %dma_wait3A_543 = tpu.memref_slice %arg4[%mul3A_2, %dma_wait3A_534, %dma_wait3A_542] : memref<4096x200x128xf32, #tpu.memory_space<hbm>> -> memref<128x1x64xf32, #tpu.memory_space<hbm>>
        %dma_wait3A_544 = tpu.memref_squeeze %dma_wait3A_543 : memref<128x1x64xf32, #tpu.memory_space<hbm>> -> memref<128x64xf32, #tpu.memory_space<hbm>>
        %dma_wait3A_545 = arith.constant 0 : i32
        %dma_wait3A_546 = arith.constant 0 : i32
        %dma_wait3A_547 = tpu.memref_slice %arg6[%dma_wait3A_533, %dma_wait3A_545, %dma_wait3A_546] : memref<8x128x64xf32, #tpu.memory_space<vmem>> -> memref<1x128x64xf32, #tpu.memory_space<vmem>>
        %dma_wait3A_548 = tpu.memref_squeeze %dma_wait3A_547 : memref<1x128x64xf32, #tpu.memory_space<vmem>> -> memref<128x64xf32, #tpu.memory_space<vmem>>
        tpu.wait_dma2 semaphore(%arg21 : memref<!tpu.dma_semaphore, #tpu.memory_space<semaphore_mem>>) src(%dma_wait3A_548 : memref<128x64xf32, #tpu.memory_space<vmem>>) dst(%dma_wait3A_544 : memref<128x64xf32, #tpu.memory_space<hbm>>)
      } else {
      }
      %dma_start3A_325 = arith.constant 6 : i32
      %dma_start3A_326 = arith.constant 6 : i32
      %dma_start3A_327 = arith.constant 0 : i32
      %dma_start3A_328 = arith.constant 0 : i32
      %dma_start3A_329 = tpu.memref_slice %arg6[%dma_start3A_326, %dma_start3A_327, %dma_start3A_328] : memref<8x128x64xf32, #tpu.memory_space<vmem>> -> memref<1x128x64xf32, #tpu.memory_space<vmem>>
      %dma_start3A_330 = tpu.memref_squeeze %dma_start3A_329 : memref<1x128x64xf32, #tpu.memory_space<vmem>> -> memref<128x64xf32, #tpu.memory_space<vmem>>
      %dma_start3A_331 = arith.constant 0 : i32
      %dma_start3A_332 = tpu.memref_slice %arg5[%scan3A_192, %dma_start3A_325, %dma_start3A_331] : memref<25x8x128xi32, #tpu.memory_space<vmem>> -> memref<1x1x128xi32, #tpu.memory_space<vmem>>
      %dma_start3A_333 = tpu.memref_squeeze %dma_start3A_332 : memref<1x1x128xi32, #tpu.memory_space<vmem>> -> memref<128xi32, #tpu.memory_space<vmem>>
      %dma_start3A_334 = arith.constant 0 : i32
      %dma_start3A_335 = arith.constant 0 : i32
      %dma_start3A_336 = tpu.memref_slice %arg3[%dma_start3A_334, %dma_start3A_335] : memref<2000000x64xf32, #tpu.memory_space<hbm>> -> memref<2000000x64xf32, #tpu.memory_space<hbm>>
      tpu.enqueue_indirect_dma source(%dma_start3A_336 : memref<2000000x64xf32, #tpu.memory_space<hbm>>) target(%dma_start3A_330 : memref<128x64xf32, #tpu.memory_space<vmem>>) offsets(%dma_start3A_333 : memref<128xi32, #tpu.memory_space<vmem>>) semaphore(%arg13 : memref<!tpu.dma_semaphore, #tpu.memory_space<semaphore_mem>>)
      %mul3A_337 = arith.constant 8 : i32
      %mul3A_338 = arith.muli %scan3A_192, %mul3A_337 : i32
      %add3A_339 = arith.constant 3 : i32
      %add3A_340 = arith.addi %mul3A_338, %add3A_339 : i32
      %dma_wait3A_341 = arith.constant 0 : i32
      %dma_wait3A_342 = arith.constant 0 : i32
      %dma_wait3A_343 = arith.constant 3 : i32
      %dma_wait3A_344 = arith.constant 0 : i32
      %dma_wait3A_345 = arith.constant 0 : i32
      %dma_wait3A_346 = tpu.memref_slice %arg6[%dma_wait3A_343, %dma_wait3A_344, %dma_wait3A_345] : memref<8x128x64xf32, #tpu.memory_space<vmem>> -> memref<1x128x64xf32, #tpu.memory_space<vmem>>
      %dma_wait3A_347 = tpu.memref_squeeze %dma_wait3A_346 : memref<1x128x64xf32, #tpu.memory_space<vmem>> -> memref<128x64xf32, #tpu.memory_space<vmem>>
      %dma_wait3A_348 = arith.constant 0 : i32
      %dma_wait3A_349 = tpu.memref_slice %arg5[%dma_wait3A_341, %dma_wait3A_342, %dma_wait3A_348] : memref<25x8x128xi32, #tpu.memory_space<vmem>> -> memref<1x1x128xi32, #tpu.memory_space<vmem>>
      %dma_wait3A_350 = tpu.memref_squeeze %dma_wait3A_349 : memref<1x1x128xi32, #tpu.memory_space<vmem>> -> memref<128xi32, #tpu.memory_space<vmem>>
      %dma_wait3A_351 = arith.constant 0 : i32
      %dma_wait3A_352 = arith.constant 0 : i32
      %dma_wait3A_353 = tpu.memref_slice %arg3[%dma_wait3A_351, %dma_wait3A_352] : memref<2000000x64xf32, #tpu.memory_space<hbm>> -> memref<2000000x64xf32, #tpu.memory_space<hbm>>
      tpu.wait_indirect_dma semaphore(%arg10 : memref<!tpu.dma_semaphore, #tpu.memory_space<semaphore_mem>>) src(%dma_wait3A_353 : memref<2000000x64xf32, #tpu.memory_space<hbm>>) dst(%dma_wait3A_347 : memref<128x64xf32, #tpu.memory_space<vmem>>)
      %dma_start3A_354 = arith.constant 3 : i32
      %dma_start3A_355 = arith.constant 0 : i32
      %dma_start3A_356 = arith.constant 0 : i32
      %dma_start3A_357 = tpu.memref_slice %arg6[%dma_start3A_354, %dma_start3A_355, %dma_start3A_356] : memref<8x128x64xf32, #tpu.memory_space<vmem>> -> memref<1x128x64xf32, #tpu.memory_space<vmem>>
      %dma_start3A_358 = tpu.memref_squeeze %dma_start3A_357 : memref<1x128x64xf32, #tpu.memory_space<vmem>> -> memref<128x64xf32, #tpu.memory_space<vmem>>
      %dma_start3A_359 = arith.constant 0 : i32
      %dma_start3A_360 = tpu.memref_slice %arg4[%mul3A_2, %add3A_340, %dma_start3A_359] : memref<4096x200x128xf32, #tpu.memory_space<hbm>> -> memref<128x1x64xf32, #tpu.memory_space<hbm>>
      %dma_start3A_361 = tpu.memref_squeeze %dma_start3A_360 : memref<128x1x64xf32, #tpu.memory_space<hbm>> -> memref<128x64xf32, #tpu.memory_space<hbm>>
      %dma_start3A_362 = arith.constant 0 : i32
      %dma_start3A_363 = tpu.memref_slice %arg4[%mul3A_2, %add3A_340, %dma_start3A_362] : memref<4096x200x128xf32, #tpu.memory_space<hbm>> -> memref<128x1x64xf32, #tpu.memory_space<hbm>>
      %dma_start3A_364 = tpu.memref_squeeze %dma_start3A_363 : memref<128x1x64xf32, #tpu.memory_space<hbm>> -> memref<128x64xf32, #tpu.memory_space<hbm>>
      %dma_start3A_365 = arith.constant 0 : i32
      %dma_start3A_366 = arith.constant 0 : i32
      %dma_start3A_367 = tpu.memref_slice %arg6[%dma_start3A_354, %dma_start3A_365, %dma_start3A_366] : memref<8x128x64xf32, #tpu.memory_space<vmem>> -> memref<1x128x64xf32, #tpu.memory_space<vmem>>
      %dma_start3A_368 = tpu.memref_squeeze %dma_start3A_367 : memref<1x128x64xf32, #tpu.memory_space<vmem>> -> memref<128x64xf32, #tpu.memory_space<vmem>>
      tpu.enqueue_dma source(%dma_start3A_368 : memref<128x64xf32, #tpu.memory_space<vmem>>) target(%dma_start3A_364 : memref<128x64xf32, #tpu.memory_space<hbm>>) target_semaphore(%arg18 : memref<!tpu.dma_semaphore, #tpu.memory_space<semaphore_mem>>)
      %gt3A_369 = arith.constant 0 : i32
      %gt3A_370 = arith.cmpi sgt, %scan3A_192, %gt3A_369 : i32
      %convert_element_type3A_371 = arith.extui %gt3A_370 : i1 to i32
      %cond3A_372 = arith.constant 0 : i32
      %cond3A_373 = arith.cmpi ne, %convert_element_type3A_371, %cond3A_372 : i32
      scf.if %cond3A_373 {
        %dma_wait3A_533 = arith.constant 7 : i32
        %dma_wait3A_534 = arith.constant 0 : i32
        %dma_wait3A_535 = arith.constant 0 : i32
        %dma_wait3A_536 = arith.constant 0 : i32
        %dma_wait3A_537 = tpu.memref_slice %arg6[%dma_wait3A_533, %dma_wait3A_535, %dma_wait3A_536] : memref<8x128x64xf32, #tpu.memory_space<vmem>> -> memref<1x128x64xf32, #tpu.memory_space<vmem>>
        %dma_wait3A_538 = tpu.memref_squeeze %dma_wait3A_537 : memref<1x128x64xf32, #tpu.memory_space<vmem>> -> memref<128x64xf32, #tpu.memory_space<vmem>>
        %dma_wait3A_539 = arith.constant 0 : i32
        %dma_wait3A_540 = tpu.memref_slice %arg4[%mul3A_2, %dma_wait3A_534, %dma_wait3A_539] : memref<4096x200x128xf32, #tpu.memory_space<hbm>> -> memref<128x1x64xf32, #tpu.memory_space<hbm>>
        %dma_wait3A_541 = tpu.memref_squeeze %dma_wait3A_540 : memref<128x1x64xf32, #tpu.memory_space<hbm>> -> memref<128x64xf32, #tpu.memory_space<hbm>>
        %dma_wait3A_542 = arith.constant 0 : i32
        %dma_wait3A_543 = tpu.memref_slice %arg4[%mul3A_2, %dma_wait3A_534, %dma_wait3A_542] : memref<4096x200x128xf32, #tpu.memory_space<hbm>> -> memref<128x1x64xf32, #tpu.memory_space<hbm>>
        %dma_wait3A_544 = tpu.memref_squeeze %dma_wait3A_543 : memref<128x1x64xf32, #tpu.memory_space<hbm>> -> memref<128x64xf32, #tpu.memory_space<hbm>>
        %dma_wait3A_545 = arith.constant 0 : i32
        %dma_wait3A_546 = arith.constant 0 : i32
        %dma_wait3A_547 = tpu.memref_slice %arg6[%dma_wait3A_533, %dma_wait3A_545, %dma_wait3A_546] : memref<8x128x64xf32, #tpu.memory_space<vmem>> -> memref<1x128x64xf32, #tpu.memory_space<vmem>>
        %dma_wait3A_548 = tpu.memref_squeeze %dma_wait3A_547 : memref<1x128x64xf32, #tpu.memory_space<vmem>> -> memref<128x64xf32, #tpu.memory_space<vmem>>
        tpu.wait_dma2 semaphore(%arg22 : memref<!tpu.dma_semaphore, #tpu.memory_space<semaphore_mem>>) src(%dma_wait3A_548 : memref<128x64xf32, #tpu.memory_space<vmem>>) dst(%dma_wait3A_544 : memref<128x64xf32, #tpu.memory_space<hbm>>)
      } else {
      }
      %dma_start3A_374 = arith.constant 7 : i32
      %dma_start3A_375 = arith.constant 7 : i32
      %dma_start3A_376 = arith.constant 0 : i32
      %dma_start3A_377 = arith.constant 0 : i32
      %dma_start3A_378 = tpu.memref_slice %arg6[%dma_start3A_375, %dma_start3A_376, %dma_start3A_377] : memref<8x128x64xf32, #tpu.memory_space<vmem>> -> memref<1x128x64xf32, #tpu.memory_space<vmem>>
      %dma_start3A_379 = tpu.memref_squeeze %dma_start3A_378 : memref<1x128x64xf32, #tpu.memory_space<vmem>> -> memref<128x64xf32, #tpu.memory_space<vmem>>
      %dma_start3A_380 = arith.constant 0 : i32
      %dma_start3A_381 = tpu.memref_slice %arg5[%scan3A_192, %dma_start3A_374, %dma_start3A_380] : memref<25x8x128xi32, #tpu.memory_space<vmem>> -> memref<1x1x128xi32, #tpu.memory_space<vmem>>
      %dma_start3A_382 = tpu.memref_squeeze %dma_start3A_381 : memref<1x1x128xi32, #tpu.memory_space<vmem>> -> memref<128xi32, #tpu.memory_space<vmem>>
      %dma_start3A_383 = arith.constant 0 : i32
      %dma_start3A_384 = arith.constant 0 : i32
      %dma_start3A_385 = tpu.memref_slice %arg3[%dma_start3A_383, %dma_start3A_384] : memref<2000000x64xf32, #tpu.memory_space<hbm>> -> memref<2000000x64xf32, #tpu.memory_space<hbm>>
      tpu.enqueue_indirect_dma source(%dma_start3A_385 : memref<2000000x64xf32, #tpu.memory_space<hbm>>) target(%dma_start3A_379 : memref<128x64xf32, #tpu.memory_space<vmem>>) offsets(%dma_start3A_382 : memref<128xi32, #tpu.memory_space<vmem>>) semaphore(%arg14 : memref<!tpu.dma_semaphore, #tpu.memory_space<semaphore_mem>>)
      %mul3A_386 = arith.constant 8 : i32
      %mul3A_387 = arith.muli %scan3A_192, %mul3A_386 : i32
      %add3A_388 = arith.constant 4 : i32
      %add3A_389 = arith.addi %mul3A_387, %add3A_388 : i32
      %dma_wait3A_390 = arith.constant 0 : i32
      %dma_wait3A_391 = arith.constant 0 : i32
      %dma_wait3A_392 = arith.constant 4 : i32
      %dma_wait3A_393 = arith.constant 0 : i32
      %dma_wait3A_394 = arith.constant 0 : i32
      %dma_wait3A_395 = tpu.memref_slice %arg6[%dma_wait3A_392, %dma_wait3A_393, %dma_wait3A_394] : memref<8x128x64xf32, #tpu.memory_space<vmem>> -> memref<1x128x64xf32, #tpu.memory_space<vmem>>
      %dma_wait3A_396 = tpu.memref_squeeze %dma_wait3A_395 : memref<1x128x64xf32, #tpu.memory_space<vmem>> -> memref<128x64xf32, #tpu.memory_space<vmem>>
      %dma_wait3A_397 = arith.constant 0 : i32
      %dma_wait3A_398 = tpu.memref_slice %arg5[%dma_wait3A_390, %dma_wait3A_391, %dma_wait3A_397] : memref<25x8x128xi32, #tpu.memory_space<vmem>> -> memref<1x1x128xi32, #tpu.memory_space<vmem>>
      %dma_wait3A_399 = tpu.memref_squeeze %dma_wait3A_398 : memref<1x1x128xi32, #tpu.memory_space<vmem>> -> memref<128xi32, #tpu.memory_space<vmem>>
      %dma_wait3A_400 = arith.constant 0 : i32
      %dma_wait3A_401 = arith.constant 0 : i32
      %dma_wait3A_402 = tpu.memref_slice %arg3[%dma_wait3A_400, %dma_wait3A_401] : memref<2000000x64xf32, #tpu.memory_space<hbm>> -> memref<2000000x64xf32, #tpu.memory_space<hbm>>
      tpu.wait_indirect_dma semaphore(%arg11 : memref<!tpu.dma_semaphore, #tpu.memory_space<semaphore_mem>>) src(%dma_wait3A_402 : memref<2000000x64xf32, #tpu.memory_space<hbm>>) dst(%dma_wait3A_396 : memref<128x64xf32, #tpu.memory_space<vmem>>)
      %dma_start3A_403 = arith.constant 4 : i32
      %dma_start3A_404 = arith.constant 0 : i32
      %dma_start3A_405 = arith.constant 0 : i32
      %dma_start3A_406 = tpu.memref_slice %arg6[%dma_start3A_403, %dma_start3A_404, %dma_start3A_405] : memref<8x128x64xf32, #tpu.memory_space<vmem>> -> memref<1x128x64xf32, #tpu.memory_space<vmem>>
      %dma_start3A_407 = tpu.memref_squeeze %dma_start3A_406 : memref<1x128x64xf32, #tpu.memory_space<vmem>> -> memref<128x64xf32, #tpu.memory_space<vmem>>
      %dma_start3A_408 = arith.constant 0 : i32
      %dma_start3A_409 = tpu.memref_slice %arg4[%mul3A_2, %add3A_389, %dma_start3A_408] : memref<4096x200x128xf32, #tpu.memory_space<hbm>> -> memref<128x1x64xf32, #tpu.memory_space<hbm>>
      %dma_start3A_410 = tpu.memref_squeeze %dma_start3A_409 : memref<128x1x64xf32, #tpu.memory_space<hbm>> -> memref<128x64xf32, #tpu.memory_space<hbm>>
      %dma_start3A_411 = arith.constant 0 : i32
      %dma_start3A_412 = tpu.memref_slice %arg4[%mul3A_2, %add3A_389, %dma_start3A_411] : memref<4096x200x128xf32, #tpu.memory_space<hbm>> -> memref<128x1x64xf32, #tpu.memory_space<hbm>>
      %dma_start3A_413 = tpu.memref_squeeze %dma_start3A_412 : memref<128x1x64xf32, #tpu.memory_space<hbm>> -> memref<128x64xf32, #tpu.memory_space<hbm>>
      %dma_start3A_414 = arith.constant 0 : i32
      %dma_start3A_415 = arith.constant 0 : i32
      %dma_start3A_416 = tpu.memref_slice %arg6[%dma_start3A_403, %dma_start3A_414, %dma_start3A_415] : memref<8x128x64xf32, #tpu.memory_space<vmem>> -> memref<1x128x64xf32, #tpu.memory_space<vmem>>
      %dma_start3A_417 = tpu.memref_squeeze %dma_start3A_416 : memref<1x128x64xf32, #tpu.memory_space<vmem>> -> memref<128x64xf32, #tpu.memory_space<vmem>>
      tpu.enqueue_dma source(%dma_start3A_417 : memref<128x64xf32, #tpu.memory_space<vmem>>) target(%dma_start3A_413 : memref<128x64xf32, #tpu.memory_space<hbm>>) target_semaphore(%arg19 : memref<!tpu.dma_semaphore, #tpu.memory_space<semaphore_mem>>)
      %lt3A = arith.constant 24 : i32
      %lt3A_418 = arith.cmpi slt, %scan3A_192, %lt3A : i32
      %convert_element_type3A_419 = arith.extui %lt3A_418 : i1 to i32
      %cond3A_420 = arith.constant 0 : i32
      %cond3A_421 = arith.cmpi ne, %convert_element_type3A_419, %cond3A_420 : i32
      scf.if %cond3A_421 {
        %dma_wait3A_533 = arith.constant 0 : i32
        %dma_wait3A_534 = arith.constant 0 : i32
        %dma_wait3A_535 = arith.constant 0 : i32
        %dma_wait3A_536 = arith.constant 0 : i32
        %dma_wait3A_537 = tpu.memref_slice %arg6[%dma_wait3A_533, %dma_wait3A_535, %dma_wait3A_536] : memref<8x128x64xf32, #tpu.memory_space<vmem>> -> memref<1x128x64xf32, #tpu.memory_space<vmem>>
        %dma_wait3A_538 = tpu.memref_squeeze %dma_wait3A_537 : memref<1x128x64xf32, #tpu.memory_space<vmem>> -> memref<128x64xf32, #tpu.memory_space<vmem>>
        %dma_wait3A_539 = arith.constant 0 : i32
        %dma_wait3A_540 = tpu.memref_slice %arg4[%mul3A_2, %dma_wait3A_534, %dma_wait3A_539] : memref<4096x200x128xf32, #tpu.memory_space<hbm>> -> memref<128x1x64xf32, #tpu.memory_space<hbm>>
        %dma_wait3A_541 = tpu.memref_squeeze %dma_wait3A_540 : memref<128x1x64xf32, #tpu.memory_space<hbm>> -> memref<128x64xf32, #tpu.memory_space<hbm>>
        %dma_wait3A_542 = arith.constant 0 : i32
        %dma_wait3A_543 = tpu.memref_slice %arg4[%mul3A_2, %dma_wait3A_534, %dma_wait3A_542] : memref<4096x200x128xf32, #tpu.memory_space<hbm>> -> memref<128x1x64xf32, #tpu.memory_space<hbm>>
        %dma_wait3A_544 = tpu.memref_squeeze %dma_wait3A_543 : memref<128x1x64xf32, #tpu.memory_space<hbm>> -> memref<128x64xf32, #tpu.memory_space<hbm>>
        %dma_wait3A_545 = arith.constant 0 : i32
        %dma_wait3A_546 = arith.constant 0 : i32
        %dma_wait3A_547 = tpu.memref_slice %arg6[%dma_wait3A_533, %dma_wait3A_545, %dma_wait3A_546] : memref<8x128x64xf32, #tpu.memory_space<vmem>> -> memref<1x128x64xf32, #tpu.memory_space<vmem>>
        %dma_wait3A_548 = tpu.memref_squeeze %dma_wait3A_547 : memref<1x128x64xf32, #tpu.memory_space<vmem>> -> memref<128x64xf32, #tpu.memory_space<vmem>>
        tpu.wait_dma2 semaphore(%arg15 : memref<!tpu.dma_semaphore, #tpu.memory_space<semaphore_mem>>) src(%dma_wait3A_548 : memref<128x64xf32, #tpu.memory_space<vmem>>) dst(%dma_wait3A_544 : memref<128x64xf32, #tpu.memory_space<hbm>>)
        %add3A_549 = arith.constant 1 : i32
        %add3A_550 = arith.addi %scan3A_192, %add3A_549 : i32
        %dma_start3A_551 = arith.constant 0 : i32
        %dma_start3A_552 = arith.constant 0 : i32
        %dma_start3A_553 = arith.constant 0 : i32
        %dma_start3A_554 = arith.constant 0 : i32
        %dma_start3A_555 = tpu.memref_slice %arg6[%dma_start3A_552, %dma_start3A_553, %dma_start3A_554] : memref<8x128x64xf32, #tpu.memory_space<vmem>> -> memref<1x128x64xf32, #tpu.memory_space<vmem>>
        %dma_start3A_556 = tpu.memref_squeeze %dma_start3A_555 : memref<1x128x64xf32, #tpu.memory_space<vmem>> -> memref<128x64xf32, #tpu.memory_space<vmem>>
        %dma_start3A_557 = arith.constant 0 : i32
        %dma_start3A_558 = tpu.memref_slice %arg5[%add3A_550, %dma_start3A_551, %dma_start3A_557] : memref<25x8x128xi32, #tpu.memory_space<vmem>> -> memref<1x1x128xi32, #tpu.memory_space<vmem>>
        %dma_start3A_559 = tpu.memref_squeeze %dma_start3A_558 : memref<1x1x128xi32, #tpu.memory_space<vmem>> -> memref<128xi32, #tpu.memory_space<vmem>>
        %dma_start3A_560 = arith.constant 0 : i32
        %dma_start3A_561 = arith.constant 0 : i32
        %dma_start3A_562 = tpu.memref_slice %arg3[%dma_start3A_560, %dma_start3A_561] : memref<2000000x64xf32, #tpu.memory_space<hbm>> -> memref<2000000x64xf32, #tpu.memory_space<hbm>>
        tpu.enqueue_indirect_dma source(%dma_start3A_562 : memref<2000000x64xf32, #tpu.memory_space<hbm>>) target(%dma_start3A_556 : memref<128x64xf32, #tpu.memory_space<vmem>>) offsets(%dma_start3A_559 : memref<128xi32, #tpu.memory_space<vmem>>) semaphore(%arg7 : memref<!tpu.dma_semaphore, #tpu.memory_space<semaphore_mem>>)
      } else {
      }
      %mul3A_422 = arith.constant 8 : i32
      %mul3A_423 = arith.muli %scan3A_192, %mul3A_422 : i32
      %add3A_424 = arith.constant 5 : i32
      %add3A_425 = arith.addi %mul3A_423, %add3A_424 : i32
      %dma_wait3A_426 = arith.constant 0 : i32
      %dma_wait3A_427 = arith.constant 0 : i32
      %dma_wait3A_428 = arith.constant 5 : i32
      %dma_wait3A_429 = arith.constant 0 : i32
      %dma_wait3A_430 = arith.constant 0 : i32
      %dma_wait3A_431 = tpu.memref_slice %arg6[%dma_wait3A_428, %dma_wait3A_429, %dma_wait3A_430] : memref<8x128x64xf32, #tpu.memory_space<vmem>> -> memref<1x128x64xf32, #tpu.memory_space<vmem>>
      %dma_wait3A_432 = tpu.memref_squeeze %dma_wait3A_431 : memref<1x128x64xf32, #tpu.memory_space<vmem>> -> memref<128x64xf32, #tpu.memory_space<vmem>>
      %dma_wait3A_433 = arith.constant 0 : i32
      %dma_wait3A_434 = tpu.memref_slice %arg5[%dma_wait3A_426, %dma_wait3A_427, %dma_wait3A_433] : memref<25x8x128xi32, #tpu.memory_space<vmem>> -> memref<1x1x128xi32, #tpu.memory_space<vmem>>
      %dma_wait3A_435 = tpu.memref_squeeze %dma_wait3A_434 : memref<1x1x128xi32, #tpu.memory_space<vmem>> -> memref<128xi32, #tpu.memory_space<vmem>>
      %dma_wait3A_436 = arith.constant 0 : i32
      %dma_wait3A_437 = arith.constant 0 : i32
      %dma_wait3A_438 = tpu.memref_slice %arg3[%dma_wait3A_436, %dma_wait3A_437] : memref<2000000x64xf32, #tpu.memory_space<hbm>> -> memref<2000000x64xf32, #tpu.memory_space<hbm>>
      tpu.wait_indirect_dma semaphore(%arg12 : memref<!tpu.dma_semaphore, #tpu.memory_space<semaphore_mem>>) src(%dma_wait3A_438 : memref<2000000x64xf32, #tpu.memory_space<hbm>>) dst(%dma_wait3A_432 : memref<128x64xf32, #tpu.memory_space<vmem>>)
      %dma_start3A_439 = arith.constant 5 : i32
      %dma_start3A_440 = arith.constant 0 : i32
      %dma_start3A_441 = arith.constant 0 : i32
      %dma_start3A_442 = tpu.memref_slice %arg6[%dma_start3A_439, %dma_start3A_440, %dma_start3A_441] : memref<8x128x64xf32, #tpu.memory_space<vmem>> -> memref<1x128x64xf32, #tpu.memory_space<vmem>>
      %dma_start3A_443 = tpu.memref_squeeze %dma_start3A_442 : memref<1x128x64xf32, #tpu.memory_space<vmem>> -> memref<128x64xf32, #tpu.memory_space<vmem>>
      %dma_start3A_444 = arith.constant 0 : i32
      %dma_start3A_445 = tpu.memref_slice %arg4[%mul3A_2, %add3A_425, %dma_start3A_444] : memref<4096x200x128xf32, #tpu.memory_space<hbm>> -> memref<128x1x64xf32, #tpu.memory_space<hbm>>
      %dma_start3A_446 = tpu.memref_squeeze %dma_start3A_445 : memref<128x1x64xf32, #tpu.memory_space<hbm>> -> memref<128x64xf32, #tpu.memory_space<hbm>>
      %dma_start3A_447 = arith.constant 0 : i32
      %dma_start3A_448 = tpu.memref_slice %arg4[%mul3A_2, %add3A_425, %dma_start3A_447] : memref<4096x200x128xf32, #tpu.memory_space<hbm>> -> memref<128x1x64xf32, #tpu.memory_space<hbm>>
      %dma_start3A_449 = tpu.memref_squeeze %dma_start3A_448 : memref<128x1x64xf32, #tpu.memory_space<hbm>> -> memref<128x64xf32, #tpu.memory_space<hbm>>
      %dma_start3A_450 = arith.constant 0 : i32
      %dma_start3A_451 = arith.constant 0 : i32
      %dma_start3A_452 = tpu.memref_slice %arg6[%dma_start3A_439, %dma_start3A_450, %dma_start3A_451] : memref<8x128x64xf32, #tpu.memory_space<vmem>> -> memref<1x128x64xf32, #tpu.memory_space<vmem>>
      %dma_start3A_453 = tpu.memref_squeeze %dma_start3A_452 : memref<1x128x64xf32, #tpu.memory_space<vmem>> -> memref<128x64xf32, #tpu.memory_space<vmem>>
      tpu.enqueue_dma source(%dma_start3A_453 : memref<128x64xf32, #tpu.memory_space<vmem>>) target(%dma_start3A_449 : memref<128x64xf32, #tpu.memory_space<hbm>>) target_semaphore(%arg20 : memref<!tpu.dma_semaphore, #tpu.memory_space<semaphore_mem>>)
      %lt3A_454 = arith.constant 24 : i32
      %lt3A_455 = arith.cmpi slt, %scan3A_192, %lt3A_454 : i32
      %convert_element_type3A_456 = arith.extui %lt3A_455 : i1 to i32
      %cond3A_457 = arith.constant 0 : i32
      %cond3A_458 = arith.cmpi ne, %convert_element_type3A_456, %cond3A_457 : i32
      scf.if %cond3A_458 {
        %dma_wait3A_533 = arith.constant 1 : i32
        %dma_wait3A_534 = arith.constant 0 : i32
        %dma_wait3A_535 = arith.constant 0 : i32
        %dma_wait3A_536 = arith.constant 0 : i32
        %dma_wait3A_537 = tpu.memref_slice %arg6[%dma_wait3A_533, %dma_wait3A_535, %dma_wait3A_536] : memref<8x128x64xf32, #tpu.memory_space<vmem>> -> memref<1x128x64xf32, #tpu.memory_space<vmem>>
        %dma_wait3A_538 = tpu.memref_squeeze %dma_wait3A_537 : memref<1x128x64xf32, #tpu.memory_space<vmem>> -> memref<128x64xf32, #tpu.memory_space<vmem>>
        %dma_wait3A_539 = arith.constant 0 : i32
        %dma_wait3A_540 = tpu.memref_slice %arg4[%mul3A_2, %dma_wait3A_534, %dma_wait3A_539] : memref<4096x200x128xf32, #tpu.memory_space<hbm>> -> memref<128x1x64xf32, #tpu.memory_space<hbm>>
        %dma_wait3A_541 = tpu.memref_squeeze %dma_wait3A_540 : memref<128x1x64xf32, #tpu.memory_space<hbm>> -> memref<128x64xf32, #tpu.memory_space<hbm>>
        %dma_wait3A_542 = arith.constant 0 : i32
        %dma_wait3A_543 = tpu.memref_slice %arg4[%mul3A_2, %dma_wait3A_534, %dma_wait3A_542] : memref<4096x200x128xf32, #tpu.memory_space<hbm>> -> memref<128x1x64xf32, #tpu.memory_space<hbm>>
        %dma_wait3A_544 = tpu.memref_squeeze %dma_wait3A_543 : memref<128x1x64xf32, #tpu.memory_space<hbm>> -> memref<128x64xf32, #tpu.memory_space<hbm>>
        %dma_wait3A_545 = arith.constant 0 : i32
        %dma_wait3A_546 = arith.constant 0 : i32
        %dma_wait3A_547 = tpu.memref_slice %arg6[%dma_wait3A_533, %dma_wait3A_545, %dma_wait3A_546] : memref<8x128x64xf32, #tpu.memory_space<vmem>> -> memref<1x128x64xf32, #tpu.memory_space<vmem>>
        %dma_wait3A_548 = tpu.memref_squeeze %dma_wait3A_547 : memref<1x128x64xf32, #tpu.memory_space<vmem>> -> memref<128x64xf32, #tpu.memory_space<vmem>>
        tpu.wait_dma2 semaphore(%arg16 : memref<!tpu.dma_semaphore, #tpu.memory_space<semaphore_mem>>) src(%dma_wait3A_548 : memref<128x64xf32, #tpu.memory_space<vmem>>) dst(%dma_wait3A_544 : memref<128x64xf32, #tpu.memory_space<hbm>>)
        %add3A_549 = arith.constant 1 : i32
        %add3A_550 = arith.addi %scan3A_192, %add3A_549 : i32
        %dma_start3A_551 = arith.constant 1 : i32
        %dma_start3A_552 = arith.constant 1 : i32
        %dma_start3A_553 = arith.constant 0 : i32
        %dma_start3A_554 = arith.constant 0 : i32
        %dma_start3A_555 = tpu.memref_slice %arg6[%dma_start3A_552, %dma_start3A_553, %dma_start3A_554] : memref<8x128x64xf32, #tpu.memory_space<vmem>> -> memref<1x128x64xf32, #tpu.memory_space<vmem>>
        %dma_start3A_556 = tpu.memref_squeeze %dma_start3A_555 : memref<1x128x64xf32, #tpu.memory_space<vmem>> -> memref<128x64xf32, #tpu.memory_space<vmem>>
        %dma_start3A_557 = arith.constant 0 : i32
        %dma_start3A_558 = tpu.memref_slice %arg5[%add3A_550, %dma_start3A_551, %dma_start3A_557] : memref<25x8x128xi32, #tpu.memory_space<vmem>> -> memref<1x1x128xi32, #tpu.memory_space<vmem>>
        %dma_start3A_559 = tpu.memref_squeeze %dma_start3A_558 : memref<1x1x128xi32, #tpu.memory_space<vmem>> -> memref<128xi32, #tpu.memory_space<vmem>>
        %dma_start3A_560 = arith.constant 0 : i32
        %dma_start3A_561 = arith.constant 0 : i32
        %dma_start3A_562 = tpu.memref_slice %arg3[%dma_start3A_560, %dma_start3A_561] : memref<2000000x64xf32, #tpu.memory_space<hbm>> -> memref<2000000x64xf32, #tpu.memory_space<hbm>>
        tpu.enqueue_indirect_dma source(%dma_start3A_562 : memref<2000000x64xf32, #tpu.memory_space<hbm>>) target(%dma_start3A_556 : memref<128x64xf32, #tpu.memory_space<vmem>>) offsets(%dma_start3A_559 : memref<128xi32, #tpu.memory_space<vmem>>) semaphore(%arg8 : memref<!tpu.dma_semaphore, #tpu.memory_space<semaphore_mem>>)
      } else {
      }
      %mul3A_459 = arith.constant 8 : i32
      %mul3A_460 = arith.muli %scan3A_192, %mul3A_459 : i32
      %add3A_461 = arith.constant 6 : i32
      %add3A_462 = arith.addi %mul3A_460, %add3A_461 : i32
      %dma_wait3A_463 = arith.constant 0 : i32
      %dma_wait3A_464 = arith.constant 0 : i32
      %dma_wait3A_465 = arith.constant 6 : i32
      %dma_wait3A_466 = arith.constant 0 : i32
      %dma_wait3A_467 = arith.constant 0 : i32
      %dma_wait3A_468 = tpu.memref_slice %arg6[%dma_wait3A_465, %dma_wait3A_466, %dma_wait3A_467] : memref<8x128x64xf32, #tpu.memory_space<vmem>> -> memref<1x128x64xf32, #tpu.memory_space<vmem>>
      %dma_wait3A_469 = tpu.memref_squeeze %dma_wait3A_468 : memref<1x128x64xf32, #tpu.memory_space<vmem>> -> memref<128x64xf32, #tpu.memory_space<vmem>>
      %dma_wait3A_470 = arith.constant 0 : i32
      %dma_wait3A_471 = tpu.memref_slice %arg5[%dma_wait3A_463, %dma_wait3A_464, %dma_wait3A_470] : memref<25x8x128xi32, #tpu.memory_space<vmem>> -> memref<1x1x128xi32, #tpu.memory_space<vmem>>
      %dma_wait3A_472 = tpu.memref_squeeze %dma_wait3A_471 : memref<1x1x128xi32, #tpu.memory_space<vmem>> -> memref<128xi32, #tpu.memory_space<vmem>>
      %dma_wait3A_473 = arith.constant 0 : i32
      %dma_wait3A_474 = arith.constant 0 : i32
      %dma_wait3A_475 = tpu.memref_slice %arg3[%dma_wait3A_473, %dma_wait3A_474] : memref<2000000x64xf32, #tpu.memory_space<hbm>> -> memref<2000000x64xf32, #tpu.memory_space<hbm>>
      tpu.wait_indirect_dma semaphore(%arg13 : memref<!tpu.dma_semaphore, #tpu.memory_space<semaphore_mem>>) src(%dma_wait3A_475 : memref<2000000x64xf32, #tpu.memory_space<hbm>>) dst(%dma_wait3A_469 : memref<128x64xf32, #tpu.memory_space<vmem>>)
      %dma_start3A_476 = arith.constant 6 : i32
      %dma_start3A_477 = arith.constant 0 : i32
      %dma_start3A_478 = arith.constant 0 : i32
      %dma_start3A_479 = tpu.memref_slice %arg6[%dma_start3A_476, %dma_start3A_477, %dma_start3A_478] : memref<8x128x64xf32, #tpu.memory_space<vmem>> -> memref<1x128x64xf32, #tpu.memory_space<vmem>>
      %dma_start3A_480 = tpu.memref_squeeze %dma_start3A_479 : memref<1x128x64xf32, #tpu.memory_space<vmem>> -> memref<128x64xf32, #tpu.memory_space<vmem>>
      %dma_start3A_481 = arith.constant 0 : i32
      %dma_start3A_482 = tpu.memref_slice %arg4[%mul3A_2, %add3A_462, %dma_start3A_481] : memref<4096x200x128xf32, #tpu.memory_space<hbm>> -> memref<128x1x64xf32, #tpu.memory_space<hbm>>
      %dma_start3A_483 = tpu.memref_squeeze %dma_start3A_482 : memref<128x1x64xf32, #tpu.memory_space<hbm>> -> memref<128x64xf32, #tpu.memory_space<hbm>>
      %dma_start3A_484 = arith.constant 0 : i32
      %dma_start3A_485 = tpu.memref_slice %arg4[%mul3A_2, %add3A_462, %dma_start3A_484] : memref<4096x200x128xf32, #tpu.memory_space<hbm>> -> memref<128x1x64xf32, #tpu.memory_space<hbm>>
      %dma_start3A_486 = tpu.memref_squeeze %dma_start3A_485 : memref<128x1x64xf32, #tpu.memory_space<hbm>> -> memref<128x64xf32, #tpu.memory_space<hbm>>
      %dma_start3A_487 = arith.constant 0 : i32
      %dma_start3A_488 = arith.constant 0 : i32
      %dma_start3A_489 = tpu.memref_slice %arg6[%dma_start3A_476, %dma_start3A_487, %dma_start3A_488] : memref<8x128x64xf32, #tpu.memory_space<vmem>> -> memref<1x128x64xf32, #tpu.memory_space<vmem>>
      %dma_start3A_490 = tpu.memref_squeeze %dma_start3A_489 : memref<1x128x64xf32, #tpu.memory_space<vmem>> -> memref<128x64xf32, #tpu.memory_space<vmem>>
      tpu.enqueue_dma source(%dma_start3A_490 : memref<128x64xf32, #tpu.memory_space<vmem>>) target(%dma_start3A_486 : memref<128x64xf32, #tpu.memory_space<hbm>>) target_semaphore(%arg21 : memref<!tpu.dma_semaphore, #tpu.memory_space<semaphore_mem>>)
      %lt3A_491 = arith.constant 24 : i32
      %lt3A_492 = arith.cmpi slt, %scan3A_192, %lt3A_491 : i32
      %convert_element_type3A_493 = arith.extui %lt3A_492 : i1 to i32
      %cond3A_494 = arith.constant 0 : i32
      %cond3A_495 = arith.cmpi ne, %convert_element_type3A_493, %cond3A_494 : i32
      scf.if %cond3A_495 {
        %dma_wait3A_533 = arith.constant 2 : i32
        %dma_wait3A_534 = arith.constant 0 : i32
        %dma_wait3A_535 = arith.constant 0 : i32
        %dma_wait3A_536 = arith.constant 0 : i32
        %dma_wait3A_537 = tpu.memref_slice %arg6[%dma_wait3A_533, %dma_wait3A_535, %dma_wait3A_536] : memref<8x128x64xf32, #tpu.memory_space<vmem>> -> memref<1x128x64xf32, #tpu.memory_space<vmem>>
        %dma_wait3A_538 = tpu.memref_squeeze %dma_wait3A_537 : memref<1x128x64xf32, #tpu.memory_space<vmem>> -> memref<128x64xf32, #tpu.memory_space<vmem>>
        %dma_wait3A_539 = arith.constant 0 : i32
        %dma_wait3A_540 = tpu.memref_slice %arg4[%mul3A_2, %dma_wait3A_534, %dma_wait3A_539] : memref<4096x200x128xf32, #tpu.memory_space<hbm>> -> memref<128x1x64xf32, #tpu.memory_space<hbm>>
        %dma_wait3A_541 = tpu.memref_squeeze %dma_wait3A_540 : memref<128x1x64xf32, #tpu.memory_space<hbm>> -> memref<128x64xf32, #tpu.memory_space<hbm>>
        %dma_wait3A_542 = arith.constant 0 : i32
        %dma_wait3A_543 = tpu.memref_slice %arg4[%mul3A_2, %dma_wait3A_534, %dma_wait3A_542] : memref<4096x200x128xf32, #tpu.memory_space<hbm>> -> memref<128x1x64xf32, #tpu.memory_space<hbm>>
        %dma_wait3A_544 = tpu.memref_squeeze %dma_wait3A_543 : memref<128x1x64xf32, #tpu.memory_space<hbm>> -> memref<128x64xf32, #tpu.memory_space<hbm>>
        %dma_wait3A_545 = arith.constant 0 : i32
        %dma_wait3A_546 = arith.constant 0 : i32
        %dma_wait3A_547 = tpu.memref_slice %arg6[%dma_wait3A_533, %dma_wait3A_545, %dma_wait3A_546] : memref<8x128x64xf32, #tpu.memory_space<vmem>> -> memref<1x128x64xf32, #tpu.memory_space<vmem>>
        %dma_wait3A_548 = tpu.memref_squeeze %dma_wait3A_547 : memref<1x128x64xf32, #tpu.memory_space<vmem>> -> memref<128x64xf32, #tpu.memory_space<vmem>>
        tpu.wait_dma2 semaphore(%arg17 : memref<!tpu.dma_semaphore, #tpu.memory_space<semaphore_mem>>) src(%dma_wait3A_548 : memref<128x64xf32, #tpu.memory_space<vmem>>) dst(%dma_wait3A_544 : memref<128x64xf32, #tpu.memory_space<hbm>>)
        %add3A_549 = arith.constant 1 : i32
        %add3A_550 = arith.addi %scan3A_192, %add3A_549 : i32
        %dma_start3A_551 = arith.constant 2 : i32
        %dma_start3A_552 = arith.constant 2 : i32
        %dma_start3A_553 = arith.constant 0 : i32
        %dma_start3A_554 = arith.constant 0 : i32
        %dma_start3A_555 = tpu.memref_slice %arg6[%dma_start3A_552, %dma_start3A_553, %dma_start3A_554] : memref<8x128x64xf32, #tpu.memory_space<vmem>> -> memref<1x128x64xf32, #tpu.memory_space<vmem>>
        %dma_start3A_556 = tpu.memref_squeeze %dma_start3A_555 : memref<1x128x64xf32, #tpu.memory_space<vmem>> -> memref<128x64xf32, #tpu.memory_space<vmem>>
        %dma_start3A_557 = arith.constant 0 : i32
        %dma_start3A_558 = tpu.memref_slice %arg5[%add3A_550, %dma_start3A_551, %dma_start3A_557] : memref<25x8x128xi32, #tpu.memory_space<vmem>> -> memref<1x1x128xi32, #tpu.memory_space<vmem>>
        %dma_start3A_559 = tpu.memref_squeeze %dma_start3A_558 : memref<1x1x128xi32, #tpu.memory_space<vmem>> -> memref<128xi32, #tpu.memory_space<vmem>>
        %dma_start3A_560 = arith.constant 0 : i32
        %dma_start3A_561 = arith.constant 0 : i32
        %dma_start3A_562 = tpu.memref_slice %arg3[%dma_start3A_560, %dma_start3A_561] : memref<2000000x64xf32, #tpu.memory_space<hbm>> -> memref<2000000x64xf32, #tpu.memory_space<hbm>>
        tpu.enqueue_indirect_dma source(%dma_start3A_562 : memref<2000000x64xf32, #tpu.memory_space<hbm>>) target(%dma_start3A_556 : memref<128x64xf32, #tpu.memory_space<vmem>>) offsets(%dma_start3A_559 : memref<128xi32, #tpu.memory_space<vmem>>) semaphore(%arg9 : memref<!tpu.dma_semaphore, #tpu.memory_space<semaphore_mem>>)
      } else {
      }
      %mul3A_496 = arith.constant 8 : i32
      %mul3A_497 = arith.muli %scan3A_192, %mul3A_496 : i32
      %add3A_498 = arith.constant 7 : i32
      %add3A_499 = arith.addi %mul3A_497, %add3A_498 : i32
      %dma_wait3A_500 = arith.constant 0 : i32
      %dma_wait3A_501 = arith.constant 0 : i32
      %dma_wait3A_502 = arith.constant 7 : i32
      %dma_wait3A_503 = arith.constant 0 : i32
      %dma_wait3A_504 = arith.constant 0 : i32
      %dma_wait3A_505 = tpu.memref_slice %arg6[%dma_wait3A_502, %dma_wait3A_503, %dma_wait3A_504] : memref<8x128x64xf32, #tpu.memory_space<vmem>> -> memref<1x128x64xf32, #tpu.memory_space<vmem>>
      %dma_wait3A_506 = tpu.memref_squeeze %dma_wait3A_505 : memref<1x128x64xf32, #tpu.memory_space<vmem>> -> memref<128x64xf32, #tpu.memory_space<vmem>>
      %dma_wait3A_507 = arith.constant 0 : i32
      %dma_wait3A_508 = tpu.memref_slice %arg5[%dma_wait3A_500, %dma_wait3A_501, %dma_wait3A_507] : memref<25x8x128xi32, #tpu.memory_space<vmem>> -> memref<1x1x128xi32, #tpu.memory_space<vmem>>
      %dma_wait3A_509 = tpu.memref_squeeze %dma_wait3A_508 : memref<1x1x128xi32, #tpu.memory_space<vmem>> -> memref<128xi32, #tpu.memory_space<vmem>>
      %dma_wait3A_510 = arith.constant 0 : i32
      %dma_wait3A_511 = arith.constant 0 : i32
      %dma_wait3A_512 = tpu.memref_slice %arg3[%dma_wait3A_510, %dma_wait3A_511] : memref<2000000x64xf32, #tpu.memory_space<hbm>> -> memref<2000000x64xf32, #tpu.memory_space<hbm>>
      tpu.wait_indirect_dma semaphore(%arg14 : memref<!tpu.dma_semaphore, #tpu.memory_space<semaphore_mem>>) src(%dma_wait3A_512 : memref<2000000x64xf32, #tpu.memory_space<hbm>>) dst(%dma_wait3A_506 : memref<128x64xf32, #tpu.memory_space<vmem>>)
      %dma_start3A_513 = arith.constant 7 : i32
      %dma_start3A_514 = arith.constant 0 : i32
      %dma_start3A_515 = arith.constant 0 : i32
      %dma_start3A_516 = tpu.memref_slice %arg6[%dma_start3A_513, %dma_start3A_514, %dma_start3A_515] : memref<8x128x64xf32, #tpu.memory_space<vmem>> -> memref<1x128x64xf32, #tpu.memory_space<vmem>>
      %dma_start3A_517 = tpu.memref_squeeze %dma_start3A_516 : memref<1x128x64xf32, #tpu.memory_space<vmem>> -> memref<128x64xf32, #tpu.memory_space<vmem>>
      %dma_start3A_518 = arith.constant 0 : i32
      %dma_start3A_519 = tpu.memref_slice %arg4[%mul3A_2, %add3A_499, %dma_start3A_518] : memref<4096x200x128xf32, #tpu.memory_space<hbm>> -> memref<128x1x64xf32, #tpu.memory_space<hbm>>
      %dma_start3A_520 = tpu.memref_squeeze %dma_start3A_519 : memref<128x1x64xf32, #tpu.memory_space<hbm>> -> memref<128x64xf32, #tpu.memory_space<hbm>>
      %dma_start3A_521 = arith.constant 0 : i32
      %dma_start3A_522 = tpu.memref_slice %arg4[%mul3A_2, %add3A_499, %dma_start3A_521] : memref<4096x200x128xf32, #tpu.memory_space<hbm>> -> memref<128x1x64xf32, #tpu.memory_space<hbm>>
      %dma_start3A_523 = tpu.memref_squeeze %dma_start3A_522 : memref<128x1x64xf32, #tpu.memory_space<hbm>> -> memref<128x64xf32, #tpu.memory_space<hbm>>
      %dma_start3A_524 = arith.constant 0 : i32
      %dma_start3A_525 = arith.constant 0 : i32
      %dma_start3A_526 = tpu.memref_slice %arg6[%dma_start3A_513, %dma_start3A_524, %dma_start3A_525] : memref<8x128x64xf32, #tpu.memory_space<vmem>> -> memref<1x128x64xf32, #tpu.memory_space<vmem>>
      %dma_start3A_527 = tpu.memref_squeeze %dma_start3A_526 : memref<1x128x64xf32, #tpu.memory_space<vmem>> -> memref<128x64xf32, #tpu.memory_space<vmem>>
      tpu.enqueue_dma source(%dma_start3A_527 : memref<128x64xf32, #tpu.memory_space<vmem>>) target(%dma_start3A_523 : memref<128x64xf32, #tpu.memory_space<hbm>>) target_semaphore(%arg22 : memref<!tpu.dma_semaphore, #tpu.memory_space<semaphore_mem>>)
      %lt3A_528 = arith.constant 24 : i32
      %lt3A_529 = arith.cmpi slt, %scan3A_192, %lt3A_528 : i32
      %convert_element_type3A_530 = arith.extui %lt3A_529 : i1 to i32
      %cond3A_531 = arith.constant 0 : i32
      %cond3A_532 = arith.cmpi ne, %convert_element_type3A_530, %cond3A_531 : i32
      scf.if %cond3A_532 {
        %dma_wait3A_533 = arith.constant 3 : i32
        %dma_wait3A_534 = arith.constant 0 : i32
        %dma_wait3A_535 = arith.constant 0 : i32
        %dma_wait3A_536 = arith.constant 0 : i32
        %dma_wait3A_537 = tpu.memref_slice %arg6[%dma_wait3A_533, %dma_wait3A_535, %dma_wait3A_536] : memref<8x128x64xf32, #tpu.memory_space<vmem>> -> memref<1x128x64xf32, #tpu.memory_space<vmem>>
        %dma_wait3A_538 = tpu.memref_squeeze %dma_wait3A_537 : memref<1x128x64xf32, #tpu.memory_space<vmem>> -> memref<128x64xf32, #tpu.memory_space<vmem>>
        %dma_wait3A_539 = arith.constant 0 : i32
        %dma_wait3A_540 = tpu.memref_slice %arg4[%mul3A_2, %dma_wait3A_534, %dma_wait3A_539] : memref<4096x200x128xf32, #tpu.memory_space<hbm>> -> memref<128x1x64xf32, #tpu.memory_space<hbm>>
        %dma_wait3A_541 = tpu.memref_squeeze %dma_wait3A_540 : memref<128x1x64xf32, #tpu.memory_space<hbm>> -> memref<128x64xf32, #tpu.memory_space<hbm>>
        %dma_wait3A_542 = arith.constant 0 : i32
        %dma_wait3A_543 = tpu.memref_slice %arg4[%mul3A_2, %dma_wait3A_534, %dma_wait3A_542] : memref<4096x200x128xf32, #tpu.memory_space<hbm>> -> memref<128x1x64xf32, #tpu.memory_space<hbm>>
        %dma_wait3A_544 = tpu.memref_squeeze %dma_wait3A_543 : memref<128x1x64xf32, #tpu.memory_space<hbm>> -> memref<128x64xf32, #tpu.memory_space<hbm>>
        %dma_wait3A_545 = arith.constant 0 : i32
        %dma_wait3A_546 = arith.constant 0 : i32
        %dma_wait3A_547 = tpu.memref_slice %arg6[%dma_wait3A_533, %dma_wait3A_545, %dma_wait3A_546] : memref<8x128x64xf32, #tpu.memory_space<vmem>> -> memref<1x128x64xf32, #tpu.memory_space<vmem>>
        %dma_wait3A_548 = tpu.memref_squeeze %dma_wait3A_547 : memref<1x128x64xf32, #tpu.memory_space<vmem>> -> memref<128x64xf32, #tpu.memory_space<vmem>>
        tpu.wait_dma2 semaphore(%arg18 : memref<!tpu.dma_semaphore, #tpu.memory_space<semaphore_mem>>) src(%dma_wait3A_548 : memref<128x64xf32, #tpu.memory_space<vmem>>) dst(%dma_wait3A_544 : memref<128x64xf32, #tpu.memory_space<hbm>>)
        %add3A_549 = arith.constant 1 : i32
        %add3A_550 = arith.addi %scan3A_192, %add3A_549 : i32
        %dma_start3A_551 = arith.constant 3 : i32
        %dma_start3A_552 = arith.constant 3 : i32
        %dma_start3A_553 = arith.constant 0 : i32
        %dma_start3A_554 = arith.constant 0 : i32
        %dma_start3A_555 = tpu.memref_slice %arg6[%dma_start3A_552, %dma_start3A_553, %dma_start3A_554] : memref<8x128x64xf32, #tpu.memory_space<vmem>> -> memref<1x128x64xf32, #tpu.memory_space<vmem>>
        %dma_start3A_556 = tpu.memref_squeeze %dma_start3A_555 : memref<1x128x64xf32, #tpu.memory_space<vmem>> -> memref<128x64xf32, #tpu.memory_space<vmem>>
        %dma_start3A_557 = arith.constant 0 : i32
        %dma_start3A_558 = tpu.memref_slice %arg5[%add3A_550, %dma_start3A_551, %dma_start3A_557] : memref<25x8x128xi32, #tpu.memory_space<vmem>> -> memref<1x1x128xi32, #tpu.memory_space<vmem>>
        %dma_start3A_559 = tpu.memref_squeeze %dma_start3A_558 : memref<1x1x128xi32, #tpu.memory_space<vmem>> -> memref<128xi32, #tpu.memory_space<vmem>>
        %dma_start3A_560 = arith.constant 0 : i32
        %dma_start3A_561 = arith.constant 0 : i32
        %dma_start3A_562 = tpu.memref_slice %arg3[%dma_start3A_560, %dma_start3A_561] : memref<2000000x64xf32, #tpu.memory_space<hbm>> -> memref<2000000x64xf32, #tpu.memory_space<hbm>>
        tpu.enqueue_indirect_dma source(%dma_start3A_562 : memref<2000000x64xf32, #tpu.memory_space<hbm>>) target(%dma_start3A_556 : memref<128x64xf32, #tpu.memory_space<vmem>>) offsets(%dma_start3A_559 : memref<128xi32, #tpu.memory_space<vmem>>) semaphore(%arg10 : memref<!tpu.dma_semaphore, #tpu.memory_space<semaphore_mem>>)
      } else {
      }
    }
    %scan3A_64 = arith.constant 25 : i32
    %dma_wait3A = arith.constant 0 : i32
    %dma_wait3A_65 = arith.constant 0 : i32
    %dma_wait3A_66 = arith.constant 0 : i32
    %dma_wait3A_67 = arith.constant 0 : i32
    %dma_wait3A_68 = tpu.memref_slice %arg6[%dma_wait3A, %dma_wait3A_66, %dma_wait3A_67] : memref<8x128x64xf32, #tpu.memory_space<vmem>> -> memref<1x128x64xf32, #tpu.memory_space<vmem>>
    %dma_wait3A_69 = tpu.memref_squeeze %dma_wait3A_68 : memref<1x128x64xf32, #tpu.memory_space<vmem>> -> memref<128x64xf32, #tpu.memory_space<vmem>>
    %dma_wait3A_70 = arith.constant 0 : i32
    %dma_wait3A_71 = tpu.memref_slice %arg4[%mul3A_2, %dma_wait3A_65, %dma_wait3A_70] : memref<4096x200x128xf32, #tpu.memory_space<hbm>> -> memref<128x1x64xf32, #tpu.memory_space<hbm>>
    %dma_wait3A_72 = tpu.memref_squeeze %dma_wait3A_71 : memref<128x1x64xf32, #tpu.memory_space<hbm>> -> memref<128x64xf32, #tpu.memory_space<hbm>>
    %dma_wait3A_73 = arith.constant 0 : i32
    %dma_wait3A_74 = tpu.memref_slice %arg4[%mul3A_2, %dma_wait3A_65, %dma_wait3A_73] : memref<4096x200x128xf32, #tpu.memory_space<hbm>> -> memref<128x1x64xf32, #tpu.memory_space<hbm>>
    %dma_wait3A_75 = tpu.memref_squeeze %dma_wait3A_74 : memref<128x1x64xf32, #tpu.memory_space<hbm>> -> memref<128x64xf32, #tpu.memory_space<hbm>>
    %dma_wait3A_76 = arith.constant 0 : i32
    %dma_wait3A_77 = arith.constant 0 : i32
    %dma_wait3A_78 = tpu.memref_slice %arg6[%dma_wait3A, %dma_wait3A_76, %dma_wait3A_77] : memref<8x128x64xf32, #tpu.memory_space<vmem>> -> memref<1x128x64xf32, #tpu.memory_space<vmem>>
    %dma_wait3A_79 = tpu.memref_squeeze %dma_wait3A_78 : memref<1x128x64xf32, #tpu.memory_space<vmem>> -> memref<128x64xf32, #tpu.memory_space<vmem>>
    tpu.wait_dma2 semaphore(%arg15 : memref<!tpu.dma_semaphore, #tpu.memory_space<semaphore_mem>>) src(%dma_wait3A_79 : memref<128x64xf32, #tpu.memory_space<vmem>>) dst(%dma_wait3A_75 : memref<128x64xf32, #tpu.memory_space<hbm>>)
    %dma_wait3A_80 = arith.constant 1 : i32
    %dma_wait3A_81 = arith.constant 0 : i32
    %dma_wait3A_82 = arith.constant 0 : i32
    %dma_wait3A_83 = arith.constant 0 : i32
    %dma_wait3A_84 = tpu.memref_slice %arg6[%dma_wait3A_80, %dma_wait3A_82, %dma_wait3A_83] : memref<8x128x64xf32, #tpu.memory_space<vmem>> -> memref<1x128x64xf32, #tpu.memory_space<vmem>>
    %dma_wait3A_85 = tpu.memref_squeeze %dma_wait3A_84 : memref<1x128x64xf32, #tpu.memory_space<vmem>> -> memref<128x64xf32, #tpu.memory_space<vmem>>
    %dma_wait3A_86 = arith.constant 0 : i32
    %dma_wait3A_87 = tpu.memref_slice %arg4[%mul3A_2, %dma_wait3A_81, %dma_wait3A_86] : memref<4096x200x128xf32, #tpu.memory_space<hbm>> -> memref<128x1x64xf32, #tpu.memory_space<hbm>>
    %dma_wait3A_88 = tpu.memref_squeeze %dma_wait3A_87 : memref<128x1x64xf32, #tpu.memory_space<hbm>> -> memref<128x64xf32, #tpu.memory_space<hbm>>
    %dma_wait3A_89 = arith.constant 0 : i32
    %dma_wait3A_90 = tpu.memref_slice %arg4[%mul3A_2, %dma_wait3A_81, %dma_wait3A_89] : memref<4096x200x128xf32, #tpu.memory_space<hbm>> -> memref<128x1x64xf32, #tpu.memory_space<hbm>>
    %dma_wait3A_91 = tpu.memref_squeeze %dma_wait3A_90 : memref<128x1x64xf32, #tpu.memory_space<hbm>> -> memref<128x64xf32, #tpu.memory_space<hbm>>
    %dma_wait3A_92 = arith.constant 0 : i32
    %dma_wait3A_93 = arith.constant 0 : i32
    %dma_wait3A_94 = tpu.memref_slice %arg6[%dma_wait3A_80, %dma_wait3A_92, %dma_wait3A_93] : memref<8x128x64xf32, #tpu.memory_space<vmem>> -> memref<1x128x64xf32, #tpu.memory_space<vmem>>
    %dma_wait3A_95 = tpu.memref_squeeze %dma_wait3A_94 : memref<1x128x64xf32, #tpu.memory_space<vmem>> -> memref<128x64xf32, #tpu.memory_space<vmem>>
    tpu.wait_dma2 semaphore(%arg16 : memref<!tpu.dma_semaphore, #tpu.memory_space<semaphore_mem>>) src(%dma_wait3A_95 : memref<128x64xf32, #tpu.memory_space<vmem>>) dst(%dma_wait3A_91 : memref<128x64xf32, #tpu.memory_space<hbm>>)
    %dma_wait3A_96 = arith.constant 2 : i32
    %dma_wait3A_97 = arith.constant 0 : i32
    %dma_wait3A_98 = arith.constant 0 : i32
    %dma_wait3A_99 = arith.constant 0 : i32
    %dma_wait3A_100 = tpu.memref_slice %arg6[%dma_wait3A_96, %dma_wait3A_98, %dma_wait3A_99] : memref<8x128x64xf32, #tpu.memory_space<vmem>> -> memref<1x128x64xf32, #tpu.memory_space<vmem>>
    %dma_wait3A_101 = tpu.memref_squeeze %dma_wait3A_100 : memref<1x128x64xf32, #tpu.memory_space<vmem>> -> memref<128x64xf32, #tpu.memory_space<vmem>>
    %dma_wait3A_102 = arith.constant 0 : i32
    %dma_wait3A_103 = tpu.memref_slice %arg4[%mul3A_2, %dma_wait3A_97, %dma_wait3A_102] : memref<4096x200x128xf32, #tpu.memory_space<hbm>> -> memref<128x1x64xf32, #tpu.memory_space<hbm>>
    %dma_wait3A_104 = tpu.memref_squeeze %dma_wait3A_103 : memref<128x1x64xf32, #tpu.memory_space<hbm>> -> memref<128x64xf32, #tpu.memory_space<hbm>>
    %dma_wait3A_105 = arith.constant 0 : i32
    %dma_wait3A_106 = tpu.memref_slice %arg4[%mul3A_2, %dma_wait3A_97, %dma_wait3A_105] : memref<4096x200x128xf32, #tpu.memory_space<hbm>> -> memref<128x1x64xf32, #tpu.memory_space<hbm>>
    %dma_wait3A_107 = tpu.memref_squeeze %dma_wait3A_106 : memref<128x1x64xf32, #tpu.memory_space<hbm>> -> memref<128x64xf32, #tpu.memory_space<hbm>>
    %dma_wait3A_108 = arith.constant 0 : i32
    %dma_wait3A_109 = arith.constant 0 : i32
    %dma_wait3A_110 = tpu.memref_slice %arg6[%dma_wait3A_96, %dma_wait3A_108, %dma_wait3A_109] : memref<8x128x64xf32, #tpu.memory_space<vmem>> -> memref<1x128x64xf32, #tpu.memory_space<vmem>>
    %dma_wait3A_111 = tpu.memref_squeeze %dma_wait3A_110 : memref<1x128x64xf32, #tpu.memory_space<vmem>> -> memref<128x64xf32, #tpu.memory_space<vmem>>
    tpu.wait_dma2 semaphore(%arg17 : memref<!tpu.dma_semaphore, #tpu.memory_space<semaphore_mem>>) src(%dma_wait3A_111 : memref<128x64xf32, #tpu.memory_space<vmem>>) dst(%dma_wait3A_107 : memref<128x64xf32, #tpu.memory_space<hbm>>)
    %dma_wait3A_112 = arith.constant 3 : i32
    %dma_wait3A_113 = arith.constant 0 : i32
    %dma_wait3A_114 = arith.constant 0 : i32
    %dma_wait3A_115 = arith.constant 0 : i32
    %dma_wait3A_116 = tpu.memref_slice %arg6[%dma_wait3A_112, %dma_wait3A_114, %dma_wait3A_115] : memref<8x128x64xf32, #tpu.memory_space<vmem>> -> memref<1x128x64xf32, #tpu.memory_space<vmem>>
    %dma_wait3A_117 = tpu.memref_squeeze %dma_wait3A_116 : memref<1x128x64xf32, #tpu.memory_space<vmem>> -> memref<128x64xf32, #tpu.memory_space<vmem>>
    %dma_wait3A_118 = arith.constant 0 : i32
    %dma_wait3A_119 = tpu.memref_slice %arg4[%mul3A_2, %dma_wait3A_113, %dma_wait3A_118] : memref<4096x200x128xf32, #tpu.memory_space<hbm>> -> memref<128x1x64xf32, #tpu.memory_space<hbm>>
    %dma_wait3A_120 = tpu.memref_squeeze %dma_wait3A_119 : memref<128x1x64xf32, #tpu.memory_space<hbm>> -> memref<128x64xf32, #tpu.memory_space<hbm>>
    %dma_wait3A_121 = arith.constant 0 : i32
    %dma_wait3A_122 = tpu.memref_slice %arg4[%mul3A_2, %dma_wait3A_113, %dma_wait3A_121] : memref<4096x200x128xf32, #tpu.memory_space<hbm>> -> memref<128x1x64xf32, #tpu.memory_space<hbm>>
    %dma_wait3A_123 = tpu.memref_squeeze %dma_wait3A_122 : memref<128x1x64xf32, #tpu.memory_space<hbm>> -> memref<128x64xf32, #tpu.memory_space<hbm>>
    %dma_wait3A_124 = arith.constant 0 : i32
    %dma_wait3A_125 = arith.constant 0 : i32
    %dma_wait3A_126 = tpu.memref_slice %arg6[%dma_wait3A_112, %dma_wait3A_124, %dma_wait3A_125] : memref<8x128x64xf32, #tpu.memory_space<vmem>> -> memref<1x128x64xf32, #tpu.memory_space<vmem>>
    %dma_wait3A_127 = tpu.memref_squeeze %dma_wait3A_126 : memref<1x128x64xf32, #tpu.memory_space<vmem>> -> memref<128x64xf32, #tpu.memory_space<vmem>>
    tpu.wait_dma2 semaphore(%arg18 : memref<!tpu.dma_semaphore, #tpu.memory_space<semaphore_mem>>) src(%dma_wait3A_127 : memref<128x64xf32, #tpu.memory_space<vmem>>) dst(%dma_wait3A_123 : memref<128x64xf32, #tpu.memory_space<hbm>>)
    %dma_wait3A_128 = arith.constant 4 : i32
    %dma_wait3A_129 = arith.constant 0 : i32
    %dma_wait3A_130 = arith.constant 0 : i32
    %dma_wait3A_131 = arith.constant 0 : i32
    %dma_wait3A_132 = tpu.memref_slice %arg6[%dma_wait3A_128, %dma_wait3A_130, %dma_wait3A_131] : memref<8x128x64xf32, #tpu.memory_space<vmem>> -> memref<1x128x64xf32, #tpu.memory_space<vmem>>
    %dma_wait3A_133 = tpu.memref_squeeze %dma_wait3A_132 : memref<1x128x64xf32, #tpu.memory_space<vmem>> -> memref<128x64xf32, #tpu.memory_space<vmem>>
    %dma_wait3A_134 = arith.constant 0 : i32
    %dma_wait3A_135 = tpu.memref_slice %arg4[%mul3A_2, %dma_wait3A_129, %dma_wait3A_134] : memref<4096x200x128xf32, #tpu.memory_space<hbm>> -> memref<128x1x64xf32, #tpu.memory_space<hbm>>
    %dma_wait3A_136 = tpu.memref_squeeze %dma_wait3A_135 : memref<128x1x64xf32, #tpu.memory_space<hbm>> -> memref<128x64xf32, #tpu.memory_space<hbm>>
    %dma_wait3A_137 = arith.constant 0 : i32
    %dma_wait3A_138 = tpu.memref_slice %arg4[%mul3A_2, %dma_wait3A_129, %dma_wait3A_137] : memref<4096x200x128xf32, #tpu.memory_space<hbm>> -> memref<128x1x64xf32, #tpu.memory_space<hbm>>
    %dma_wait3A_139 = tpu.memref_squeeze %dma_wait3A_138 : memref<128x1x64xf32, #tpu.memory_space<hbm>> -> memref<128x64xf32, #tpu.memory_space<hbm>>
    %dma_wait3A_140 = arith.constant 0 : i32
    %dma_wait3A_141 = arith.constant 0 : i32
    %dma_wait3A_142 = tpu.memref_slice %arg6[%dma_wait3A_128, %dma_wait3A_140, %dma_wait3A_141] : memref<8x128x64xf32, #tpu.memory_space<vmem>> -> memref<1x128x64xf32, #tpu.memory_space<vmem>>
    %dma_wait3A_143 = tpu.memref_squeeze %dma_wait3A_142 : memref<1x128x64xf32, #tpu.memory_space<vmem>> -> memref<128x64xf32, #tpu.memory_space<vmem>>
    tpu.wait_dma2 semaphore(%arg19 : memref<!tpu.dma_semaphore, #tpu.memory_space<semaphore_mem>>) src(%dma_wait3A_143 : memref<128x64xf32, #tpu.memory_space<vmem>>) dst(%dma_wait3A_139 : memref<128x64xf32, #tpu.memory_space<hbm>>)
    %dma_wait3A_144 = arith.constant 5 : i32
    %dma_wait3A_145 = arith.constant 0 : i32
    %dma_wait3A_146 = arith.constant 0 : i32
    %dma_wait3A_147 = arith.constant 0 : i32
    %dma_wait3A_148 = tpu.memref_slice %arg6[%dma_wait3A_144, %dma_wait3A_146, %dma_wait3A_147] : memref<8x128x64xf32, #tpu.memory_space<vmem>> -> memref<1x128x64xf32, #tpu.memory_space<vmem>>
    %dma_wait3A_149 = tpu.memref_squeeze %dma_wait3A_148 : memref<1x128x64xf32, #tpu.memory_space<vmem>> -> memref<128x64xf32, #tpu.memory_space<vmem>>
    %dma_wait3A_150 = arith.constant 0 : i32
    %dma_wait3A_151 = tpu.memref_slice %arg4[%mul3A_2, %dma_wait3A_145, %dma_wait3A_150] : memref<4096x200x128xf32, #tpu.memory_space<hbm>> -> memref<128x1x64xf32, #tpu.memory_space<hbm>>
    %dma_wait3A_152 = tpu.memref_squeeze %dma_wait3A_151 : memref<128x1x64xf32, #tpu.memory_space<hbm>> -> memref<128x64xf32, #tpu.memory_space<hbm>>
    %dma_wait3A_153 = arith.constant 0 : i32
    %dma_wait3A_154 = tpu.memref_slice %arg4[%mul3A_2, %dma_wait3A_145, %dma_wait3A_153] : memref<4096x200x128xf32, #tpu.memory_space<hbm>> -> memref<128x1x64xf32, #tpu.memory_space<hbm>>
    %dma_wait3A_155 = tpu.memref_squeeze %dma_wait3A_154 : memref<128x1x64xf32, #tpu.memory_space<hbm>> -> memref<128x64xf32, #tpu.memory_space<hbm>>
    %dma_wait3A_156 = arith.constant 0 : i32
    %dma_wait3A_157 = arith.constant 0 : i32
    %dma_wait3A_158 = tpu.memref_slice %arg6[%dma_wait3A_144, %dma_wait3A_156, %dma_wait3A_157] : memref<8x128x64xf32, #tpu.memory_space<vmem>> -> memref<1x128x64xf32, #tpu.memory_space<vmem>>
    %dma_wait3A_159 = tpu.memref_squeeze %dma_wait3A_158 : memref<1x128x64xf32, #tpu.memory_space<vmem>> -> memref<128x64xf32, #tpu.memory_space<vmem>>
    tpu.wait_dma2 semaphore(%arg20 : memref<!tpu.dma_semaphore, #tpu.memory_space<semaphore_mem>>) src(%dma_wait3A_159 : memref<128x64xf32, #tpu.memory_space<vmem>>) dst(%dma_wait3A_155 : memref<128x64xf32, #tpu.memory_space<hbm>>)
    %dma_wait3A_160 = arith.constant 6 : i32
    %dma_wait3A_161 = arith.constant 0 : i32
    %dma_wait3A_162 = arith.constant 0 : i32
    %dma_wait3A_163 = arith.constant 0 : i32
    %dma_wait3A_164 = tpu.memref_slice %arg6[%dma_wait3A_160, %dma_wait3A_162, %dma_wait3A_163] : memref<8x128x64xf32, #tpu.memory_space<vmem>> -> memref<1x128x64xf32, #tpu.memory_space<vmem>>
    %dma_wait3A_165 = tpu.memref_squeeze %dma_wait3A_164 : memref<1x128x64xf32, #tpu.memory_space<vmem>> -> memref<128x64xf32, #tpu.memory_space<vmem>>
    %dma_wait3A_166 = arith.constant 0 : i32
    %dma_wait3A_167 = tpu.memref_slice %arg4[%mul3A_2, %dma_wait3A_161, %dma_wait3A_166] : memref<4096x200x128xf32, #tpu.memory_space<hbm>> -> memref<128x1x64xf32, #tpu.memory_space<hbm>>
    %dma_wait3A_168 = tpu.memref_squeeze %dma_wait3A_167 : memref<128x1x64xf32, #tpu.memory_space<hbm>> -> memref<128x64xf32, #tpu.memory_space<hbm>>
    %dma_wait3A_169 = arith.constant 0 : i32
    %dma_wait3A_170 = tpu.memref_slice %arg4[%mul3A_2, %dma_wait3A_161, %dma_wait3A_169] : memref<4096x200x128xf32, #tpu.memory_space<hbm>> -> memref<128x1x64xf32, #tpu.memory_space<hbm>>
    %dma_wait3A_171 = tpu.memref_squeeze %dma_wait3A_170 : memref<128x1x64xf32, #tpu.memory_space<hbm>> -> memref<128x64xf32, #tpu.memory_space<hbm>>
    %dma_wait3A_172 = arith.constant 0 : i32
    %dma_wait3A_173 = arith.constant 0 : i32
    %dma_wait3A_174 = tpu.memref_slice %arg6[%dma_wait3A_160, %dma_wait3A_172, %dma_wait3A_173] : memref<8x128x64xf32, #tpu.memory_space<vmem>> -> memref<1x128x64xf32, #tpu.memory_space<vmem>>
    %dma_wait3A_175 = tpu.memref_squeeze %dma_wait3A_174 : memref<1x128x64xf32, #tpu.memory_space<vmem>> -> memref<128x64xf32, #tpu.memory_space<vmem>>
    tpu.wait_dma2 semaphore(%arg21 : memref<!tpu.dma_semaphore, #tpu.memory_space<semaphore_mem>>) src(%dma_wait3A_175 : memref<128x64xf32, #tpu.memory_space<vmem>>) dst(%dma_wait3A_171 : memref<128x64xf32, #tpu.memory_space<hbm>>)
    %dma_wait3A_176 = arith.constant 7 : i32
    %dma_wait3A_177 = arith.constant 0 : i32
    %dma_wait3A_178 = arith.constant 0 : i32
    %dma_wait3A_179 = arith.constant 0 : i32
    %dma_wait3A_180 = tpu.memref_slice %arg6[%dma_wait3A_176, %dma_wait3A_178, %dma_wait3A_179] : memref<8x128x64xf32, #tpu.memory_space<vmem>> -> memref<1x128x64xf32, #tpu.memory_space<vmem>>
    %dma_wait3A_181 = tpu.memref_squeeze %dma_wait3A_180 : memref<1x128x64xf32, #tpu.memory_space<vmem>> -> memref<128x64xf32, #tpu.memory_space<vmem>>
    %dma_wait3A_182 = arith.constant 0 : i32
    %dma_wait3A_183 = tpu.memref_slice %arg4[%mul3A_2, %dma_wait3A_177, %dma_wait3A_182] : memref<4096x200x128xf32, #tpu.memory_space<hbm>> -> memref<128x1x64xf32, #tpu.memory_space<hbm>>
    %dma_wait3A_184 = tpu.memref_squeeze %dma_wait3A_183 : memref<128x1x64xf32, #tpu.memory_space<hbm>> -> memref<128x64xf32, #tpu.memory_space<hbm>>
    %dma_wait3A_185 = arith.constant 0 : i32
    %dma_wait3A_186 = tpu.memref_slice %arg4[%mul3A_2, %dma_wait3A_177, %dma_wait3A_185] : memref<4096x200x128xf32, #tpu.memory_space<hbm>> -> memref<128x1x64xf32, #tpu.memory_space<hbm>>
    %dma_wait3A_187 = tpu.memref_squeeze %dma_wait3A_186 : memref<128x1x64xf32, #tpu.memory_space<hbm>> -> memref<128x64xf32, #tpu.memory_space<hbm>>
    %dma_wait3A_188 = arith.constant 0 : i32
    %dma_wait3A_189 = arith.constant 0 : i32
    %dma_wait3A_190 = tpu.memref_slice %arg6[%dma_wait3A_176, %dma_wait3A_188, %dma_wait3A_189] : memref<8x128x64xf32, #tpu.memory_space<vmem>> -> memref<1x128x64xf32, #tpu.memory_space<vmem>>
    %dma_wait3A_191 = tpu.memref_squeeze %dma_wait3A_190 : memref<1x128x64xf32, #tpu.memory_space<vmem>> -> memref<128x64xf32, #tpu.memory_space<vmem>>
    tpu.wait_dma2 semaphore(%arg22 : memref<!tpu.dma_semaphore, #tpu.memory_space<semaphore_mem>>) src(%dma_wait3A_191 : memref<128x64xf32, #tpu.memory_space<vmem>>) dst(%dma_wait3A_187 : memref<128x64xf32, #tpu.memory_space<hbm>>)
    return
  }
}

</mosaic_0001>

<sc_bundles>
// kernel: kernel.3.cloned.1.call-start
scs
__scs_entry_jumppad:
0x0: {  	(pc) =	sbr.rel $0x88, $3  }
0x1: {  	(tag) =	ssettag $0x0;
	lr =	simm.s32 $0x1  }
0x2: {  	[smem:$0x3F9F] =	sst lr;
	_ =	strace $0xD0000000  }
0x3: {  	_ = 	snop  }
0x4: {  	_ = 	snop  }
0x5: {  	_ = 	snop  }
0x6: {  	_ = 	snop  }
0x7: {  	_ = 	snop  }
__scs_overlays_trampoline_lowered:
0x8: {  	[smem:$0x3FAE] =	sst s0  }
0x9: {  	[smem:$0x3FAF] =	sst s1  }
0xa: {  	[smem:$0x3FB0] =	sst s2  }
0xb: {  	[smem:$0x3FB1] =	sst s3  }
0xc: {  	[smem:$0x3FB2] =	sst s4  }
0xd: {  	[smem:$0x3FB3] =	sst s5  }
0xe: {  	[smem:$0x3FB4] =	sst s6  }
0xf: {  	[smem:$0x3FB5] =	sst s7  }
0x10: {  	[smem:$0x3FB6] =	sst s8  }
0x11: {  	[smem:$0x3FB7] =	sst s9;
	s0 =	simm.s32 @!p0 $0x0  }
0x12: {  	s1 =	sld [smem:$0x3F9D];
	s0 =	simm.s32 @p0 $0x1  }
0x13: {  	[smem:$0x3FB8] =	sst s0;
	s0 =	simm.s32 @!p1 $0x0  }
0x14: {  	s2 =	sld [smem:$0x3F9C];
	s0 =	simm.s32 @p1 $0x1  }
0x15: {  	[smem:$0x3FB9] =	sst s0;
	s0 =	simm.s32 @!p2 $0x0  }
0x16: {  	s3 =	sld [smem:$0x3FDB];
	s0 =	simm.s32 @p2 $0x1  }
0x17: {  	s4 =	simm.s32 $0x1BF5;
	[smem:$0x3FBB] =	sst s0  }
0x18: {  	s0 =	sld [smem:$0x3F9E];
	_ =	swait.ge [sflag:s4], $0x0  }
0x19: {  	s7 =	sld [smem:$0x3F9F]  }
0x1a: {  	s8 =	sadd.s32 $0xFFFFE003, lr  }
0x1b: {  	s9 =	sadd.s32 $0xFFFFFEF7, lr;
	s5 =	simm.s32 $0xFFFFFFFF;
	p2 =	slt.u32 s8, $0xFFFFF086  }
0x1c: {  	p1 =	slt.u32 s9, $0xF7A;
	s5 =	simm.s32 @!p2 $0x0  }
0x1d: {  	s5 =	simm.s32 @p1 $0x1;
	p0 =	seq.s32 s7, s2  }
0x1e: {  	s7 =	smul.u32 @!p0 $0xF7A, s2;
	p2 =	seq.s32 @!p0 s5, $0x0  }
0x1f: {  	s9 =	smul.u32 $0xF7A, s1;
	s8 =	simm.s32 @!p0 $0x1BF5;
	p2 =	por !p2, p0  }
0x20: {  	[sflag:s8] =	ssyncset.s32 @!p0 $0xFFFFF086;
	s6 =	sadd.s32 @!p0 s3, s7;
	s7 =	simm.s32 @!p0 $0x108  }
0x21: {  	s3 =	sadd.s32 s3, s9;
	s6 =	sadd.s32 @!p0 $0x88, s6;
	s7 =	simm.s32 @p2 $0x1082  }
0x22: {  	[simem:s7], [sflag:s8] =	dma.local @!p0 [hbm:s6], $0xF7A  }
0x23: {  	s9 =	sor.u32 $0xD0000000, s2;
	s6 =	simm.s32 $0x108;
	_ =	swait.ge @!p0 [sflag:s8], $0x0  }
0x24: {  	s3 =	sadd.s32 $0x88, s3;
	s6 =	simm.s32 @!p1 $0x1082;
	[sflag:s4] =	ssyncset.s32 $0xFFFFF086  }
0x25: {  	[simem:s6], [sflag:s4] =	dma.local [hbm:s3], $0xF7A  }
0x26: {  	[smem:$0x3F9F] =	sst s1;
	(tag) =	ssettag s2;
	_ =	strace s9  }
0x27: {  	s1 =	sld [smem:$0x3FAF]  }
0x28: {  	s2 =	sld [smem:$0x3FB0]  }
0x29: {  	s4 =	sld [smem:$0x3FB2]  }
0x2a: {  	p0 =	seq.s32 s5, $0x0;
	s5 =	sld [smem:$0x3FB3]  }
0x2b: {  	s6 =	sld [smem:$0x3FB4]  }
0x2c: {  	s7 =	sld [smem:$0x3FB5]  }
0x2d: {  	s3 =	simm.s32 $0x108;
	s8 =	sld [smem:$0x3FB6]  }
0x2e: {  	s3 =	simm.s32 @!p0 $0x1082;
	s9 =	sld [smem:$0x3FB7]  }
0x2f: {  	lr =	sadd.s32 s0, s3;
	s0 =	sld [smem:$0x3FAE]  }
0x30: {  	s3 =	sld [smem:$0x3FB1]  }
0x31: {  	[smem:$0x3FBA] =	sst s10  }
0x32: {  	s10 =	sld [smem:$0x3FB8];
	_ =	sdelay $0x3  }
0x33: {  	p0 =	seq.s32 s10, $0x1;
	s10 =	sld [smem:$0x3FBA];
	_ =	sdelay $0x3  }
0x34: {  	[smem:$0x3FBA] =	sst s10  }
0x35: {  	s10 =	sld [smem:$0x3FB9];
	_ =	sdelay $0x3  }
0x36: {  	p1 =	seq.s32 s10, $0x1;
	s10 =	sld [smem:$0x3FBA];
	_ =	sdelay $0x3  }
0x37: {  	[smem:$0x3FBA] =	sst s10  }
0x38: {  	s10 =	sld [smem:$0x3FBB]  }
0x39: {  	_ = 	snop;
	(pc) =	sbr.ind lr, $3  }
0x3a: {  	_ = 	snop  }
0x3b: {  	_ = 	snop  }
0x3c: {  	p2 =	seq.s32 s10, $0x1;
	s10 =	sld [smem:$0x3FBA]  }
0x3d: {  	_ =	shalt  }
0x3e: {  	_ =	shalt  }
0x3f: {  	_ =	shalt  }
0x40: {  	_ =	shalt  }
0x41: {  	_ =	shalt  }
0x42: {  	_ =	shalt  }
0x43: {  	_ =	shalt  }
0x44: {  	_ =	shalt  }
0x45: {  	_ =	shalt  }
0x46: {  	_ =	shalt  }
0x47: {  	_ =	shalt  }
0x48: {  	_ =	shalt  }
0x49: {  	_ =	shalt  }
0x4a: {  	_ =	shalt  }
0x4b: {  	_ =	shalt  }
0x4c: {  	_ =	shalt  }
0x4d: {  	_ =	shalt  }
0x4e: {  	_ =	shalt  }
0x4f: {  	_ =	shalt  }
0x50: {  	_ =	shalt  }
0x51: {  	_ =	shalt  }
0x52: {  	_ =	shalt  }
0x53: {  	_ =	shalt  }
0x54: {  	_ =	shalt  }
0x55: {  	_ =	shalt  }
0x56: {  	_ =	shalt  }
0x57: {  	_ =	shalt  }
0x58: {  	_ =	shalt  }
0x59: {  	_ =	shalt  }
0x5a: {  	_ =	shalt  }
0x5b: {  	_ =	shalt  }
0x5c: {  	_ =	shalt  }
0x5d: {  	_ =	shalt  }
0x5e: {  	_ =	shalt  }
0x5f: {  	_ =	shalt  }
0x60: {  	_ =	shalt  }
0x61: {  	_ =	shalt  }
0x62: {  	_ =	shalt  }
0x63: {  	_ =	shalt  }
0x64: {  	_ =	shalt  }
0x65: {  	_ =	shalt  }
0x66: {  	_ =	shalt  }
0x67: {  	_ =	shalt  }
0x68: {  	_ =	shalt  }
0x69: {  	_ =	shalt  }
0x6a: {  	_ =	shalt  }
0x6b: {  	_ =	shalt  }
0x6c: {  	_ =	shalt  }
0x6d: {  	_ =	shalt  }
0x6e: {  	_ =	shalt  }
0x6f: {  	_ =	shalt  }
0x70: {  	_ =	shalt  }
0x71: {  	_ =	shalt  }
0x72: {  	_ =	shalt  }
0x73: {  	_ =	shalt  }
0x74: {  	_ =	shalt  }
0x75: {  	_ =	shalt  }
0x76: {  	_ =	shalt  }
0x77: {  	_ =	shalt  }
0x78: {  	_ =	shalt  }
0x79: {  	_ =	shalt  }
0x7a: {  	_ =	shalt  }
0x7b: {  	_ =	shalt  }
0x7c: {  	_ =	shalt  }
0x7d: {  	_ =	shalt  }
0x7e: {  	_ =	shalt  }
0x7f: {  	_ =	shalt  }
0x80: {  	_ =	shalt  }
0x81: {  	_ =	shalt  }
0x82: {  	_ =	shalt  }
0x83: {  	_ =	shalt  }
0x84: {  	_ =	shalt  }
0x85: {  	_ =	shalt  }
0x86: {  	_ =	shalt  }
0x87: {  	_ =	shalt  }
.Lfunc_end0:
.L_simem_size_0:
called_computation.2_lowered:
.L_overlay_start_0:
0x88: {  	s2 =	sld [smem:$0x3FD9]  }
0x89: {  	s3 =	sld [smem:$0x3FFE];
	_ =	sdelay $0x1  }
0x8a: {  	s1 =	srdreg.scid  }
0x8b: {  	s0 =	sand.u32 $0x1, s1  }
0x8c: {  	s17 =	sshll.u32 s0, $0xA;
	s2 =	sadd.s32 s3, s2  }
0x8d: {  	s2 =	sadd.s32 s2, s17  }
0x8e: {  	[smem:$0x3FC6] =	sst s2  }
0x8f: {  	_ = 	snop  }
0x90: {  	s2 =	sld [smem:$0x3FC9];
	(tm) =	ssettm $0x1  }
0x91: {  	s18 =	sld [smem:$0x3FFB];
	_ =	sdelay $0x3  }
0x92: {  	_ =	strace s18  }
0x93: {  	s3 =	sld [smem:$0x3FFC];
	_ =	sdelay $0x3  }
0x94: {  	_ =	strace s3  }
0x95: {  	s3 =	sld [smem:$0x3FFD];
	_ =	sdelay $0x3  }
0x96: {  	_ =	strace s3  }
0x97: {  	_ =	strace $0x8FFFFFFF  }
0x98: {  	s19 =	sld [smem:$0x3FDB];
	_ =	sdelay $0x1  }
0x99: {  	s4 =	simm.s32 $_scs_section_size  }
0x9a: {  	s5 =	simm.s32 $_size__tile_overlayer_lowered;
	s6 =	simm.s32 $_tile_overlayer_lowered  }
0x9b: {  	s22 =	simm.s32 $0x1BFF;
	s21 =	sshll.u32 s6, $0x1;
	s3 =	sadd.s32 s4, s19  }
0x9c: {  	s7 =	simm.s32 $0x0;
	s20 =	sshll.u32 s5, $0x1;
	s5 =	sadd.s32 s21, s3  }
0x9d: {  	[timem:s7], [sflag:s22] =	dma.local [hbm:s5], s20  }
0x9e: {  	_ =	swait.ge [sflag:s22], s20  }
0x9f: {  	s4 =	ssub.s32 $0x0, s20;
	[sflag:s22] =	ssyncset.done $0x0  }
0xa0: {  	[sflag:s22] =	ssyncadd.s32 s4;
	_ =	sdelay $0x1  }
0xa1: {  	s23 =	simm.s32 $0x1B8B  }
0xa2: {  	_ =	swait.ge [sflag:s23], $0x1  }
0xa3: {  	[sflag:s23] =	ssyncset.done $0x0  }
0xa4: {  	s25 =	simm.s32 $0x1B8E;
	s24 =	sld [smem:$0x3FFE];
	[sflag:s23] =	ssyncadd.s32 $0xFFFFFFFF  }
0xa5: {  	s26 =	simm.s32 $execute0_lowered;
	[smem:$0x3FD2] =	sst s25  }
0xa6: {  	s5 =	sshll.u32 s26, $0x1;
	_ =	strace $0x80000049;
	[dreg:$0x1] =	wrdreg $0xFFFFFFFF  }
0xa7: {  	s28 =	simm.s32 $_size_execute0_lowered;
	s3 =	sadd.s32 s3, s5;
	[dreg:$0x0] =	wrdreg $0x0  }
0xa8: {  	s5 =	sshll.u32 s28, $0x1;
	[dreg:$0x2] =	wrdreg s3  }
0xa9: {  	[dreg:$0x3] =	wrdreg s5  }
0xaa: {  	[dreg:$0x4] =	wrdreg $0xC0  }
0xab: {  	_ =	task [dreg:s7], $0x5FFFF  }
0xac: {  	[dreg:$0x1] =	wrdreg $0xFFFFFFFF  }
0xad: {  	[dreg:$0x0] =	wrdreg $0x60  }
0xae: {  	[dreg:$0x2] =	wrdreg s2  }
0xaf: {  	[dreg:$0x3] =	wrdreg s24  }
0xb0: {  	[dreg:$0x4] =	wrdreg $0x9  }
0xb1: {  	_ =	task.clear_ibuf [dreg:s7], $0x5FFFF;
	_ =	strace $0x90000049  }
0xb2: {  	s29 =	simm.s32 $0x9;
	_ =	strace $0x8000004B  }
0xb3: {  	_ =	swait.ge [sflag:s29], $0x1  }
0xb4: {  	[sflag:s29] =	ssyncadd.s32 $0xFFFFFFFF  }
0xb5: {  	_ =	strace $0x9000004B  }
0xb6: {  	_ =	sfence  }
0xb7: {  	s30 =	sld [smem:$0x0];
	_ =	sdelay $0x2  }
0xb8: {  	s31 =	sshll.u32 s1, $0xD;
	s1 =	sshrl.u32 s1, $0x2  }
0xb9: {  	s3 =	sand.u32 $0x4000, s31;
	s1 =	sadd.s32 s1, s30  }
0xba: {  	s0 =	sor.u32 s3, s0;
	s1 =	sshll.u32 s1, $0x11  }
0xbb: {  	s0 =	sor.u32 s1, s0  }
0xbc: {  	s0 =	sadd.s32 $0x8F2B, s0  }
0xbd: {  	[sflag:s0] =	ssyncadd.remote.s32 $0x1  }
0xbe: {  	_ =	sfence.sel $0xFFFF  }
0xbf: {  	[dreg:$0x0] =	wrdreg $0xFFFFFFFF;
	(pc) =	sbr.abs _section_cstart, $3  }
0xc0: {  	[dreg:$0x1] =	wrdreg $0xFFFFFFFF  }
0xc1: {  	_ =	task.clear_ibuf [dreg:s7], $0x2FFFF;
	_ =	strace $0x9FFFFFFF  }
0xc2: {  	(tm) =	ssettm $0x7FFFFFFF  }
0xc3: {  	_ =	shalt  }
tec
execute0_lowered:
.L_overlay_start_1:
0x0: {  	(tag) =	ssettag $0x1  }
0x1: {  	s0 =	rddreg [dreg:$0x0]  }
0x2: {  	s1 =	rddreg [dreg:$0x1];
	s2 =	srdreg.scid  }
0x3: {  	s6 =	stileid.u32;
	s4 =	simm.s32 $0x0;
	s28 =	simm.s32 $0x1  }
0x4: {  	s29 =	simm.s32 $0x40;
	s30 =	simm.s32 $0xE400;
	s31 =	simm.s32 $0x2  }
0x5: {  	s2 =	sand.u32 $0x1, s2;
	s3 =	sshll.u32 s6, $0x1;
	[smem:$0x7FF] =	sst s4  }
0x6: {  	s8 =	sadd.s32 $0xC00, s1;
	s6 =	smul.u32 $0x640000, s6;
	s14 =	sor.u32 s2, s3  }
0x7: {  	_ =	strace $0x8000004A;
	s3 =	sadd.s32 $0xF43000, s1;
	s15 =	ssub.s32 $0x2, s2  }
0x8: {  	s2 =	smul.u32 $0x320000, s2;
	[dreg:$0x3] =	wrdreg s8;
	s7 =	sshrl.u32 s15, $0x1  }
0x9: {  	s5 =	smul.u32 $0x320000, s14;
	s4 =	sshll.u32 s14, $0x7;
	s1 =	ssub.s32 s15, s7  }
0xa: {  	s0 =	sadd.s32 s0, s4;
	s17 =	sadd.s32 s2, s6;
	s2 =	simm.s32 $0x12400  }
0xb: {  	s4 =	simm.s32 $0xB;
	s7 =	simm.s32 $0x0;
	[dreg:$0x4] =	wrdreg s0  }
0xc: {  	s16 =	sshrl.u32 s5, $0x3;
	s1 =	smax.u32 s1, $0x1;
	s19 =	sor.u32 $0x380, s17  }
0xd: {  	s20 =	sor.u32 $0x300, s17;
	s21 =	sor.u32 $0x280, s17;
	s23 =	sor.u32 $0x200, s17  }
0xe: {  	s24 =	sor.u32 $0x180, s17;
	s25 =	sor.u32 $0x100, s17;
	s26 =	sor.u32 $0x80, s17  }
0xf: {  	s5 =	simm.s32 $0x8;
	[dreg:$0x5] =	wrdreg s1;
	s0 =	sadd.s32 s16, s8  }
0x10: {  	s22 =	sshrl.u32 s21, $0x3;
	s13 =	sshrl.u32 s24, $0x3;
	s14 =	sshrl.u32 s25, $0x3  }
0x11: {  	s15 =	sshrl.u32 s26, $0x3;
	s16 =	sshrl.u32 s17, $0x3;
	s21 =	simm.s32 $0x6400  }
0x12: {  	s24 =	simm.s32 $0xA400;
	s26 =	simm.s32 $0xC400;
	s1 =	simm.s32 $0x3  }
0x13: {  	s17 =	simm.s32 $0x4;
	s18 =	sadd.s32 $0xC50, s0;
	[dreg:$0xa] =	wrdreg s22  }
.Ltmp0:
0x14: {  	s0 =	sadd.s32 $0xC70, s0;
	[dreg:$0x6] =	wrdreg s18;
	(pc) =	sbr.rel .LBB2_1-.Ltmp0, $4  }
0x15: {  	s25 =	simm.s32 $0x7;
	[dreg:$0x7] =	wrdreg s0;
	s0 =	sshrl.u32 s19, $0x3  }
0x16: {  	s18 =	simm.s32 $0x14400;
	[dreg:$0x8] =	wrdreg s0;
	s0 =	sshrl.u32 s20, $0x3  }
0x17: {  	s19 =	simm.s32 $0xC;
	[dreg:$0x9] =	wrdreg s0;
	s0 =	sshrl.u32 s23, $0x3  }
0x18: {  	s20 =	simm.s32 $0x80;
	s23 =	simm.s32 $0x5;
	[dreg:$0xb] =	wrdreg s0  }
.LBB2_6:
0x19: {  	_ =	swait.ge [sflag:s5], $0x2000  }
0x1a: {  	[sflag:s5] =	ssyncset.done $0x0  }
0x1b: {  	s8 =	simm.s32 $0x9;
	s0 =	rddreg [dreg:$0x7];
	[sflag:s5] =	ssyncadd.s32 $0xFFFFE000  }
0x1c: {  	[hbm4b:s0+s29] =	stream.strided.scatter [tilespmem:s18], [sflag:$0x10], $0x2000, s21, s29, $0x38;
	[tilespmem:$0x16400] =	vst v63  }
0x1d: {  	_ =	swait.ge [sflag:s8], $0x2000  }
0x1e: {  	[sflag:s8] =	ssyncset.done $0x0  }
0x1f: {  	s9 =	simm.s32 $0xA;
	[sflag:s8] =	ssyncadd.s32 $0xFFFFE000  }
0x20: {  	_ =	swait.ge [sflag:s9], $0x2000  }
0x21: {  	[sflag:s9] =	ssyncset.done $0x0  }
0x22: {  	[sflag:s9] =	ssyncadd.s32 $0xFFFFE000  }
0x23: {  	_ =	swait.ge [sflag:s4], $0x2000  }
0x24: {  	[sflag:s4] =	ssyncset.done $0x0  }
0x25: {  	[sflag:s4] =	ssyncadd.s32 $0xFFFFE000  }
0x26: {  	_ =	swait.ge [sflag:s19], $0x2000  }
0x27: {  	[sflag:s19] =	ssyncset.done $0x0  }
0x28: {  	s10 =	simm.s32 $0xD;
	[sflag:s19] =	ssyncadd.s32 $0xFFFFE000  }
0x29: {  	_ =	swait.ge [sflag:s10], $0x2000  }
0x2a: {  	[sflag:s10] =	ssyncset.done $0x0  }
0x2b: {  	s11 =	simm.s32 $0xE;
	[sflag:s10] =	ssyncadd.s32 $0xFFFFE000  }
0x2c: {  	_ =	swait.ge [sflag:s11], $0x2000  }
0x2d: {  	[sflag:s11] =	ssyncset.done $0x0  }
0x2e: {  	s12 =	simm.s32 $0xF;
	[sflag:s11] =	ssyncadd.s32 $0xFFFFE000  }
0x2f: {  	_ =	swait.ge [sflag:s12], $0x2000  }
0x30: {  	[sflag:s12] =	ssyncset.done $0x0  }
0x31: {  	s6 =	simm.s32 $0x10;
	[sflag:s12] =	ssyncadd.s32 $0xFFFFE000  }
0x32: {  	_ =	swait.ge [sflag:s6], $0x2000  }
0x33: {  	s7 =	rddreg [dreg:$0xc]  }
0x34: {  	s22 =	rddreg [dreg:$0x5];
	s7 =	sadd.s32 $0x1, s7  }
0x35: {  	p0 =	sne.s32 s7, s22  }
.Ltmp1:
0x36: {  	_ = 	snop;
	(pc) =	sbr.rel @!p0 .LBB2_7-.Ltmp1, $3  }
0x37: {  	_ =	sdelay $0x1  }
0x38: {  	[sflag:s6] =	ssyncset.done $0x0  }
0x39: {  	[sflag:s6] =	ssyncadd.s32 $0xFFFFE000  }
.LBB2_1:
0x3a: {  	[dreg:$0xc] =	wrdreg s7  }
0x3b: {  	s0 =	simm.s32 $0x0;
	s6 =	rddreg [dreg:$0x4]  }
0x3c: {  	s12 =	simm.s32 $0x400;
	s8 =	simm.s32 $0x8000;
	s22 =	simm.s32 $0x11  }
0x3d: {  	[tilespmem:s0], [sflag:$0x11] =	stream.strided.gather [hbm4b:s6+s12], $0x6400, s8, s12, $0x38;
	[tilespmem:$0x16400] =	vst v63  }
0x3e: {  	_ =	swait.ge [sflag:s22], $0x6400  }
0x3f: {  	[sflag:s22] =	ssyncset.done $0x0  }
0x40: {  	s8 =	simm.s32 $0x0;
	[sflag:s22] =	ssyncadd.s32 $0xFFFF9C00  }
0x41: {  	v0 =	vld [tilespmem:s8+$0x0]  }
0x42: {  	v1 =	vld [tilespmem:s8+$0x10]  }
0x43: {  	v2 =	vld [tilespmem:s8+$0x20]  }
0x44: {  	v3 =	vld [tilespmem:s8+$0x30]  }
0x45: {  	v4 =	vld [tilespmem:s8+$0x40]  }
0x46: {  	v5 =	vld [tilespmem:s8+$0x50];
	v0 =	vshll.u32 v0, $0x1  }
0x47: {  	[tilespmem:s8+$0x0] =	vst v0;
	v0 =	vshll.u32 v1, $0x1;
	v1 =	vld [tilespmem:s8+$0x60]  }
0x48: {  	[tilespmem:s8+$0x10] =	vst v0;
	v0 =	vshll.u32 v2, $0x1;
	v2 =	vld [tilespmem:s8+$0x70]  }
0x49: {  	[tilespmem:s8+$0x20] =	vst v0;
	v0 =	vshll.u32 v3, $0x1;
	v3 =	vld [tilespmem:s8+$0x80]  }
0x4a: {  	[tilespmem:s8+$0x30] =	vst v0;
	v0 =	vshll.u32 v4, $0x1;
	v4 =	vld [tilespmem:s8+$0x90]  }
0x4b: {  	[tilespmem:s8+$0x40] =	vst v0;
	v0 =	vshll.u32 v5, $0x1;
	v5 =	vld [tilespmem:s8+$0xA0]  }
0x4c: {  	[tilespmem:s8+$0x50] =	vst v0;
	v0 =	vshll.u32 v1, $0x1;
	v1 =	vld [tilespmem:s8+$0xB0]  }
0x4d: {  	[tilespmem:s8+$0x60] =	vst v0;
	v0 =	vshll.u32 v2, $0x1;
	v2 =	vld [tilespmem:s8+$0xC0]  }
0x4e: {  	[tilespmem:s8+$0x70] =	vst v0;
	v0 =	vshll.u32 v3, $0x1;
	v3 =	vld [tilespmem:s8+$0xD0]  }
0x4f: {  	[tilespmem:s8+$0x80] =	vst v0;
	v0 =	vshll.u32 v4, $0x1;
	v4 =	vld [tilespmem:s8+$0xE0]  }
0x50: {  	[tilespmem:s8+$0x90] =	vst v0;
	v0 =	vshll.u32 v5, $0x1;
	v5 =	vld [tilespmem:s8+$0xF0]  }
0x51: {  	[tilespmem:s8+$0xA0] =	vst v0;
	v0 =	vshll.u32 v1, $0x1;
	v1 =	vld [tilespmem:s8+$0x100]  }
0x52: {  	[tilespmem:s8+$0xB0] =	vst v0;
	v0 =	vshll.u32 v2, $0x1;
	v2 =	vld [tilespmem:s8+$0x110]  }
0x53: {  	[tilespmem:s8+$0xC0] =	vst v0;
	v0 =	vshll.u32 v3, $0x1;
	v3 =	vld [tilespmem:s8+$0x120]  }
0x54: {  	[tilespmem:s8+$0xD0] =	vst v0;
	v0 =	vshll.u32 v4, $0x1;
	v4 =	vld [tilespmem:s8+$0x130]  }
0x55: {  	[tilespmem:s8+$0xE0] =	vst v0;
	v0 =	vshll.u32 v5, $0x1;
	v5 =	vld [tilespmem:s8+$0x140]  }
0x56: {  	[tilespmem:s8+$0xF0] =	vst v0;
	v0 =	vshll.u32 v1, $0x1;
	v1 =	vld [tilespmem:s8+$0x150]  }
0x57: {  	[tilespmem:s8+$0x100] =	vst v0;
	v0 =	vshll.u32 v2, $0x1;
	v2 =	vld [tilespmem:s8+$0x160]  }
0x58: {  	[tilespmem:s8+$0x110] =	vst v0;
	v0 =	vshll.u32 v3, $0x1;
	v3 =	vld [tilespmem:s8+$0x170]  }
0x59: {  	[tilespmem:s8+$0x120] =	vst v0;
	v0 =	vshll.u32 v4, $0x1;
	v4 =	vld [tilespmem:s8+$0x180]  }
0x5a: {  	[tilespmem:s8+$0x130] =	vst v0;
	v0 =	vshll.u32 v5, $0x1;
	v5 =	vld [tilespmem:s8+$0x190]  }
0x5b: {  	[tilespmem:s8+$0x140] =	vst v0;
	v0 =	vshll.u32 v1, $0x1;
	v1 =	vld [tilespmem:s8+$0x1A0]  }
0x5c: {  	[tilespmem:s8+$0x150] =	vst v0;
	v0 =	vshll.u32 v2, $0x1;
	v2 =	vld [tilespmem:s8+$0x1B0]  }
0x5d: {  	[tilespmem:s8+$0x160] =	vst v0;
	v0 =	vshll.u32 v3, $0x1;
	v3 =	vld [tilespmem:s8+$0x1C0]  }
0x5e: {  	[tilespmem:s8+$0x170] =	vst v0;
	v0 =	vshll.u32 v4, $0x1;
	v4 =	vld [tilespmem:s8+$0x1D0]  }
0x5f: {  	[tilespmem:s8+$0x180] =	vst v0;
	v0 =	vshll.u32 v5, $0x1;
	v5 =	vld [tilespmem:s8+$0x1E0]  }
0x60: {  	[tilespmem:s8+$0x190] =	vst v0;
	v0 =	vshll.u32 v1, $0x1;
	v1 =	vld [tilespmem:s8+$0x1F0]  }
0x61: {  	[tilespmem:s8+$0x1A0] =	vst v0;
	v0 =	vshll.u32 v2, $0x1;
	v2 =	vld [tilespmem:s8+$0x200]  }
0x62: {  	[tilespmem:s8+$0x1B0] =	vst v0;
	v0 =	vshll.u32 v3, $0x1;
	v3 =	vld [tilespmem:s8+$0x210]  }
0x63: {  	[tilespmem:s8+$0x1C0] =	vst v0;
	v0 =	vshll.u32 v4, $0x1;
	v4 =	vld [tilespmem:s8+$0x220]  }
0x64: {  	[tilespmem:s8+$0x1D0] =	vst v0;
	v0 =	vshll.u32 v5, $0x1;
	v5 =	vld [tilespmem:s8+$0x230]  }
0x65: {  	[tilespmem:s8+$0x1E0] =	vst v0;
	v0 =	vshll.u32 v1, $0x1;
	v1 =	vld [tilespmem:s8+$0x240]  }
0x66: {  	[tilespmem:s8+$0x1F0] =	vst v0;
	v0 =	vshll.u32 v2, $0x1;
	v2 =	vld [tilespmem:s8+$0x250]  }
0x67: {  	[tilespmem:s8+$0x200] =	vst v0;
	v0 =	vshll.u32 v3, $0x1;
	v3 =	vld [tilespmem:s8+$0x260]  }
0x68: {  	[tilespmem:s8+$0x210] =	vst v0;
	v0 =	vshll.u32 v4, $0x1;
	v4 =	vld [tilespmem:s8+$0x270]  }
0x69: {  	[tilespmem:s8+$0x220] =	vst v0;
	v0 =	vshll.u32 v5, $0x1;
	v5 =	vld [tilespmem:s8+$0x280]  }
0x6a: {  	[tilespmem:s8+$0x230] =	vst v0;
	v0 =	vshll.u32 v1, $0x1;
	v1 =	vld [tilespmem:s8+$0x290]  }
0x6b: {  	[tilespmem:s8+$0x240] =	vst v0;
	v0 =	vshll.u32 v2, $0x1;
	v2 =	vld [tilespmem:s8+$0x2A0]  }
0x6c: {  	[tilespmem:s8+$0x250] =	vst v0;
	v0 =	vshll.u32 v3, $0x1;
	v3 =	vld [tilespmem:s8+$0x2B0]  }
0x6d: {  	[tilespmem:s8+$0x260] =	vst v0;
	v0 =	vshll.u32 v4, $0x1;
	v4 =	vld [tilespmem:s8+$0x2C0]  }
0x6e: {  	[tilespmem:s8+$0x270] =	vst v0;
	v0 =	vshll.u32 v5, $0x1;
	v5 =	vld [tilespmem:s8+$0x2D0]  }
0x6f: {  	[tilespmem:s8+$0x280] =	vst v0;
	v0 =	vshll.u32 v1, $0x1;
	v1 =	vld [tilespmem:s8+$0x2E0]  }
0x70: {  	[tilespmem:s8+$0x290] =	vst v0;
	v0 =	vshll.u32 v2, $0x1;
	v2 =	vld [tilespmem:s8+$0x2F0]  }
0x71: {  	[tilespmem:s8+$0x2A0] =	vst v0;
	v0 =	vshll.u32 v3, $0x1;
	v3 =	vld [tilespmem:s8+$0x300]  }
0x72: {  	[tilespmem:s8+$0x2B0] =	vst v0;
	v0 =	vshll.u32 v4, $0x1;
	v4 =	vld [tilespmem:s8+$0x310]  }
0x73: {  	[tilespmem:s8+$0x2C0] =	vst v0;
	v0 =	vshll.u32 v5, $0x1;
	v5 =	vld [tilespmem:s8+$0x320]  }
0x74: {  	[tilespmem:s8+$0x2D0] =	vst v0;
	v0 =	vshll.u32 v1, $0x1;
	v1 =	vld [tilespmem:s8+$0x330]  }
0x75: {  	[tilespmem:s8+$0x2E0] =	vst v0;
	v0 =	vshll.u32 v2, $0x1;
	v2 =	vld [tilespmem:s8+$0x340]  }
0x76: {  	[tilespmem:s8+$0x2F0] =	vst v0;
	v0 =	vshll.u32 v3, $0x1;
	v3 =	vld [tilespmem:s8+$0x350]  }
0x77: {  	[tilespmem:s8+$0x300] =	vst v0;
	v0 =	vshll.u32 v4, $0x1;
	v4 =	vld [tilespmem:s8+$0x360]  }
0x78: {  	[tilespmem:s8+$0x310] =	vst v0;
	v0 =	vshll.u32 v5, $0x1;
	v5 =	vld [tilespmem:s8+$0x370]  }
0x79: {  	v6 =	vld [tilespmem:s8+$0x380];
	[tilespmem:s8+$0x320] =	vst v0;
	v0 =	vshll.u32 v1, $0x1  }
0x7a: {  	v7 =	vld [tilespmem:s8+$0x390];
	[tilespmem:s8+$0x330] =	vst v0;
	v0 =	vshll.u32 v2, $0x1  }
0x7b: {  	v1 =	vld [tilespmem:s8+$0x3A0];
	[tilespmem:s8+$0x340] =	vst v0;
	v0 =	vshll.u32 v3, $0x1  }
0x7c: {  	[tilespmem:s8+$0x350] =	vst v0;
	v2 =	vshll.u32 v4, $0x1;
	v0 =	vld [tilespmem:s8+$0x3B0]  }
0x7d: {  	[tilespmem:s8+$0x360] =	vst v2;
	v3 =	vshll.u32 v5, $0x1;
	v2 =	vld [tilespmem:s8+$0x3C0]  }
0x7e: {  	v4 =	vshll.u32 v6, $0x1;
	[tilespmem:s8+$0x370] =	vst v3;
	v3 =	vld [tilespmem:s8+$0x3D0]  }
0x7f: {  	s6 =	simm.s32 $0x1000;
	[tilespmem:s8+$0x380] =	vst v4;
	v5 =	vshll.u32 v7, $0x1;
	v4 =	vld [tilespmem:s8+$0x3E0]  }
.LBB2_2:
0x80: {  	s0 =	sshra.s32 s6, $0x2;
	p0 =	sne.s32 s6, $0x18000;
	[tilespmem:s8+$0x390] =	vst v5;
	v1 =	vshll.u32 v1, $0x1;
	v5 =	vld [tilespmem:s8+$0x3F0]  }
0x81: {  	v6 =	vld [tilespmem:s0+$0x0];
	[tilespmem:s8+$0x3A0] =	vst v1;
	v0 =	vshll.u32 v0, $0x1  }
0x82: {  	v1 =	vld [tilespmem:s0+$0x10];
	[tilespmem:s8+$0x3B0] =	vst v0;
	v0 =	vshll.u32 v2, $0x1  }
0x83: {  	v2 =	vld [tilespmem:s0+$0x20];
	[tilespmem:s8+$0x3C0] =	vst v0;
	v0 =	vshll.u32 v3, $0x1  }
0x84: {  	v3 =	vld [tilespmem:s0+$0x30];
	[tilespmem:s8+$0x3D0] =	vst v0;
	v0 =	vshll.u32 v4, $0x1  }
0x85: {  	v4 =	vld [tilespmem:s0+$0x40];
	[tilespmem:s8+$0x3E0] =	vst v0;
	v0 =	vshll.u32 v5, $0x1  }
0x86: {  	v5 =	vshll.u32 v6, $0x1;
	v6 =	vld [tilespmem:s0+$0x50];
	[tilespmem:s8+$0x3F0] =	vst v0;
	s8 =	smov.u32 s0  }
0x87: {  	[tilespmem:s8+$0x0] =	vst v5;
	v0 =	vshll.u32 v1, $0x1;
	v1 =	vld [tilespmem:s8+$0x60]  }
0x88: {  	[tilespmem:s8+$0x10] =	vst v0;
	v0 =	vshll.u32 v2, $0x1;
	v2 =	vld [tilespmem:s8+$0x70]  }
0x89: {  	[tilespmem:s8+$0x20] =	vst v0;
	v0 =	vshll.u32 v3, $0x1;
	v3 =	vld [tilespmem:s8+$0x80]  }
0x8a: {  	[tilespmem:s8+$0x30] =	vst v0;
	v0 =	vshll.u32 v4, $0x1;
	v4 =	vld [tilespmem:s8+$0x90]  }
0x8b: {  	[tilespmem:s8+$0x40] =	vst v0;
	v0 =	vshll.u32 v6, $0x1;
	v5 =	vld [tilespmem:s8+$0xA0]  }
0x8c: {  	[tilespmem:s8+$0x50] =	vst v0;
	v0 =	vshll.u32 v1, $0x1;
	v1 =	vld [tilespmem:s8+$0xB0]  }
0x8d: {  	[tilespmem:s8+$0x60] =	vst v0;
	v0 =	vshll.u32 v2, $0x1;
	v2 =	vld [tilespmem:s8+$0xC0]  }
0x8e: {  	[tilespmem:s8+$0x70] =	vst v0;
	v0 =	vshll.u32 v3, $0x1;
	v3 =	vld [tilespmem:s8+$0xD0]  }
0x8f: {  	[tilespmem:s8+$0x80] =	vst v0;
	v0 =	vshll.u32 v4, $0x1;
	v4 =	vld [tilespmem:s8+$0xE0]  }
0x90: {  	[tilespmem:s8+$0x90] =	vst v0;
	v0 =	vshll.u32 v5, $0x1;
	v5 =	vld [tilespmem:s8+$0xF0]  }
0x91: {  	[tilespmem:s8+$0xA0] =	vst v0;
	v0 =	vshll.u32 v1, $0x1;
	v1 =	vld [tilespmem:s8+$0x100]  }
0x92: {  	[tilespmem:s8+$0xB0] =	vst v0;
	v0 =	vshll.u32 v2, $0x1;
	v2 =	vld [tilespmem:s8+$0x110]  }
0x93: {  	[tilespmem:s8+$0xC0] =	vst v0;
	v0 =	vshll.u32 v3, $0x1;
	v3 =	vld [tilespmem:s8+$0x120]  }
0x94: {  	[tilespmem:s8+$0xD0] =	vst v0;
	v0 =	vshll.u32 v4, $0x1;
	v4 =	vld [tilespmem:s8+$0x130]  }
0x95: {  	[tilespmem:s8+$0xE0] =	vst v0;
	v0 =	vshll.u32 v5, $0x1;
	v5 =	vld [tilespmem:s8+$0x140]  }
0x96: {  	[tilespmem:s8+$0xF0] =	vst v0;
	v0 =	vshll.u32 v1, $0x1;
	v1 =	vld [tilespmem:s8+$0x150]  }
0x97: {  	[tilespmem:s8+$0x100] =	vst v0;
	v0 =	vshll.u32 v2, $0x1;
	v2 =	vld [tilespmem:s8+$0x160]  }
0x98: {  	[tilespmem:s8+$0x110] =	vst v0;
	v0 =	vshll.u32 v3, $0x1;
	v3 =	vld [tilespmem:s8+$0x170]  }
0x99: {  	[tilespmem:s8+$0x120] =	vst v0;
	v0 =	vshll.u32 v4, $0x1;
	v4 =	vld [tilespmem:s8+$0x180]  }
0x9a: {  	[tilespmem:s8+$0x130] =	vst v0;
	v0 =	vshll.u32 v5, $0x1;
	v5 =	vld [tilespmem:s8+$0x190]  }
0x9b: {  	[tilespmem:s8+$0x140] =	vst v0;
	v0 =	vshll.u32 v1, $0x1;
	v1 =	vld [tilespmem:s8+$0x1A0]  }
0x9c: {  	[tilespmem:s8+$0x150] =	vst v0;
	v0 =	vshll.u32 v2, $0x1;
	v2 =	vld [tilespmem:s8+$0x1B0]  }
0x9d: {  	[tilespmem:s8+$0x160] =	vst v0;
	v0 =	vshll.u32 v3, $0x1;
	v3 =	vld [tilespmem:s8+$0x1C0]  }
0x9e: {  	[tilespmem:s8+$0x170] =	vst v0;
	v0 =	vshll.u32 v4, $0x1;
	v4 =	vld [tilespmem:s8+$0x1D0]  }
0x9f: {  	[tilespmem:s8+$0x180] =	vst v0;
	v0 =	vshll.u32 v5, $0x1;
	v5 =	vld [tilespmem:s8+$0x1E0]  }
0xa0: {  	[tilespmem:s8+$0x190] =	vst v0;
	v0 =	vshll.u32 v1, $0x1;
	v1 =	vld [tilespmem:s8+$0x1F0]  }
0xa1: {  	[tilespmem:s8+$0x1A0] =	vst v0;
	v0 =	vshll.u32 v2, $0x1;
	v2 =	vld [tilespmem:s8+$0x200]  }
0xa2: {  	[tilespmem:s8+$0x1B0] =	vst v0;
	v0 =	vshll.u32 v3, $0x1;
	v3 =	vld [tilespmem:s8+$0x210]  }
0xa3: {  	[tilespmem:s8+$0x1C0] =	vst v0;
	v0 =	vshll.u32 v4, $0x1;
	v4 =	vld [tilespmem:s8+$0x220]  }
0xa4: {  	[tilespmem:s8+$0x1D0] =	vst v0;
	v0 =	vshll.u32 v5, $0x1;
	v5 =	vld [tilespmem:s8+$0x230]  }
0xa5: {  	[tilespmem:s8+$0x1E0] =	vst v0;
	v0 =	vshll.u32 v1, $0x1;
	v1 =	vld [tilespmem:s8+$0x240]  }
0xa6: {  	[tilespmem:s8+$0x1F0] =	vst v0;
	v0 =	vshll.u32 v2, $0x1;
	v2 =	vld [tilespmem:s8+$0x250]  }
0xa7: {  	[tilespmem:s8+$0x200] =	vst v0;
	v0 =	vshll.u32 v3, $0x1;
	v3 =	vld [tilespmem:s8+$0x260]  }
0xa8: {  	[tilespmem:s8+$0x210] =	vst v0;
	v0 =	vshll.u32 v4, $0x1;
	v4 =	vld [tilespmem:s8+$0x270]  }
0xa9: {  	[tilespmem:s8+$0x220] =	vst v0;
	v0 =	vshll.u32 v5, $0x1;
	v5 =	vld [tilespmem:s8+$0x280]  }
0xaa: {  	[tilespmem:s8+$0x230] =	vst v0;
	v0 =	vshll.u32 v1, $0x1;
	v1 =	vld [tilespmem:s8+$0x290]  }
0xab: {  	[tilespmem:s8+$0x240] =	vst v0;
	v0 =	vshll.u32 v2, $0x1;
	v2 =	vld [tilespmem:s8+$0x2A0]  }
0xac: {  	[tilespmem:s8+$0x250] =	vst v0;
	v0 =	vshll.u32 v3, $0x1;
	v3 =	vld [tilespmem:s8+$0x2B0]  }
0xad: {  	[tilespmem:s8+$0x260] =	vst v0;
	v0 =	vshll.u32 v4, $0x1;
	v4 =	vld [tilespmem:s8+$0x2C0]  }
0xae: {  	[tilespmem:s8+$0x270] =	vst v0;
	v0 =	vshll.u32 v5, $0x1;
	v5 =	vld [tilespmem:s8+$0x2D0]  }
0xaf: {  	[tilespmem:s8+$0x280] =	vst v0;
	v0 =	vshll.u32 v1, $0x1;
	v1 =	vld [tilespmem:s8+$0x2E0]  }
0xb0: {  	[tilespmem:s8+$0x290] =	vst v0;
	v0 =	vshll.u32 v2, $0x1;
	v2 =	vld [tilespmem:s8+$0x2F0]  }
0xb1: {  	[tilespmem:s8+$0x2A0] =	vst v0;
	v0 =	vshll.u32 v3, $0x1;
	v3 =	vld [tilespmem:s8+$0x300]  }
0xb2: {  	[tilespmem:s8+$0x2B0] =	vst v0;
	v0 =	vshll.u32 v4, $0x1;
	v4 =	vld [tilespmem:s8+$0x310]  }
0xb3: {  	[tilespmem:s8+$0x2C0] =	vst v0;
	v0 =	vshll.u32 v5, $0x1;
	v5 =	vld [tilespmem:s8+$0x320]  }
0xb4: {  	[tilespmem:s8+$0x2D0] =	vst v0;
	v0 =	vshll.u32 v1, $0x1;
	v1 =	vld [tilespmem:s8+$0x330]  }
0xb5: {  	[tilespmem:s8+$0x2E0] =	vst v0;
	v0 =	vshll.u32 v2, $0x1;
	v2 =	vld [tilespmem:s8+$0x340]  }
0xb6: {  	[tilespmem:s8+$0x2F0] =	vst v0;
	v0 =	vshll.u32 v3, $0x1;
	v3 =	vld [tilespmem:s8+$0x350]  }
0xb7: {  	[tilespmem:s8+$0x300] =	vst v0;
	v0 =	vshll.u32 v4, $0x1;
	v4 =	vld [tilespmem:s8+$0x360]  }
0xb8: {  	[tilespmem:s8+$0x310] =	vst v0;
	v0 =	vshll.u32 v5, $0x1;
	v5 =	vld [tilespmem:s8+$0x370]  }
0xb9: {  	[tilespmem:s8+$0x320] =	vst v0;
	v0 =	vshll.u32 v1, $0x1;
	v6 =	vld [tilespmem:s8+$0x380]  }
0xba: {  	[tilespmem:s8+$0x330] =	vst v0;
	v0 =	vshll.u32 v2, $0x1;
	v7 =	vld [tilespmem:s8+$0x390]  }
.Ltmp2:
0xbb: {  	[tilespmem:s8+$0x340] =	vst v0;
	v0 =	vshll.u32 v3, $0x1;
	v1 =	vld [tilespmem:s8+$0x3A0];
	(pc) =	sbr.rel @p0 .LBB2_2-.Ltmp2, $4  }
0xbc: {  	[tilespmem:s8+$0x350] =	vst v0;
	v2 =	vshll.u32 v4, $0x1;
	v0 =	vld [tilespmem:s8+$0x3B0]  }
0xbd: {  	[tilespmem:s8+$0x360] =	vst v2;
	v3 =	vshll.u32 v5, $0x1;
	v2 =	vld [tilespmem:s8+$0x3C0]  }
0xbe: {  	[tilespmem:s8+$0x370] =	vst v3;
	v4 =	vshll.u32 v6, $0x1;
	v3 =	vld [tilespmem:s8+$0x3D0]  }
0xbf: {  	s6 =	sadd.s32 $0x1000, s6;
	[tilespmem:s8+$0x380] =	vst v4;
	v5 =	vshll.u32 v7, $0x1;
	v4 =	vld [tilespmem:s8+$0x3E0]  }
0xc0: {  	[tilespmem:s8+$0x390] =	vst v5;
	v1 =	vshll.u32 v1, $0x1;
	v59 =	vld [tilespmem:s8+$0x3F0]  }
0xc1: {  	[tilespmem:s8+$0x3A0] =	vst v1;
	v0 =	vshll.u32 v0, $0x1  }
0xc2: {  	[tilespmem:s8+$0x3B0] =	vst v0;
	v60 =	vshll.u32 v2, $0x1  }
0xc3: {  	[tilespmem:s8+$0x3C0] =	vst v60;
	v61 =	vshll.u32 v3, $0x1  }
0xc4: {  	[tilespmem:s8+$0x3D0] =	vst v61;
	v62 =	vshll.u32 v4, $0x1  }
0xc5: {  	[tilespmem:s8+$0x3E0] =	vst v62;
	v63 =	vshll.u32 v59, $0x1  }
0xc6: {  	s6 =	simm.s32 $0x0;
	[tilespmem:s8+$0x3F0] =	vst v63  }
0xc7: {  	[tilespmem:s21], [sflag:$0x1] =	stream.indirect.gather [hbm4b:s3+s20], $0x40, s6, s20, $0xb8;
	[tilespmem:$0x16400] =	vst v63  }
0xc8: {  	s0 =	simm.s32 $0x8400  }
0xc9: {  	[tilespmem:s0], [sflag:$0x2] =	stream.indirect.gather [hbm4b:s3+s20], $0x40, s20, s20, $0xb8;
	[tilespmem:$0x16400] =	vst v63  }
0xca: {  	s12 =	simm.s32 $0x100  }
0xcb: {  	[tilespmem:s24], [sflag:$0x3] =	stream.indirect.gather [hbm4b:s3+s20], $0x40, s12, s20, $0xb8;
	[tilespmem:$0x16400] =	vst v63  }
0xcc: {  	s22 =	simm.s32 $0x180;
	s8 =	rddreg [dreg:$0x3]  }
0xcd: {  	[tilespmem:s26], [sflag:$0x4] =	stream.indirect.gather [hbm4b:s3+s20], $0x40, s22, s20, $0xb8;
	[tilespmem:$0x16400] =	vst v63  }
.LBB2_4:
0xce: {  	_ =	swait.ge [sflag:s28], $0x2000  }
0xcf: {  	p0 =	seq.s32 s6, $0x0;
	[sflag:s28] =	ssyncset.done $0x0  }
0xd0: {  	s0 =	sadd.s32 s8, s16;
	s22 =	simm.s32 @!p0 $0xD;
	[sflag:s28] =	ssyncadd.s32 $0xFFFFE000  }
0xd1: {  	[hbm4b:s0+s29] =	stream.strided.scatter [tilespmem:s21], [sflag:$0x9], $0x2000, s21, s29, $0x38;
	[tilespmem:$0x16400] =	vst v63  }
0xd2: {  	_ =	swait.ge @!p0 [sflag:s22], $0x2000  }
0xd3: {  	s0 =	sshra.s32 s6, $0x2;
	[sflag:s22] =	ssyncset.done @!p0 $0x0  }
0xd4: {  	s7 =	sadd.s32 $0x200, s0;
	[sflag:s22] =	ssyncadd.s32 @!p0 $0xFFFFE000  }
0xd5: {  	[tilespmem:s30], [sflag:$0x5] =	stream.indirect.gather [hbm4b:s3+s20], $0x40, s7, s20, $0xb8;
	[tilespmem:$0x16400] =	vst v63  }
0xd6: {  	_ =	swait.ge [sflag:s31], $0x2000  }
0xd7: {  	s9 =	sadd.s32 s8, s15;
	[sflag:s31] =	ssyncset.done $0x0  }
0xd8: {  	s22 =	simm.s32 @!p0 $0xE;
	s7 =	simm.s32 $0x8400;
	[sflag:s31] =	ssyncadd.s32 $0xFFFFE000  }
0xd9: {  	[hbm4b:s9+s29] =	stream.strided.scatter [tilespmem:s7], [sflag:$0xA], $0x2000, s21, s29, $0x38;
	[tilespmem:$0x16400] =	vst v63  }
0xda: {  	_ =	swait.ge @!p0 [sflag:s22], $0x2000  }
0xdb: {  	[sflag:s22] =	ssyncset.done @!p0 $0x0  }
0xdc: {  	s11 =	simm.s32 $0x10400;
	s10 =	sadd.s32 $0x280, s0;
	[sflag:s22] =	ssyncadd.s32 @!p0 $0xFFFFE000  }
0xdd: {  	[tilespmem:s11], [sflag:$0x6] =	stream.indirect.gather [hbm4b:s3+s20], $0x40, s10, s20, $0xb8;
	[tilespmem:$0x16400] =	vst v63  }
0xde: {  	_ =	swait.ge [sflag:s1], $0x2000  }
0xdf: {  	[sflag:s1] =	ssyncset.done $0x0  }
0xe0: {  	s12 =	sadd.s32 s8, s14;
	s22 =	simm.s32 @!p0 $0xF;
	[sflag:s1] =	ssyncadd.s32 $0xFFFFE000  }
0xe1: {  	[hbm4b:s12+s29] =	stream.strided.scatter [tilespmem:s24], [sflag:$0xB], $0x2000, s21, s29, $0x38;
	[tilespmem:$0x16400] =	vst v63  }
0xe2: {  	_ =	swait.ge @!p0 [sflag:s22], $0x2000  }
0xe3: {  	[sflag:s22] =	ssyncset.done @!p0 $0x0  }
0xe4: {  	s7 =	sadd.s32 $0x300, s0;
	[sflag:s22] =	ssyncadd.s32 @!p0 $0xFFFFE000  }
0xe5: {  	[tilespmem:s2], [sflag:$0x7] =	stream.indirect.gather [hbm4b:s3+s20], $0x40, s7, s20, $0xb8;
	[tilespmem:$0x16400] =	vst v63  }
0xe6: {  	_ =	swait.ge [sflag:s17], $0x2000  }
0xe7: {  	[sflag:s17] =	ssyncset.done $0x0  }
0xe8: {  	s9 =	sadd.s32 s8, s13;
	s22 =	simm.s32 @!p0 $0x10;
	[sflag:s17] =	ssyncadd.s32 $0xFFFFE000  }
0xe9: {  	[hbm4b:s9+s29] =	stream.strided.scatter [tilespmem:s26], [sflag:$0xC], $0x2000, s21, s29, $0x38;
	[tilespmem:$0x16400] =	vst v63  }
0xea: {  	_ =	swait.ge @!p0 [sflag:s22], $0x2000  }
0xeb: {  	[sflag:s22] =	ssyncset.done @!p0 $0x0  }
0xec: {  	s10 =	sadd.s32 $0x380, s0;
	[sflag:s22] =	ssyncadd.s32 @!p0 $0xFFFFE000  }
0xed: {  	[tilespmem:s18], [sflag:$0x8] =	stream.indirect.gather [hbm4b:s3+s20], $0x40, s10, s20, $0xb8;
	[tilespmem:$0x16400] =	vst v63  }
0xee: {  	_ =	swait.ge [sflag:s23], $0x2000  }
0xef: {  	p0 =	seq.s32 s6, $0x18000;
	[sflag:s23] =	ssyncset.done $0x0;
	s11 =	rddreg [dreg:$0xb]  }
0xf0: {  	s22 =	simm.s32 @p0 $0x6;
	[sflag:s23] =	ssyncadd.s32 $0xFFFFE000;
	s12 =	sadd.s32 s8, s11  }
0xf1: {  	[hbm4b:s12+s29] =	stream.strided.scatter [tilespmem:s30], [sflag:$0xD], $0x2000, s21, s29, $0x38;
	[tilespmem:$0x16400] =	vst v63  }
0xf2: {  	_ =	swait.ge @p0 [sflag:s22], $0x2000  }
0xf3: {  	s9 =	simm.s32 @p0 $0x6400;
	s7 =	simm.s32 @p0 $0x10400;
	[sflag:s22] =	ssyncset.done @p0 $0x0  }
0xf4: {  	s10 =	rddreg [dreg:$0x6];
	[sflag:s22] =	ssyncadd.s32 @p0 $0xFFFFE000;
	s22 =	simm.s32 @p0 $0x40  }
0xf5: {  	[hbm4b:s10+s22] =	stream.strided.scatter @p0 [tilespmem:s7], [sflag:$0xE], $0x2000, s9, s22, $0x38;
	[tilespmem:$0x16400] =	vst v63  }
0xf6: {  	s7 =	simm.s32 @!p0 $0x9  }
0xf7: {  	_ =	swait.ge @!p0 [sflag:s7], $0x2000  }
0xf8: {  	[sflag:s7] =	ssyncset.done @!p0 $0x0  }
0xf9: {  	[sflag:s7] =	ssyncadd.s32 @!p0 $0xFFFFE000;
	s7 =	sshra.s32 @!p0 s6, $0x2  }
0xfa: {  	s22 =	simm.s32 @!p0 $0x80;
	s10 =	simm.s32 @!p0 $0x6400;
	s9 =	sadd.s32 @!p0 $0x400, s7  }
0xfb: {  	[tilespmem:s10], [sflag:$0x1] =	stream.indirect.gather @!p0 [hbm4b:s3+s22], $0x40, s9, s22, $0xb8;
	[tilespmem:$0x16400] =	vst v63  }
0xfc: {  	s9 =	simm.s32 @!p0 $0x6  }
0xfd: {  	_ =	swait.ge @!p0 [sflag:s9], $0x2000  }
0xfe: {  	[sflag:s9] =	ssyncset.done @!p0 $0x0  }
0xff: {  	[sflag:s9] =	ssyncadd.s32 @!p0 $0xFFFFE000;
	s9 =	rddreg [dreg:$0xa]  }
0x100: {  	s11 =	simm.s32 @!p0 $0x40;
	s12 =	simm.s32 @!p0 $0x10400;
	s9 =	sadd.s32 @!p0 s8, s9  }
0x101: {  	[hbm4b:s9+s11] =	stream.strided.scatter @!p0 [tilespmem:s12], [sflag:$0xE], $0x2000, s10, s11, $0x38;
	[tilespmem:$0x16400] =	vst v63  }
0x102: {  	s9 =	simm.s32 @!p0 $0xA  }
0x103: {  	_ =	swait.ge @!p0 [sflag:s9], $0x2000  }
0x104: {  	[sflag:s9] =	ssyncset.done @!p0 $0x0  }
0x105: {  	s7 =	sadd.s32 @!p0 $0x480, s7;
	[sflag:s9] =	ssyncadd.s32 @!p0 $0xFFFFE000;
	s9 =	simm.s32 @!p0 $0x8400  }
0x106: {  	[tilespmem:s9], [sflag:$0x2] =	stream.indirect.gather @!p0 [hbm4b:s3+s22], $0x40, s7, s22, $0xb8;
	[tilespmem:$0x16400] =	vst v63  }
.Ltmp3:
0x107: {  	_ = 	snop;
	(pc) =	sbr.rel @p0 .LBB2_6-.Ltmp3, $4  }
0x108: {  	_ =	swait.ge [sflag:s25], $0x2000  }
0x109: {  	[sflag:s25] =	ssyncset.done $0x0;
	s22 =	rddreg [dreg:$0x9]  }
0x10a: {  	[sflag:s25] =	ssyncadd.s32 $0xFFFFE000;
	s7 =	sadd.s32 s8, s22  }
0x10b: {  	[hbm4b:s7+s29] =	stream.strided.scatter [tilespmem:s2], [sflag:$0xF], $0x2000, s21, s29, $0x38;
	[tilespmem:$0x16400] =	vst v63  }
0x10c: {  	_ =	swait.ge [sflag:s4], $0x2000  }
0x10d: {  	[sflag:s4] =	ssyncset.done $0x0  }
0x10e: {  	s7 =	sadd.s32 $0x500, s0;
	[sflag:s4] =	ssyncadd.s32 $0xFFFFE000  }
0x10f: {  	[tilespmem:s24], [sflag:$0x3] =	stream.indirect.gather [hbm4b:s3+s20], $0x40, s7, s20, $0xb8;
	[tilespmem:$0x16400] =	vst v63  }
0x110: {  	_ =	swait.ge [sflag:s5], $0x2000  }
0x111: {  	[sflag:s5] =	ssyncset.done $0x0;
	s12 =	rddreg [dreg:$0x8]  }
0x112: {  	[sflag:s5] =	ssyncadd.s32 $0xFFFFE000;
	s7 =	sadd.s32 s8, s12  }
0x113: {  	[hbm4b:s7+s29] =	stream.strided.scatter [tilespmem:s18], [sflag:$0x10], $0x2000, s21, s29, $0x38;
	[tilespmem:$0x16400] =	vst v63  }
.Ltmp4:
0x114: {  	_ = 	snop;
	(pc) =	sbr.rel .LBB2_4-.Ltmp4, $4  }
0x115: {  	_ =	swait.ge [sflag:s19], $0x2000  }
0x116: {  	s22 =	sadd.s32 $0x580, s0;
	[sflag:s19] =	ssyncset.done $0x0  }
0x117: {  	s6 =	sadd.s32 $0x1000, s6;
	s8 =	sadd.s32 $0x80, s8;
	[sflag:s19] =	ssyncadd.s32 $0xFFFFE000  }
0x118: {  	[tilespmem:s26], [sflag:$0x4] =	stream.indirect.gather [hbm4b:s3+s20], $0x40, s22, s20, $0xb8;
	[tilespmem:$0x16400] =	vst v63  }
.LBB2_7:
0x119: {  	_ =	sfence.sel $0x180000  }
0x11a: {  	[bflag:$0x0] =	sbarrier.arrive $0xFFFF  }
0x11b: {  	_ =	strace $0x9000004A  }
0x11c: {  	s0 =	stileid.u32;
	[bflag:$0x2] =	sbarrier.arrive $0xFFFF  }
0x11d: {  	p0 =	sne.s32 s0, $0x0;
	s0 =	rddreg [dreg:$0x2]  }
0x11e: {  	s0 =	sadd.s32 @!p0 $0x100000, s0  }
0x11f: {  	[sflag:s0] =	ssyncadd.tile.s32 @!p0 $0x1;
	_ =	shalt  }
.Lfunc_end2:
_tile_overlayer_lowered:
.L_overlay_start_2:
0x120: {  	(tag) =	ssettag $0x2  }
0x121: {  	s0 =	rddreg [dreg:$0x0];
	s2 =	stileid.u32  }
0x122: {  	s1 =	rddreg [dreg:$0x1];
	p0 =	sne.s32 s2, $0x0  }
0x123: {  	s3 =	rddreg [dreg:$0x2];
	[bflag:$0x3] =	sbarrier.arrive $0xFFFF;
	s2 =	simm.s32 @!p0 $0x1C11  }
0x124: {  	[timem:s3], [sflag:s2] =	dma.local @!p0 [hbm:s0], s1  }
0x125: {  	s0 =	simm.s32 @!p0 $0x11  }
0x126: {  	_ =	swait.ge @!p0 [sflag:s0], s1  }
0x127: {  	s1 =	ssub.s32 @!p0 $0x0, s1;
	[sflag:s0] =	ssyncset.done @!p0 $0x0  }
0x128: {  	[sflag:s0] =	ssyncadd.s32 @!p0 s1  }
0x129: {  	[bflag:$0x3] =	sbarrier.arrive $0xFFFF  }
0x12a: {  	_ =	shalt  }

// kernel: sparse-core-data-format-call.1.cloned.1.call-start
scs
called_computation.1_lowered:
.L_overlay_start_0:
0x0: {  	s2 =	sld [smem:$0x3FD9]  }
0x1: {  	s3 =	sld [smem:$0x3FFE];
	_ =	sdelay $0x1  }
0x2: {  	s1 =	srdreg.scid  }
0x3: {  	s0 =	sand.u32 $0x1, s1  }
0x4: {  	s18 =	sshll.u32 s0, $0xA;
	s2 =	sadd.s32 s3, s2  }
0x5: {  	s2 =	sadd.s32 s2, s18  }
0x6: {  	[smem:$0x3FC6] =	sst s2  }
0x7: {  	_ = 	snop  }
0x8: {  	s2 =	sld [smem:$0x3FC8];
	(tm) =	ssettm $0x1  }
0x9: {  	s19 =	sld [smem:$0x3FFB];
	_ =	sdelay $0x3  }
0xa: {  	_ =	strace s19  }
0xb: {  	s3 =	sld [smem:$0x3FFC];
	_ =	sdelay $0x3  }
0xc: {  	_ =	strace s3  }
0xd: {  	s3 =	sld [smem:$0x3FFD];
	_ =	sdelay $0x3  }
0xe: {  	_ =	strace s3  }
0xf: {  	_ =	strace $0x8FFFFFFF  }
0x10: {  	s20 =	sld [smem:$0x3FDB];
	_ =	sdelay $0x1  }
0x11: {  	s4 =	simm.s32 $_scs_section_size  }
0x12: {  	s5 =	simm.s32 $_size__tile_overlayer_lowered;
	s6 =	simm.s32 $_tile_overlayer_lowered  }
0x13: {  	s23 =	simm.s32 $0x1BFF;
	s22 =	sshll.u32 s6, $0x1;
	s3 =	sadd.s32 s4, s20  }
0x14: {  	s7 =	simm.s32 $0x0;
	s21 =	sshll.u32 s5, $0x1;
	s5 =	sadd.s32 s22, s3  }
0x15: {  	[timem:s7], [sflag:s23] =	dma.local [hbm:s5], s21  }
0x16: {  	_ =	swait.ge [sflag:s23], s21  }
0x17: {  	s4 =	ssub.s32 $0x0, s21;
	[sflag:s23] =	ssyncset.done $0x0  }
0x18: {  	[sflag:s23] =	ssyncadd.s32 s4;
	_ =	sdelay $0x1  }
0x19: {  	s24 =	simm.s32 $0x1B8B  }
0x1a: {  	_ =	swait.ge [sflag:s24], $0x1  }
0x1b: {  	[sflag:s24] =	ssyncset.done $0x0  }
0x1c: {  	s26 =	simm.s32 $0x1B8E;
	s25 =	sld [smem:$0x3FFE];
	[sflag:s24] =	ssyncadd.s32 $0xFFFFFFFF  }
0x1d: {  	s27 =	simm.s32 $execute0_lowered;
	[smem:$0x3FD2] =	sst s26  }
0x1e: {  	s5 =	sshll.u32 s27, $0x1;
	_ =	strace $0x80000046;
	[dreg:$0x1] =	wrdreg $0xFFFFFFFF  }
0x1f: {  	s28 =	simm.s32 $_size_execute0_lowered;
	s3 =	sadd.s32 s3, s5;
	[dreg:$0x0] =	wrdreg $0x0  }
0x20: {  	s5 =	sshll.u32 s28, $0x1;
	[dreg:$0x2] =	wrdreg s3  }
0x21: {  	[dreg:$0x3] =	wrdreg s5  }
0x22: {  	[dreg:$0x4] =	wrdreg $0xC0  }
0x23: {  	_ =	task [dreg:s7], $0x5FFFF  }
0x24: {  	[dreg:$0x1] =	wrdreg $0xFFFFFFFF  }
0x25: {  	[dreg:$0x0] =	wrdreg $0x60  }
0x26: {  	[dreg:$0x2] =	wrdreg s2  }
0x27: {  	[dreg:$0x3] =	wrdreg s25  }
0x28: {  	[dreg:$0x4] =	wrdreg $0x9  }
0x29: {  	_ =	task.clear_ibuf [dreg:s7], $0x5FFFF;
	_ =	strace $0x90000046  }
0x2a: {  	s29 =	simm.s32 $0x9;
	_ =	strace $0x80000048  }
0x2b: {  	_ =	swait.ge [sflag:s29], $0x1  }
0x2c: {  	[sflag:s29] =	ssyncadd.s32 $0xFFFFFFFF  }
0x2d: {  	_ =	strace $0x90000048  }
0x2e: {  	_ =	sfence  }
0x2f: {  	s30 =	sld [smem:$0x0];
	_ =	sdelay $0x2  }
0x30: {  	s31 =	sshll.u32 s1, $0xD;
	s1 =	sshrl.u32 s1, $0x2  }
0x31: {  	s3 =	sand.u32 $0x4000, s31;
	s1 =	sadd.s32 s1, s30  }
0x32: {  	s0 =	sor.u32 s3, s0;
	s1 =	sshll.u32 s1, $0x11  }
0x33: {  	s0 =	sor.u32 s1, s0  }
0x34: {  	s0 =	sadd.s32 $0x8F2B, s0  }
0x35: {  	[sflag:s0] =	ssyncadd.remote.s32 $0x1  }
0x36: {  	_ =	sfence.sel $0xFFFF  }
0x37: {  	[dreg:$0x0] =	wrdreg $0xFFFFFFFF;
	(pc) =	sbr.abs _section_cstart, $3  }
0x38: {  	[dreg:$0x1] =	wrdreg $0xFFFFFFFF  }
0x39: {  	_ =	task.clear_ibuf [dreg:s7], $0x2FFFF;
	_ =	strace $0x9FFFFFFF  }
0x3a: {  	(tm) =	ssettm $0x7FFFFFFF  }
0x3b: {  	_ =	shalt  }
tec
execute0_lowered:
.L_overlay_start_1:
0x0: {  	(tag) =	ssettag $0x1  }
0x1: {  	s0 =	srdreg.scid;
	s2 =	rddreg [dreg:$0x0]  }
0x2: {  	s5 =	rddreg [dreg:$0x1];
	s1 =	stileid.u32  }
0x3: {  	s4 =	simm.s32 $0x1;
	s6 =	simm.s32 $0x2;
	s15 =	simm.s32 $0x0  }
0x4: {  	p0 =	por $0x0, $0x0;
	s8 =	simm.s32 $0x80;
	s0 =	sshll.u32 s0, $0x4  }
0x5: {  	s14 =	simm.s32 $0x0;
	s9 =	simm.s32 $0x0;
	s3 =	sand.u32 $0x10, s0  }
.Ltmp0:
0x6: {  	s10 =	simm.s32 $0x0;
	s3 =	sor.u32 s1, s3;
	(pc) =	sbr.rel .LBB1_1-.Ltmp0, $4  }
0x7: {  	s0 =	rddreg [dreg:$0x2];
	_ =	strace $0x80000047;
	s3 =	sshll.u32 s3, $0x7  }
0x8: {  	s12 =	simm.s32 $0x0;
	[sflag:s4] =	ssyncpa.u1 $0x0;
	s7 =	ssub.s32 $0xF4200, s3  }
0x9: {  	s13 =	simm.s32 $0x0;
	[sflag:s6] =	ssyncpa.u1 $0x0;
	s6 =	sshrl.u32 s7, $0xC  }
0xa: {  	s5 =	sadd.s32 $0xC00, s5;
	s11 =	smov.u32 s3;
	s7 =	sadd.s32 $0x2, s6  }
.LBB1_5:
0xb: {  	p1 =	slt.u32 s13, $0x2  }
0xc: {  	s17 =	smov.u32 s15;
	p2 =	sgt.s32 @!p1 s15, $0xF41C0;
	s16 =	sshra.s32 @!p1 s15, $0x1F  }
0xd: {  	p3 =	sgt.s32 @!p1 s14, $0x40;
	s18 =	sshra.s32 @!p1 s14, $0x1F;
	p2 =	por !p2, p1  }
0xe: {  	s15 =	sand.u32 @!p1 s16, s15;
	p3 =	por !p3, p1;
	s16 =	smov.u32 s14  }
0xf: {  	s14 =	sand.u32 @!p1 s18, s14;
	s17 =	simm.s32 @p2 $0xF41C0;
	s16 =	simm.s32 @p3 $0x40  }
0x10: {  	s15 =	ssub.s32 @!p1 s17, s15;
	s14 =	ssub.s32 @!p1 s16, s14  }
0x11: {  	s18 =	smov.u32 s12;
	s16 =	sadd.s32 @!p1 $0xFFF0BE40, s15;
	s17 =	sadd.s32 @!p1 $0xFFFFFFC0, s14  }
0x12: {  	s15 =	ssub.s32 @!p1 $0xF4240, s15;
	p2 =	sgt.s32 @!p1 s16, $0x7F;
	p3 =	sgt.s32 @!p1 s17, $0x3F  }
0x13: {  	s14 =	ssub.s32 @!p1 $0x80, s14;
	p2 =	por !p2, p1;
	p3 =	por !p3, p1  }
0x14: {  	s16 =	sadd.s32 $0x1000, s11;
	s15 =	simm.s32 @!p2 $0x0;
	s14 =	simm.s32 @!p3 $0x0  }
0x15: {  	p2 =	sgt.s32 s16, $0xF423F;
	s14 =	smul.u32 @!p1 s14, s15;
	s15 =	sadd.s32 $0x40, s12  }
0x16: {  	s18 =	smov.u32 @p2 s15  }
0x17: {  	s16 =	smov.u32 @p2 s3;
	p2 =	sgt.s32 s18, $0x3F  }
0x18: {  	s18 =	simm.s32 @p2 $0x0;
	p2 =	sne.s32 s13, s7  }
.Ltmp1:
0x19: {  	p0 =	por !p0, !p0;
	s17 =	simm.s32 @!p1 $0x2;
	(pc) =	sbr.rel @!p2 .LBB1_6-.Ltmp1, $4  }
0x1a: {  	s15 =	smov.u32 s9;
	s9 =	smov.u32 s11;
	s14 =	sand.u32 @!p1 $0x3FFFFFFF, s14  }
0x1b: {  	s11 =	smov.u32 s16;
	_ =	swait.ge @!p1 [sflag:s17], s14;
	s19 =	ssub.s32 @!p1 $0x0, s14  }
0x1c: {  	s14 =	smov.u32 s10;
	s13 =	sadd.s32 $0x1, s13;
	[sflag:s17] =	ssyncset.done @!p1 $0x0  }
0x1d: {  	s10 =	smov.u32 s12;
	s12 =	smov.u32 s18;
	[sflag:s17] =	ssyncadd.s32 @!p1 s19  }
.LBB1_1:
0x1e: {  	p1 =	sgt.u32 s13, s6  }
0x1f: {  	s16 =	sshrl.u32 @!p1 s12, $0x3  }
0x20: {  	s17 =	sshll.u32 @!p1 s11, $0x3;
	s16 =	smul.u32 @!p1 $0x7A1400, s16  }
0x21: {  	s18 =	sshll.u32 @!p1 s12, $0x7;
	s17 =	sand.u32 @!p1 $0xFFFFFC00, s17  }
0x22: {  	s16 =	sadd.s32 @!p1 s16, s17;
	s17 =	sand.u32 @!p1 $0x380, s18  }
0x23: {  	s18 =	sand.u32 @!p1 $0x7F, s11;
	s16 =	sor.u32 @!p1 s17, s16  }
0x24: {  	s17 =	sor.u32 @!p1 s18, s16  }
0x25: {  	s18 =	smulhi.u32 @!p1 $0x218D6287, s17;
	_ =	sdelay $0x1  }
0x26: {  	s16 =	smulhi.u32 @!p1 $0x218D6287, s16;
	s18 =	sshrl.u32 @!p1 s18, $0x11  }
0x27: {  	s18 =	smul.u32 @!p1 $0xF4280, s18  }
0x28: {  	s19 =	sxor.u32 @!p1 $0xFFFFFFFF, s13;
	s16 =	sshrl.u32 @!p1 s16, $0x11  }
0x29: {  	s19 =	sshll.u32 @!p1 s19, $0xD;
	s16 =	sand.u32 @!p1 $0x3F, s16;
	s17 =	ssub.s32 @!p1 s17, s18  }
0x2a: {  	s16 =	smul.u32 @!p1 $0x1E850, s16;
	s18 =	sshrl.u32 @!p1 s17, $0x3;
	s17 =	sand.u32 @!p1 $0x7, s17  }
0x2b: {  	s19 =	sand.u32 @!p1 $0x2000, s19;
	s18 =	sadd.s32 @!p1 s2, s18;
	s17 =	sshll.u32 @!p1 s17, $0x12  }
0x2c: {  	s16 =	sadd.s32 @!p1 s16, s18;
	s17 =	sor.u32 @!p1 $0x400, s17;
	s18 =	simm.s32 @!p1 $0x7A1400  }
0x2d: {  	[tilespmem:s19], [sflag:$0x1] =	stream.strided.gather @!p1 [hbm4b:s16+s17], $0x2000, s18, s17, $0x38;
	[tilespmem:$0x8100] =	vst v63  }
0x2e: {  	p1 =	seq.s32 s13, $0x0  }
0x2f: {  	p2 =	sge.u32 @!p1 s13, s7  }
0x30: {  	p1 =	por p1, p2  }
.Ltmp2:
0x31: {  	_ = 	snop;
	(pc) =	sbr.rel @p1 .LBB1_5-.Ltmp2, $1  }
0x32: {  	_ =	sdelay $0x3  }
0x33: {  	s16 =	simm.s32 $0x1  }
0x34: {  	_ =	swait.ge [sflag:s4], $0x2000;
	s16 =	simm.s32 @!p0 $0x0  }
0x35: {  	[sflag:s4] =	ssyncset.done $0x0;
	s17 =	sshll.u32 s16, $0xD  }
0x36: {  	[sflag:s4] =	ssyncadd.s32 $0xFFFFE000;
	s17 =	sor.u32 $0x40, s17  }
0x37: {  	s16 =	smul.u32 $0x8200, s16;
	v0 =	vld [tilespmem:s17+$0x30]  }
0x38: {  	v1 =	vld [tilespmem:s17+$0xFFFFFFD0]  }
0x39: {  	s16 =	sshrl.u32 s16, $0x2;
	v5 =	vld [tilespmem:s17+$0xFFFFFFE0]  }
0x3a: {  	v6 =	vld [tilespmem:s17+$0xFFFFFFF0];
	s19 =	sor.u32 $0x4000, s16  }
0x3b: {  	s31 =	sand.u32 $0x1, s13;
	v4 =	vld [tilespmem:s17+$0x0];
	s18 =	sadd.s32 $0x0, s19  }
0x3c: {  	v3 =	vld [tilespmem:s17+$0x10];
	s16 =	smul.u32 $0x8200, s31;
	[tilespmem:s18+$0x1C70 ss:$0x41] =	vst.msk $0xffff, v0  }
0x3d: {  	v2 =	vld [tilespmem:s17+$0x20];
	[tilespmem:s18+$0x410 ss:$0x41] =	vst.msk $0xffff, v1  }
0x3e: {  	s16 =	sshrl.u32 s16, $0x2;
	v1 =	vld [tilespmem:s17+$0xFFFFFFC0];
	[tilespmem:s18+$0x820 ss:$0x41] =	vst.msk $0xffff, v5;
	s17 =	sadd.s32 $0x80, s17  }
0x3f: {  	s20 =	simm.s32 $0x4;
	s21 =	simm.s32 $0x8;
	s16 =	sor.u32 $0x4000, s16;
	[tilespmem:s18+$0xC30 ss:$0x41] =	vst.msk $0xffff, v6;
	v0 =	vld [tilespmem:s17+$0x30]  }
.LBB1_3:
0x40: {  	p1 =	sne.s32 s21, $0xFC;
	v5 =	vld [tilespmem:s17+$0xFFFFFFD0];
	[tilespmem:s18+$0x1040 ss:$0x41] =	vst.msk $0xffff, v4  }
0x41: {  	v6 =	vld [tilespmem:s17+$0xFFFFFFE0];
	[tilespmem:s18+$0x1450 ss:$0x41] =	vst.msk $0xffff, v3  }
0x42: {  	s22 =	sshra.s32 s20, $0x2;
	s20 =	smov.u32 s21;
	v7 =	vld [tilespmem:s17+$0xFFFFFFF0];
	[tilespmem:s18+$0x1860 ss:$0x41] =	vst.msk $0xffff, v2  }
.Ltmp3:
0x43: {  	v4 =	vld [tilespmem:s17+$0x0];
	[tilespmem:s18+$0x0 ss:$0x41] =	vst.msk $0xffff, v1;
	s18 =	sadd.s32 s22, s19;
	(pc) =	sbr.rel @p1 .LBB1_3-.Ltmp3, $4  }
0x44: {  	v3 =	vld [tilespmem:s17+$0x10];
	[tilespmem:s18+$0x1C70 ss:$0x41] =	vst.msk $0xffff, v0  }
0x45: {  	[tilespmem:s18+$0x410 ss:$0x41] =	vst.msk $0xffff, v5;
	v2 =	vld [tilespmem:s17+$0x20]  }
0x46: {  	v1 =	vld [tilespmem:s17+$0xFFFFFFC0];
	[tilespmem:s18+$0x820 ss:$0x41] =	vst.msk $0xffff, v6;
	s17 =	sadd.s32 $0x80, s17  }
0x47: {  	s21 =	sadd.s32 $0x4, s21;
	v0 =	vld [tilespmem:s17+$0x30];
	[tilespmem:s18+$0xC30 ss:$0x41] =	vst.msk $0xffff, v7  }
0x48: {  	s21 =	sshll.u32 s9, $0x7;
	s22 =	sshll.u32 s10, $0x3;
	s20 =	sshra.s32 s20, $0x2  }
0x49: {  	p1 =	sgt.s32 s9, $0xF41C0;
	s30 =	sshra.s32 s9, $0x1F;
	s25 =	sshra.s32 s10, $0x1F  }
0x4a: {  	v5 =	vld [tilespmem:s17+$0xFFFFFFD0];
	s28 =	sshrl.u32 s10, $0x3;
	s23 =	sand.u32 $0xFFFFFC00, s21;
	s22 =	sand.u32 $0xFFFFFC00, s22  }
0x4b: {  	[tilespmem:s18+$0x1040 ss:$0x41] =	vst.msk $0xffff, v4;
	v58 =	vld [tilespmem:s17+$0xFFFFFFE0];
	s21 =	sand.u32 $0x380, s21;
	s19 =	sadd.s32 s20, s19;
	s22 =	sadd.s32 s22, s23  }
0x4c: {  	v59 =	vld [tilespmem:s17+$0xFFFFFFF0];
	[tilespmem:s18+$0x1450 ss:$0x41] =	vst.msk $0xffff, v3;
	s29 =	sor.u32 s21, s22;
	s21 =	smov.u32 s9;
	s22 =	sand.u32 s30, s9  }
0x4d: {  	v60 =	vld [tilespmem:s17+$0x0];
	[tilespmem:s18+$0x1860 ss:$0x41] =	vst.msk $0xffff, v2;
	s30 =	sand.u32 $0x7, s10;
	s20 =	sshrl.u32 s29, $0x7;
	s21 =	simm.s32 @!p1 $0xF41C0  }
0x4e: {  	v61 =	vld [tilespmem:s17+$0x10];
	[tilespmem:s18+$0x0 ss:$0x41] =	vst.msk $0xffff, v1;
	p1 =	sgt.s32 s10, $0x40;
	s24 =	ssub.s32 s21, s22;
	s21 =	smov.u32 s10  }
0x4f: {  	v62 =	vld [tilespmem:s17+$0x20];
	[tilespmem:s19+$0x1C70 ss:$0x41] =	vst.msk $0xffff, v0;
	s31 =	smulhi.u32 $0x218DEF5, s20;
	s22 =	sand.u32 s25, s10;
	s21 =	simm.s32 @!p1 $0x40  }
0x50: {  	v63 =	vld [tilespmem:s17+$0xFFFFFFC0];
	[tilespmem:s19+$0x410 ss:$0x41] =	vst.msk $0xffff, v5;
	s26 =	sadd.s32 $0xFFF0BE40, s24;
	s17 =	ssub.s32 $0xF4240, s24;
	s21 =	ssub.s32 s21, s22  }
0x51: {  	[tilespmem:s19+$0x820 ss:$0x41] =	vst.msk $0xffff, v58;
	s23 =	sshrl.u32 s31, $0xD;
	p1 =	sgt.s32 s26, $0x7F;
	s27 =	sadd.s32 $0xFFFFFFC0, s21  }
0x52: {  	[tilespmem:s19+$0xC30 ss:$0x41] =	vst.msk $0xffff, v59;
	s23 =	smul.u32 $0xF4240, s23;
	s18 =	ssub.s32 $0x80, s21;
	p2 =	sgt.s32 s27, $0x3F  }
.Ltmp4:
0x53: {  	[tilespmem:s19+$0x1040 ss:$0x41] =	vst.msk $0xffff, v60;
	s17 =	simm.s32 @p1 $0x0;
	s18 =	simm.s32 @p2 $0x0;
	(pc) =	sbr.rel .LBB1_5-.Ltmp4, $4  }
0x54: {  	s29 =	sand.u32 $0xF, s28;
	[tilespmem:s19+$0x1450 ss:$0x41] =	vst.msk $0xffff, v61;
	s20 =	ssub.s32 s20, s23;
	s17 =	smul.u32 s18, s17  }
0x55: {  	[tilespmem:s19+$0x1860 ss:$0x41] =	vst.msk $0xffff, v62;
	s21 =	sshll.u32 s30, $0x12;
	s20 =	sshll.u32 s20, $0x4;
	s18 =	sadd.s32 s5, s29  }
0x56: {  	[tilespmem:s19+$0x0 ss:$0x41] =	vst.msk $0xffff, v63;
	s31 =	sor.u32 $0x40, s21;
	s18 =	sadd.s32 s20, s18;
	s17 =	sand.u32 $0x3FFFFFFF, s17  }
0x57: {  	[hbm4b:s18+s31] =	stream.strided.scatter [tilespmem:s16], [sflag:$0x2], s17, s8, s31, $0x18;
	[tilespmem:$0x8100] =	vst v63  }
.LBB1_6:
0x58: {  	_ =	sfence.sel $0x180000  }
0x59: {  	s2 =	simm.s32 $0x1;
	[bflag:$0x0] =	sbarrier.arrive $0xFFFF  }
0x5a: {  	s31 =	simm.s32 $0x2;
	[sflag:s2] =	ssyncpa.u1 $0x1  }
0x5b: {  	[sflag:s31] =	ssyncpa.u1 $0x1  }
0x5c: {  	p0 =	sne.s32 s1, $0x0;
	_ =	strace $0x90000047  }
0x5d: {  	s0 =	sadd.s32 @!p0 $0x100000, s0;
	[bflag:$0x2] =	sbarrier.arrive $0xFFFF  }
0x5e: {  	[sflag:s0] =	ssyncadd.tile.s32 @!p0 $0x1;
	_ =	shalt  }
.Lfunc_end1:
_tile_overlayer_lowered:
.L_overlay_start_2:
0x5f: {  	(tag) =	ssettag $0x2  }
0x60: {  	s0 =	rddreg [dreg:$0x0];
	s2 =	stileid.u32  }
0x61: {  	s1 =	rddreg [dreg:$0x1];
	p0 =	sne.s32 s2, $0x0  }
0x62: {  	s3 =	rddreg [dreg:$0x2];
	[bflag:$0x3] =	sbarrier.arrive $0xFFFF;
	s2 =	simm.s32 @!p0 $0x1C01  }
0x63: {  	[timem:s3], [sflag:s2] =	dma.local @!p0 [hbm:s0], s1  }
0x64: {  	s0 =	simm.s32 @!p0 $0x1  }
0x65: {  	_ =	swait.ge @!p0 [sflag:s0], s1  }
0x66: {  	s1 =	ssub.s32 @!p0 $0x0, s1;
	[sflag:s0] =	ssyncset.done @!p0 $0x0  }
0x67: {  	[sflag:s0] =	ssyncadd.s32 @!p0 s1  }
0x68: {  	[bflag:$0x3] =	sbarrier.arrive $0xFFFF  }
0x69: {  	_ =	shalt  }

// kernel: sparse-core-data-format-call.cloned.1.call-start
scs
called_computation_lowered:
.L_overlay_start_0:
0x0: {  	s2 =	sld [smem:$0x3FD9]  }
0x1: {  	s3 =	sld [smem:$0x3FFE];
	_ =	sdelay $0x1  }
0x2: {  	s1 =	srdreg.scid  }
0x3: {  	s0 =	sand.u32 $0x1, s1  }
0x4: {  	s18 =	sshll.u32 s0, $0xA;
	s2 =	sadd.s32 s3, s2  }
0x5: {  	s2 =	sadd.s32 s2, s18  }
0x6: {  	[smem:$0x3FC6] =	sst s2  }
0x7: {  	_ = 	snop  }
0x8: {  	s2 =	sld [smem:$0x3FD0];
	(tm) =	ssettm $0x1  }
0x9: {  	s19 =	sld [smem:$0x3FFB];
	_ =	sdelay $0x3  }
0xa: {  	_ =	strace s19  }
0xb: {  	s3 =	sld [smem:$0x3FFC];
	_ =	sdelay $0x3  }
0xc: {  	_ =	strace s3  }
0xd: {  	s3 =	sld [smem:$0x3FFD];
	_ =	sdelay $0x3  }
0xe: {  	_ =	strace s3  }
0xf: {  	_ =	strace $0x8FFFFFFF  }
0x10: {  	s20 =	sld [smem:$0x3FDB];
	_ =	sdelay $0x1  }
0x11: {  	s4 =	simm.s32 $_scs_section_size  }
0x12: {  	s5 =	simm.s32 $_size__tile_overlayer_lowered;
	s6 =	simm.s32 $_tile_overlayer_lowered  }
0x13: {  	s23 =	simm.s32 $0x1BFF;
	s22 =	sshll.u32 s6, $0x1;
	s3 =	sadd.s32 s4, s20  }
0x14: {  	s7 =	simm.s32 $0x0;
	s21 =	sshll.u32 s5, $0x1;
	s5 =	sadd.s32 s22, s3  }
0x15: {  	[timem:s7], [sflag:s23] =	dma.local [hbm:s5], s21  }
0x16: {  	_ =	swait.ge [sflag:s23], s21  }
0x17: {  	s4 =	ssub.s32 $0x0, s21;
	[sflag:s23] =	ssyncset.done $0x0  }
0x18: {  	[sflag:s23] =	ssyncadd.s32 s4;
	_ =	sdelay $0x1  }
0x19: {  	s24 =	simm.s32 $0x1B8B  }
0x1a: {  	_ =	swait.ge [sflag:s24], $0x1  }
0x1b: {  	[sflag:s24] =	ssyncset.done $0x0  }
0x1c: {  	s26 =	simm.s32 $0x1B8E;
	s25 =	sld [smem:$0x3FFE];
	[sflag:s24] =	ssyncadd.s32 $0xFFFFFFFF  }
0x1d: {  	s27 =	simm.s32 $execute0_lowered;
	[smem:$0x3FD2] =	sst s26  }
0x1e: {  	s5 =	sshll.u32 s27, $0x1;
	_ =	strace $0x8000004C;
	[dreg:$0x1] =	wrdreg $0xFFFFFFFF  }
0x1f: {  	s28 =	simm.s32 $_size_execute0_lowered;
	s3 =	sadd.s32 s3, s5;
	[dreg:$0x0] =	wrdreg $0x0  }
0x20: {  	s5 =	sshll.u32 s28, $0x1;
	[dreg:$0x2] =	wrdreg s3  }
0x21: {  	[dreg:$0x3] =	wrdreg s5  }
0x22: {  	[dreg:$0x4] =	wrdreg $0xC0  }
0x23: {  	_ =	task [dreg:s7], $0x5FFFF  }
0x24: {  	[dreg:$0x1] =	wrdreg $0xFFFFFFFF  }
0x25: {  	[dreg:$0x0] =	wrdreg $0x60  }
0x26: {  	[dreg:$0x2] =	wrdreg s25  }
0x27: {  	[dreg:$0x3] =	wrdreg s2  }
0x28: {  	[dreg:$0x4] =	wrdreg $0x9  }
0x29: {  	_ =	task.clear_ibuf [dreg:s7], $0x5FFFF;
	_ =	strace $0x9000004C  }
0x2a: {  	s29 =	simm.s32 $0x9;
	_ =	strace $0x8000004E  }
0x2b: {  	_ =	swait.ge [sflag:s29], $0x1  }
0x2c: {  	[sflag:s29] =	ssyncadd.s32 $0xFFFFFFFF  }
0x2d: {  	_ =	strace $0x9000004E  }
0x2e: {  	_ =	sfence  }
0x2f: {  	s30 =	sld [smem:$0x0];
	_ =	sdelay $0x2  }
0x30: {  	s31 =	sshll.u32 s1, $0xD;
	s1 =	sshrl.u32 s1, $0x2  }
0x31: {  	s3 =	sand.u32 $0x4000, s31;
	s1 =	sadd.s32 s1, s30  }
0x32: {  	s0 =	sor.u32 s3, s0;
	s1 =	sshll.u32 s1, $0x11  }
0x33: {  	s0 =	sor.u32 s1, s0  }
0x34: {  	s0 =	sadd.s32 $0x8F2B, s0  }
0x35: {  	[sflag:s0] =	ssyncadd.remote.s32 $0x1  }
0x36: {  	_ =	sfence.sel $0xFFFF  }
0x37: {  	[dreg:$0x0] =	wrdreg $0xFFFFFFFF;
	(pc) =	sbr.abs _section_cstart, $3  }
0x38: {  	[dreg:$0x1] =	wrdreg $0xFFFFFFFF  }
0x39: {  	_ =	task.clear_ibuf [dreg:s7], $0x2FFFF;
	_ =	strace $0x9FFFFFFF  }
0x3a: {  	(tm) =	ssettm $0x7FFFFFFF  }
0x3b: {  	_ =	shalt  }
tec
execute0_lowered:
.L_overlay_start_1:
0x0: {  	(tag) =	ssettag $0x1  }
0x1: {  	s0 =	srdreg.scid  }
0x2: {  	s1 =	sshll.u32 s0, $0x4  }
0x3: {  	s0 =	stileid.u32;
	s1 =	sand.u32 $0x10, s1  }
0x4: {  	s1 =	sor.u32 s0, s1  }
0x5: {  	s6 =	rddreg [dreg:$0x0];
	s4 =	simm.s32 $0x1;
	s2 =	sshll.u32 s1, $0x7  }
0x6: {  	s7 =	simm.s32 $0x2;
	s12 =	simm.s32 $0x0;
	s1 =	ssub.s32 $0x1000, s2  }
0x7: {  	s8 =	simm.s32 $0x8000;
	s13 =	simm.s32 $0x0;
	s3 =	sand.u32 $0xF80, s1  }
0x8: {  	s9 =	simm.s32 $0x0;
	s5 =	sshrl.u32 s1, $0xC;
	p0 =	sne.s32 s3, $0x0  }
.Ltmp0:
0x9: {  	s1 =	rddreg [dreg:$0x2];
	s4 =	simm.s32 @!p0 $0x0;
	(pc) =	sbr.rel .LBB1_1-.Ltmp0, $4  }
0xa: {  	s11 =	simm.s32 $0x0;
	s3 =	rddreg [dreg:$0x1];
	s5 =	sadd.s32 s4, s5  }
0xb: {  	_ =	strace $0x8000004D;
	s4 =	simm.s32 $0x1;
	s5 =	smul.u32 $0xC8, s5  }
0xc: {  	s6 =	sadd.s32 $0xC00, s6;
	s10 =	smov.u32 s2;
	[sflag:s4] =	ssyncpa.u1 $0x0  }
0xd: {  	p0 =	por $0x0, $0x0;
	[sflag:s7] =	ssyncpa.u1 $0x0;
	s7 =	sor.u32 $0x1, s5  }
.LBB1_4:
0xe: {  	s16 =	sshll.u32 s13, $0x3;
	s17 =	sand.u32 $0x78, s13  }
0xf: {  	s30 =	sand.u32 $0x7E00, s13;
	s12 =	sshll.u32 s12, $0xF;
	s16 =	sand.u32 $0xC00, s16  }
0x10: {  	[tilespmem:s15+$0x810 ss:$0x81] =	vst.msk $0xffff, v2;
	s31 =	sand.u32 $0x7, s13;
	s16 =	sor.u32 s17, s16;
	s17 =	sadd.s32 s3, s30  }
0x11: {  	[tilespmem:s15+$0x1020 ss:$0x81] =	vst.msk $0xffff, v0;
	s13 =	sshll.u32 s31, $0x12;
	s12 =	sadd.s32 s12, s17;
	s16 =	sshrl.u32 s16, $0x3  }
0x12: {  	[tilespmem:s15+$0x0 ss:$0x81] =	vst.msk $0xffff, v1;
	s13 =	sor.u32 $0x400, s13;
	s12 =	sadd.s32 s16, s12  }
0x13: {  	[hbm4b:s12+s13] =	stream.strided.scatter [tilespmem:s14], [sflag:$0x2], $0x2000, s8, s13, $0x20;
	[tilespmem:$0x8080] =	vst v63  }
.LBB1_5:
0x14: {  	s14 =	sadd.s32 $0x1, s9  }
0x15: {  	s12 =	sadd.s32 $0x1000, s10;
	s16 =	smov.u32 s10;
	p2 =	sgt.s32 s14, $0xC7  }
0x16: {  	s16 =	smov.u32 @p2 s12  }
0x17: {  	s14 =	simm.s32 @p2 $0x0;
	p2 =	sgt.s32 s16, $0xFFF  }
0x18: {  	s16 =	smov.u32 @p2 s2;
	p2 =	sne.s32 s11, s7  }
.Ltmp1:
0x19: {  	p1 =	slt.u32 s11, $0x2;
	(pc) =	sbr.rel @!p2 .LBB1_6-.Ltmp1, $4  }
0x1a: {  	s15 =	simm.s32 @!p1 $0x2  }
0x1b: {  	s13 =	smov.u32 s10;
	p0 =	por !p0, !p0;
	_ =	swait.ge @!p1 [sflag:s15], $0x2000  }
0x1c: {  	s12 =	smov.u32 s9;
	[sflag:s15] =	ssyncset.done @!p1 $0x0;
	s9 =	smov.u32 s14  }
0x1d: {  	s11 =	sadd.s32 $0x1, s11;
	[sflag:s15] =	ssyncadd.s32 @!p1 $0xFFFFE000;
	s10 =	smov.u32 s16  }
.LBB1_1:
0x1e: {  	p1 =	sge.u32 s11, s5  }
0x1f: {  	s14 =	sand.u32 @!p1 $0x1FFFFFF, s9  }
0x20: {  	s15 =	smulhi.u32 @!p1 $0x147AE15, s14;
	_ =	sdelay $0x1  }
0x21: {  	s15 =	smul.u32 @!p1 $0xC8, s15  }
0x22: {  	s16 =	sxor.u32 @!p1 $0xFFFFFFFF, s11;
	s17 =	smul.u32 @!p1 $0xC80, s10  }
0x23: {  	s31 =	sadd.s32 $0xFFFFFFFF, s11;
	s16 =	sshll.u32 @!p1 s16, $0xD;
	s14 =	ssub.s32 @!p1 s14, s15  }
0x24: {  	s15 =	sand.u32 @!p1 $0x2000, s16;
	s16 =	sadd.s32 @!p1 s6, s17;
	s14 =	sshll.u32 @!p1 s14, $0x4  }
0x25: {  	s17 =	simm.s32 @!p1 $0x6400;
	s14 =	sadd.s32 @!p1 s14, s16;
	s16 =	simm.s32 @!p1 $0x40  }
0x26: {  	[tilespmem:s15], [sflag:$0x1] =	stream.strided.gather @!p1 [hbm4b:s14+s16], $0x2000, s17, s16, $0x38;
	[tilespmem:$0x8080] =	vst v63  }
0x27: {  	p1 =	sge.u32 s31, s5  }
.Ltmp2:
0x28: {  	_ = 	snop;
	(pc) =	sbr.rel @p1 .LBB1_5-.Ltmp2, $1  }
0x29: {  	_ =	sdelay $0x3  }
0x2a: {  	s14 =	simm.s32 $0x1  }
0x2b: {  	_ =	swait.ge [sflag:s4], $0x2000;
	s14 =	simm.s32 @!p0 $0x0  }
0x2c: {  	[sflag:s4] =	ssyncset.done $0x0;
	s15 =	sshll.u32 s14, $0xD  }
0x2d: {  	[sflag:s4] =	ssyncadd.s32 $0xFFFFE000;
	s18 =	sor.u32 $0x20, s15  }
0x2e: {  	s14 =	smul.u32 $0x8100, s14;
	v3 =	vld [tilespmem:s18+$0x10]  }
0x2f: {  	s30 =	sand.u32 $0x1, s11;
	v2 =	vld [tilespmem:s18+$0xFFFFFFF0]  }
0x30: {  	s15 =	smul.u32 $0x8100, s30;
	s14 =	sshrl.u32 s14, $0x2;
	v0 =	vld [tilespmem:s18+$0x0]  }
0x31: {  	v1 =	vld [tilespmem:s18+$0xFFFFFFE0];
	s16 =	sor.u32 $0x4000, s14  }
0x32: {  	s31 =	sshrl.u32 s15, $0x2;
	s15 =	sadd.s32 $0x0, s16  }
0x33: {  	s17 =	simm.s32 $0x4;
	s18 =	sadd.s32 $0x40, s18;
	s14 =	sor.u32 $0x4000, s31;
	[tilespmem:s15+$0x1830 ss:$0x81] =	vst.msk $0xffff, v3  }
.LBB1_3:
0x34: {  	v3 =	vld [tilespmem:s18+$0x10];
	p1 =	sne.s32 s17, $0x1FC;
	[tilespmem:s15+$0x810 ss:$0x81] =	vst.msk $0xffff, v2;
	s19 =	smov.u32 s17;
	s17 =	sadd.s32 $0x4, s17  }
.Ltmp3:
0x35: {  	v2 =	vld [tilespmem:s18+$0xFFFFFFF0];
	[tilespmem:s15+$0x1020 ss:$0x81] =	vst.msk $0xffff, v0;
	(pc) =	sbr.rel @p1 .LBB1_3-.Ltmp3, $4  }
0x36: {  	v0 =	vld [tilespmem:s18+$0x0];
	[tilespmem:s15+$0x0 ss:$0x81] =	vst.msk $0xffff, v1  }
0x37: {  	s15 =	sshra.s32 s19, $0x2;
	v1 =	vld [tilespmem:s18+$0xFFFFFFE0]  }
0x38: {  	s15 =	sadd.s32 s15, s16  }
0x39: {  	s18 =	sadd.s32 $0x40, s18;
	[tilespmem:s15+$0x1830 ss:$0x81] =	vst.msk $0xffff, v3  }
.Ltmp4:
0x3a: {  	_ = 	snop;
	(pc) =	sbr.rel .LBB1_4-.Ltmp4, $1  }
0x3b: {  	_ =	sdelay $0x3  }
.LBB1_6:
0x3c: {  	_ =	sfence.sel $0x180000  }
0x3d: {  	s2 =	simm.s32 $0x1;
	[bflag:$0x0] =	sbarrier.arrive $0xFFFF  }
0x3e: {  	s31 =	simm.s32 $0x2;
	[sflag:s2] =	ssyncpa.u1 $0x1  }
0x3f: {  	[sflag:s31] =	ssyncpa.u1 $0x1  }
0x40: {  	p0 =	sne.s32 s0, $0x0;
	_ =	strace $0x9000004D  }
0x41: {  	s0 =	sadd.s32 @!p0 $0x100000, s1;
	[bflag:$0x2] =	sbarrier.arrive $0xFFFF  }
0x42: {  	[sflag:s0] =	ssyncadd.tile.s32 @!p0 $0x1;
	_ =	shalt  }
.Lfunc_end1:
_tile_overlayer_lowered:
.L_overlay_start_2:
0x43: {  	(tag) =	ssettag $0x2  }
0x44: {  	s0 =	rddreg [dreg:$0x0];
	s2 =	stileid.u32  }
0x45: {  	s1 =	rddreg [dreg:$0x1];
	p0 =	sne.s32 s2, $0x0  }
0x46: {  	s3 =	rddreg [dreg:$0x2];
	[bflag:$0x3] =	sbarrier.arrive $0xFFFF;
	s2 =	simm.s32 @!p0 $0x1C01  }
0x47: {  	[timem:s3], [sflag:s2] =	dma.local @!p0 [hbm:s0], s1  }
0x48: {  	s0 =	simm.s32 @!p0 $0x1  }
0x49: {  	_ =	swait.ge @!p0 [sflag:s0], s1  }
0x4a: {  	s1 =	ssub.s32 @!p0 $0x0, s1;
	[sflag:s0] =	ssyncset.done @!p0 $0x0  }
0x4b: {  	[sflag:s0] =	ssyncadd.s32 @!p0 s1  }
0x4c: {  	[bflag:$0x3] =	sbarrier.arrive $0xFFFF  }
0x4d: {  	_ =	shalt  }

</sc_bundles>
